<compile_context>
chip_gen: v7x
topology: tpu7x:2x2x1
jax: 0.10.2.dev20260603
libtpu: 0.0.44.dev20260713+nightly
codegen_flags: <defaults>
</compile_context>

<pallas_src>
import jax
import jax.numpy as jnp
from jax import lax
from jax.experimental import pallas as pl
from jax.experimental.pallas import tpu as pltpu
from jax.experimental.pallas import tpu_sc as plsc

_NQ = 256
_B = 8
_T = 8192
_NW = 32
_WPB = _NW // _B
_TW = _T // _WPB
_TB = 128
_NCHUNK = _TW // _TB


_NBUF = 3


def _sc_body(idx_hbm, out_hbm, idx_v, buf0, buf1, buf2, sem0, sem1, sem2, isem):
    nc = 2
    wid = lax.axis_index("s") * nc + lax.axis_index("c")
    b = wid // _WPB
    tbase = (wid % _WPB) * _TW

    idx_cp = pltpu.make_async_copy(idx_hbm.at[b, pl.ds(tbase, _TW)], idx_v, isem)
    idx_cp.start()

    zeros16 = jnp.zeros((16,), jnp.float32)
    ones16 = jnp.ones((16,), jnp.float32)
    iota16 = lax.iota(jnp.int32, 16)

    bufs = (buf0, buf1, buf2)
    sems = (sem0, sem1, sem2)

    def _zero(buf):
        @plsc.parallel_loop(0, _NQ, 1, unroll=4)
        def _zbody(r):
            for j in range(_TB // 16):
                buf[r, pl.ds(j * 16, 16)] = zeros16

    def _load_idxs(c):
        return [idx_v[pl.ds(c * _TB + j * 16, 16)] for j in range(_TB // 16)]

    def _scatter(buf, idxs, vals):
        for j in range(_TB // 16):
            col = iota16 + (j * 16)
            plsc.store_scatter(buf, [idxs[j], col], vals)

    copies = [None] * _NBUF
    live_idxs = [None] * _NBUF
    for c in range(_NCHUNK):
        k = c % _NBUF
        buf = bufs[k]
        if c < _NBUF:
            _zero(buf)
            if c == 0:
                idx_cp.wait()
        else:
            copies[k].wait()
            _scatter(buf, live_idxs[k], zeros16)
        idxs = _load_idxs(c)
        _scatter(buf, idxs, ones16)
        live_idxs[k] = idxs
        cp = pltpu.make_async_copy(
            buf, out_hbm.at[b, :, pl.ds(tbase + c * _TB, _TB)], sems[k]
        )
        cp.start()
        copies[k] = cp
    for cp in copies:
        cp.wait()


def kernel(in_snd_slice, quant_onehot):
    idx = in_snd_slice.astype(jnp.int32)
    sc = pl.kernel(
        _sc_body,
        mesh=plsc.VectorSubcoreMesh(core_axis_name="c", subcore_axis_name="s"),
        out_type=jax.ShapeDtypeStruct((_B, _NQ, _T), jnp.float32),
        scratch_types=[
            pltpu.VMEM((_TW,), jnp.int32),
            pltpu.VMEM((_NQ, _TB), jnp.float32),
            pltpu.VMEM((_NQ, _TB), jnp.float32),
            pltpu.VMEM((_NQ, _TB), jnp.float32),
            pltpu.SemaphoreType.DMA,
            pltpu.SemaphoreType.DMA,
            pltpu.SemaphoreType.DMA,
            pltpu.SemaphoreType.DMA,
        ],
        compiler_params=pltpu.CompilerParams(needs_layout_passes=False),
    )
    return sc(idx)

# --- scband reference (transcript-rebuilt; emitter-appended) ---
"""Pipeline reference for scband-pre-process-26886495273507 (READ-ONLY COPY).

The authoritative reference and input builder live on the scoring server;
editing this copy changes nothing except your own understanding.
"""

import jax, jax.numpy as jnp
import numpy as np

N_QUANT = 256
B = 8
T = 8192


def setup_inputs(seed: int = 0) -> dict:
    key = jax.random.key(seed)
    # quantized mu-law audio codes in [0, N_QUANT)
    in_snd_slice = jax.random.randint(key, (B, T), 0, N_QUANT, dtype=jnp.int32).astype(jnp.int64)
    # registered buffer: identity matrix used as one-hot lookup table
    quant_onehot = jnp.eye(N_QUANT, dtype=jnp.float32)
    return {"in_snd_slice": in_snd_slice, "quant_onehot": quant_onehot}


def reference(in_snd_slice, quant_onehot):
    """Faithful translation of PreProcess.forward.

    util.gather_md(quant_onehot, 0, idx) gathers rows of the (Q, Q) eye along
    dim 0 with a (B, T) index, placing the remaining source dim first ->
    shape (Q, B, T); .permute(1, 0, 2) then yields (B, Q, T).
    Equivalently: take rows -> (B, T, Q), then move the one-hot axis to dim 1.
    """
    idx = in_snd_slice.astype(jnp.int32)
    gathered = jnp.take(quant_onehot, idx, axis=0)  # (B, T, Q)
    wav_one_hot = jnp.moveaxis(gathered, -1, 1)      # (B, Q, T)
    return wav_one_hot

if __name__ == "__main__":
    import jax
    _d = setup_inputs()
    print(jax.jit(kernel)(*tuple(_d.values())))

</pallas_src>

<mosaic_0001>
#map = affine_map<(d0, d1) -> (0, 0)>
#map1 = affine_map<(d0, d1) -> (0, 0, 0)>
module attributes {stable_mosaic.version = 14 : i64} {
  func.func @_sc_body(%arg0: i32, %arg1: i32, %arg2: memref<8x8192xi32, #tpu.memory_space<hbm>>, %arg3: memref<8x256x8192xf32, #tpu.memory_space<hbm>>, %arg4: memref<2048xi32, #tpu.memory_space<vmem>>, %arg5: memref<256x128xf32, #tpu.memory_space<vmem>>, %arg6: memref<256x128xf32, #tpu.memory_space<vmem>>, %arg7: memref<256x128xf32, #tpu.memory_space<vmem>>, %arg8: memref<!tpu.dma_semaphore, #tpu.memory_space<semaphore_mem>>, %arg9: memref<!tpu.dma_semaphore, #tpu.memory_space<semaphore_mem>>, %arg10: memref<!tpu.dma_semaphore, #tpu.memory_space<semaphore_mem>>, %arg11: memref<!tpu.dma_semaphore, #tpu.memory_space<semaphore_mem>>) attributes {dimension_semantics = [#tpu.dimension_semantics<core_parallel>, #tpu.dimension_semantics<subcore_parallel>], iteration_bounds = array<i64: 2, 16>, scalar_prefetch = 0 : i64, scratch_operands = 8 : i64, tpu.core_type = #tpu.core_type<sc_vector_subcore>, window_params = [{transform_indices = #map}, {transform_indices = #map1}]} {
    %mul3A = arith.constant 2 : i32
    %mul3A_0 = arith.muli %arg1, %mul3A : i32
    %add3A = arith.addi %mul3A_0, %arg0 : i32
    %jit3A = arith.constant 4 : i32
    %div3A = arith.divsi %add3A, %jit3A : i32
    %sign3A = arith.constant 0 : i32
    %sign3A_1 = arith.cmpi sgt, %add3A, %sign3A : i32
    %sign3A_2 = arith.extui %sign3A_1 : i1 to i32
    %sign3A_3 = arith.constant 0 : i32
    %sign3A_4 = arith.cmpi slt, %add3A, %sign3A_3 : i32
    %sign3A_5 = arith.extui %sign3A_4 : i1 to i32
    %sign3A_6 = arith.subi %sign3A_2, %sign3A_5 : i32
    %sign3A_7 = arith.constant 0 : i32
    %sign3A_8 = arith.cmpi sgt, %jit3A, %sign3A_7 : i32
    %sign3A_9 = arith.extui %sign3A_8 : i1 to i32
    %sign3A_10 = arith.constant 0 : i32
    %sign3A_11 = arith.cmpi slt, %jit3A, %sign3A_10 : i32
    %sign3A_12 = arith.extui %sign3A_11 : i1 to i32
    %sign3A_13 = arith.subi %sign3A_9, %sign3A_12 : i32
    %ne3A = arith.cmpi ne, %sign3A_6, %sign3A_13 : i32
    %rem3A = arith.remsi %add3A, %jit3A : i32
    %ne3A_14 = arith.constant 0 : i32
    %ne3A_15 = arith.cmpi ne, %rem3A, %ne3A_14 : i32
    %and3A = arith.andi %ne3A, %ne3A_15 : i1
    %sub3A = arith.constant 1 : i32
    %sub3A_16 = arith.subi %div3A, %sub3A : i32
    %select_n3A = arith.select %and3A, %sub3A_16, %div3A : i32
    %jit3A_17 = arith.constant 4 : i32
    %eq3A = arith.constant 0 : i32
    %eq3A_18 = arith.cmpi eq, %jit3A_17, %eq3A : i32
    %jit3A_19 = arith.constant 1 : i32
    %select_n3A_20 = arith.select %eq3A_18, %jit3A_19, %jit3A_17 : i32
    %rem3A_21 = arith.remsi %add3A, %select_n3A_20 : i32
    %ne3A_22 = arith.constant 0 : i32
    %ne3A_23 = arith.cmpi ne, %rem3A_21, %ne3A_22 : i32
    %lt3A = arith.constant 0 : i32
    %lt3A_24 = arith.cmpi slt, %rem3A_21, %lt3A : i32
    %lt3A_25 = arith.constant 0 : i32
    %lt3A_26 = arith.cmpi slt, %select_n3A_20, %lt3A_25 : i32
    %ne3A_27 = arith.xori %lt3A_24, %lt3A_26 : i1
    %and3A_28 = arith.andi %ne3A_27, %ne3A_23 : i1
    %add3A_29 = arith.addi %rem3A_21, %select_n3A_20 : i32
    %select_n3A_30 = arith.select %and3A_28, %add3A_29, %rem3A_21 : i32
    %mul3A_31 = arith.constant 2048 : i32
    %mul3A_32 = arith.muli %select_n3A_30, %mul3A_31 : i32
    %dma_start3A = tpu.memref_slice %arg2[%select_n3A, %mul3A_32] : memref<8x8192xi32, #tpu.memory_space<hbm>> -> memref<1x2048xi32, #tpu.memory_space<hbm>>
    %dma_start3A_33 = tpu.memref_squeeze %dma_start3A : memref<1x2048xi32, #tpu.memory_space<hbm>> -> memref<2048xi32, #tpu.memory_space<hbm>>
    %dma_start3A_34 = tpu.memref_slice %arg2[%select_n3A, %mul3A_32] : memref<8x8192xi32, #tpu.memory_space<hbm>> -> memref<1x2048xi32, #tpu.memory_space<hbm>>
    %dma_start3A_35 = tpu.memref_squeeze %dma_start3A_34 : memref<1x2048xi32, #tpu.memory_space<hbm>> -> memref<2048xi32, #tpu.memory_space<hbm>>
    tpu.enqueue_dma source(%dma_start3A_35 : memref<2048xi32, #tpu.memory_space<hbm>>) target(%arg4 : memref<2048xi32, #tpu.memory_space<vmem>>) target_semaphore(%arg11 : memref<!tpu.dma_semaphore, #tpu.memory_space<semaphore_mem>>)
    %broadcast_in_dim3A = arith.constant 0.000000e+00 : f32
    %broadcast_in_dim3A_36 = vector.broadcast %broadcast_in_dim3A : f32 to vector<16xf32>
    %broadcast_in_dim3A_37 = arith.constant 1.000000e+00 : f32
    %broadcast_in_dim3A_38 = vector.broadcast %broadcast_in_dim3A_37 : f32 to vector<16xf32>
    %iota3A = tpu.iota {dimensions = array<i32: 0>} : vector<16xi32>
    %parallel_loop3A = arith.constant 0 : i32
    %parallel_loop3A_39 = arith.constant 256 : i32
    %parallel_loop3A_40 = arith.constant 1 : i32
    scf.for %parallel_loop3A_1225 = %parallel_loop3A to %parallel_loop3A_39 step %parallel_loop3A_40  : i32 {
      %parallel_loop3A_1226 = arith.index_cast %parallel_loop3A_1225 : i32 to index
      %parallel_loop3A_1227 = arith.constant 0 : index
      %parallel_loop3A_1228 = tpu.vector_load %arg5[%parallel_loop3A_1226, %parallel_loop3A_1227] {strides = array<i32>} : memref<256x128xf32, #tpu.memory_space<vmem>>, vector<16xf32>,
      tpu.vector_store %arg5[%parallel_loop3A_1226, %parallel_loop3A_1227], %broadcast_in_dim3A_36 {strides = array<i32>} : memref<256x128xf32, #tpu.memory_space<vmem>>, vector<16xf32>,
      %parallel_loop3A_1229 = arith.index_cast %parallel_loop3A_1225 : i32 to index
      %parallel_loop3A_1230 = arith.constant 16 : index
      %parallel_loop3A_1231 = tpu.vector_load %arg5[%parallel_loop3A_1229, %parallel_loop3A_1230] {strides = array<i32>} : memref<256x128xf32, #tpu.memory_space<vmem>>, vector<16xf32>,
      tpu.vector_store %arg5[%parallel_loop3A_1229, %parallel_loop3A_1230], %broadcast_in_dim3A_36 {strides = array<i32>} : memref<256x128xf32, #tpu.memory_space<vmem>>, vector<16xf32>,
      %parallel_loop3A_1232 = arith.index_cast %parallel_loop3A_1225 : i32 to index
      %parallel_loop3A_1233 = arith.constant 32 : index
      %parallel_loop3A_1234 = tpu.vector_load %arg5[%parallel_loop3A_1232, %parallel_loop3A_1233] {strides = array<i32>} : memref<256x128xf32, #tpu.memory_space<vmem>>, vector<16xf32>,
      tpu.vector_store %arg5[%parallel_loop3A_1232, %parallel_loop3A_1233], %broadcast_in_dim3A_36 {strides = array<i32>} : memref<256x128xf32, #tpu.memory_space<vmem>>, vector<16xf32>,
      %parallel_loop3A_1235 = arith.index_cast %parallel_loop3A_1225 : i32 to index
      %parallel_loop3A_1236 = arith.constant 48 : index
      %parallel_loop3A_1237 = tpu.vector_load %arg5[%parallel_loop3A_1235, %parallel_loop3A_1236] {strides = array<i32>} : memref<256x128xf32, #tpu.memory_space<vmem>>, vector<16xf32>,
      tpu.vector_store %arg5[%parallel_loop3A_1235, %parallel_loop3A_1236], %broadcast_in_dim3A_36 {strides = array<i32>} : memref<256x128xf32, #tpu.memory_space<vmem>>, vector<16xf32>,
      %parallel_loop3A_1238 = arith.index_cast %parallel_loop3A_1225 : i32 to index
      %parallel_loop3A_1239 = arith.constant 64 : index
      %parallel_loop3A_1240 = tpu.vector_load %arg5[%parallel_loop3A_1238, %parallel_loop3A_1239] {strides = array<i32>} : memref<256x128xf32, #tpu.memory_space<vmem>>, vector<16xf32>,
      tpu.vector_store %arg5[%parallel_loop3A_1238, %parallel_loop3A_1239], %broadcast_in_dim3A_36 {strides = array<i32>} : memref<256x128xf32, #tpu.memory_space<vmem>>, vector<16xf32>,
      %parallel_loop3A_1241 = arith.index_cast %parallel_loop3A_1225 : i32 to index
      %parallel_loop3A_1242 = arith.constant 80 : index
      %parallel_loop3A_1243 = tpu.vector_load %arg5[%parallel_loop3A_1241, %parallel_loop3A_1242] {strides = array<i32>} : memref<256x128xf32, #tpu.memory_space<vmem>>, vector<16xf32>,
      tpu.vector_store %arg5[%parallel_loop3A_1241, %parallel_loop3A_1242], %broadcast_in_dim3A_36 {strides = array<i32>} : memref<256x128xf32, #tpu.memory_space<vmem>>, vector<16xf32>,
      %parallel_loop3A_1244 = arith.index_cast %parallel_loop3A_1225 : i32 to index
      %parallel_loop3A_1245 = arith.constant 96 : index
      %parallel_loop3A_1246 = tpu.vector_load %arg5[%parallel_loop3A_1244, %parallel_loop3A_1245] {strides = array<i32>} : memref<256x128xf32, #tpu.memory_space<vmem>>, vector<16xf32>,
      tpu.vector_store %arg5[%parallel_loop3A_1244, %parallel_loop3A_1245], %broadcast_in_dim3A_36 {strides = array<i32>} : memref<256x128xf32, #tpu.memory_space<vmem>>, vector<16xf32>,
      %parallel_loop3A_1247 = arith.index_cast %parallel_loop3A_1225 : i32 to index
      %parallel_loop3A_1248 = arith.constant 112 : index
      %parallel_loop3A_1249 = tpu.vector_load %arg5[%parallel_loop3A_1247, %parallel_loop3A_1248] {strides = array<i32>} : memref<256x128xf32, #tpu.memory_space<vmem>>, vector<16xf32>,
      tpu.vector_store %arg5[%parallel_loop3A_1247, %parallel_loop3A_1248], %broadcast_in_dim3A_36 {strides = array<i32>} : memref<256x128xf32, #tpu.memory_space<vmem>>, vector<16xf32>,
    } {sc.loop_unroll_factor = 4 : i64, sc.parallel_access}
    %dma_wait3A = tpu.memref_slice %arg2[%select_n3A, %mul3A_32] : memref<8x8192xi32, #tpu.memory_space<hbm>> -> memref<1x2048xi32, #tpu.memory_space<hbm>>
    %dma_wait3A_41 = tpu.memref_squeeze %dma_wait3A : memref<1x2048xi32, #tpu.memory_space<hbm>> -> memref<2048xi32, #tpu.memory_space<hbm>>
    %dma_wait3A_42 = tpu.memref_slice %arg2[%select_n3A, %mul3A_32] : memref<8x8192xi32, #tpu.memory_space<hbm>> -> memref<1x2048xi32, #tpu.memory_space<hbm>>
    %dma_wait3A_43 = tpu.memref_squeeze %dma_wait3A_42 : memref<1x2048xi32, #tpu.memory_space<hbm>> -> memref<2048xi32, #tpu.memory_space<hbm>>
    tpu.wait_dma2 semaphore(%arg11 : memref<!tpu.dma_semaphore, #tpu.memory_space<semaphore_mem>>) src(%dma_wait3A_43 : memref<2048xi32, #tpu.memory_space<hbm>>) dst(%arg4 : memref<2048xi32, #tpu.memory_space<vmem>>)
    %get3A = arith.constant 0 : index
    %get3A_44 = tpu.vector_load %arg4[%get3A] {strides = array<i32>} : memref<2048xi32, #tpu.memory_space<vmem>>, vector<16xi32>,
    %get3A_45 = arith.constant 16 : index
    %get3A_46 = tpu.vector_load %arg4[%get3A_45] {strides = array<i32>} : memref<2048xi32, #tpu.memory_space<vmem>>, vector<16xi32>,
    %get3A_47 = arith.constant 32 : index
    %get3A_48 = tpu.vector_load %arg4[%get3A_47] {strides = array<i32>} : memref<2048xi32, #tpu.memory_space<vmem>>, vector<16xi32>,
    %get3A_49 = arith.constant 48 : index
    %get3A_50 = tpu.vector_load %arg4[%get3A_49] {strides = array<i32>} : memref<2048xi32, #tpu.memory_space<vmem>>, vector<16xi32>,
    %get3A_51 = arith.constant 64 : index
    %get3A_52 = tpu.vector_load %arg4[%get3A_51] {strides = array<i32>} : memref<2048xi32, #tpu.memory_space<vmem>>, vector<16xi32>,
    %get3A_53 = arith.constant 80 : index
    %get3A_54 = tpu.vector_load %arg4[%get3A_53] {strides = array<i32>} : memref<2048xi32, #tpu.memory_space<vmem>>, vector<16xi32>,
    %get3A_55 = arith.constant 96 : index
    %get3A_56 = tpu.vector_load %arg4[%get3A_55] {strides = array<i32>} : memref<2048xi32, #tpu.memory_space<vmem>>, vector<16xi32>,
    %get3A_57 = arith.constant 112 : index
    %get3A_58 = tpu.vector_load %arg4[%get3A_57] {strides = array<i32>} : memref<2048xi32, #tpu.memory_space<vmem>>, vector<16xi32>,
    %add3A_59 = arith.constant 0 : i32
    %add3A_60 = vector.broadcast %add3A_59 : i32 to vector<16xi32>
    %add3A_61 = arith.addi %iota3A, %add3A_60 : vector<16xi32>
    tpu.vector_store_idx %arg5[%get3A_44, %add3A_61], %broadcast_in_dim3A_38 : memref<256x128xf32, #tpu.memory_space<vmem>>[vector<16xi32>, vector<16xi32>], vector<16xf32>,
    %add3A_62 = arith.constant 16 : i32
    %add3A_63 = vector.broadcast %add3A_62 : i32 to vector<16xi32>
    %add3A_64 = arith.addi %iota3A, %add3A_63 : vector<16xi32>
    tpu.vector_store_idx %arg5[%get3A_46, %add3A_64], %broadcast_in_dim3A_38 : memref<256x128xf32, #tpu.memory_space<vmem>>[vector<16xi32>, vector<16xi32>], vector<16xf32>,
    %add3A_65 = arith.constant 32 : i32
    %add3A_66 = vector.broadcast %add3A_65 : i32 to vector<16xi32>
    %add3A_67 = arith.addi %iota3A, %add3A_66 : vector<16xi32>
    tpu.vector_store_idx %arg5[%get3A_48, %add3A_67], %broadcast_in_dim3A_38 : memref<256x128xf32, #tpu.memory_space<vmem>>[vector<16xi32>, vector<16xi32>], vector<16xf32>,
    %add3A_68 = arith.constant 48 : i32
    %add3A_69 = vector.broadcast %add3A_68 : i32 to vector<16xi32>
    %add3A_70 = arith.addi %iota3A, %add3A_69 : vector<16xi32>
    tpu.vector_store_idx %arg5[%get3A_50, %add3A_70], %broadcast_in_dim3A_38 : memref<256x128xf32, #tpu.memory_space<vmem>>[vector<16xi32>, vector<16xi32>], vector<16xf32>,
    %add3A_71 = arith.constant 64 : i32
    %add3A_72 = vector.broadcast %add3A_71 : i32 to vector<16xi32>
    %add3A_73 = arith.addi %iota3A, %add3A_72 : vector<16xi32>
    tpu.vector_store_idx %arg5[%get3A_52, %add3A_73], %broadcast_in_dim3A_38 : memref<256x128xf32, #tpu.memory_space<vmem>>[vector<16xi32>, vector<16xi32>], vector<16xf32>,
    %add3A_74 = arith.constant 80 : i32
    %add3A_75 = vector.broadcast %add3A_74 : i32 to vector<16xi32>
    %add3A_76 = arith.addi %iota3A, %add3A_75 : vector<16xi32>
    tpu.vector_store_idx %arg5[%get3A_54, %add3A_76], %broadcast_in_dim3A_38 : memref<256x128xf32, #tpu.memory_space<vmem>>[vector<16xi32>, vector<16xi32>], vector<16xf32>,
    %add3A_77 = arith.constant 96 : i32
    %add3A_78 = vector.broadcast %add3A_77 : i32 to vector<16xi32>
    %add3A_79 = arith.addi %iota3A, %add3A_78 : vector<16xi32>
    tpu.vector_store_idx %arg5[%get3A_56, %add3A_79], %broadcast_in_dim3A_38 : memref<256x128xf32, #tpu.memory_space<vmem>>[vector<16xi32>, vector<16xi32>], vector<16xf32>,
    %add3A_80 = arith.constant 112 : i32
    %add3A_81 = vector.broadcast %add3A_80 : i32 to vector<16xi32>
    %add3A_82 = arith.addi %iota3A, %add3A_81 : vector<16xi32>
    tpu.vector_store_idx %arg5[%get3A_58, %add3A_82], %broadcast_in_dim3A_38 : memref<256x128xf32, #tpu.memory_space<vmem>>[vector<16xi32>, vector<16xi32>], vector<16xf32>,
    %add3A_83 = arith.constant 0 : i32
    %add3A_84 = arith.addi %mul3A_32, %add3A_83 : i32
    %dma_start3A_85 = arith.constant 0 : i32
    %dma_start3A_86 = tpu.memref_slice %arg3[%select_n3A, %dma_start3A_85, %add3A_84] : memref<8x256x8192xf32, #tpu.memory_space<hbm>> -> memref<1x256x128xf32, #tpu.memory_space<hbm>>
    %dma_start3A_87 = tpu.memref_squeeze %dma_start3A_86 : memref<1x256x128xf32, #tpu.memory_space<hbm>> -> memref<256x128xf32, #tpu.memory_space<hbm>>
    %dma_start3A_88 = arith.constant 0 : i32
    %dma_start3A_89 = tpu.memref_slice %arg3[%select_n3A, %dma_start3A_88, %add3A_84] : memref<8x256x8192xf32, #tpu.memory_space<hbm>> -> memref<1x256x128xf32, #tpu.memory_space<hbm>>
    %dma_start3A_90 = tpu.memref_squeeze %dma_start3A_89 : memref<1x256x128xf32, #tpu.memory_space<hbm>> -> memref<256x128xf32, #tpu.memory_space<hbm>>
    tpu.enqueue_dma source(%arg5 : memref<256x128xf32, #tpu.memory_space<vmem>>) target(%dma_start3A_90 : memref<256x128xf32, #tpu.memory_space<hbm>>) target_semaphore(%arg8 : memref<!tpu.dma_semaphore, #tpu.memory_space<semaphore_mem>>)
    %parallel_loop3A_91 = arith.constant 0 : i32
    %parallel_loop3A_92 = arith.constant 256 : i32
    %parallel_loop3A_93 = arith.constant 1 : i32
    scf.for %parallel_loop3A_1225 = %parallel_loop3A_91 to %parallel_loop3A_92 step %parallel_loop3A_93  : i32 {
      %parallel_loop3A_1226 = arith.index_cast %parallel_loop3A_1225 : i32 to index
      %parallel_loop3A_1227 = arith.constant 0 : index
      %parallel_loop3A_1228 = tpu.vector_load %arg6[%parallel_loop3A_1226, %parallel_loop3A_1227] {strides = array<i32>} : memref<256x128xf32, #tpu.memory_space<vmem>>, vector<16xf32>,
      tpu.vector_store %arg6[%parallel_loop3A_1226, %parallel_loop3A_1227], %broadcast_in_dim3A_36 {strides = array<i32>} : memref<256x128xf32, #tpu.memory_space<vmem>>, vector<16xf32>,
      %parallel_loop3A_1229 = arith.index_cast %parallel_loop3A_1225 : i32 to index
      %parallel_loop3A_1230 = arith.constant 16 : index
      %parallel_loop3A_1231 = tpu.vector_load %arg6[%parallel_loop3A_1229, %parallel_loop3A_1230] {strides = array<i32>} : memref<256x128xf32, #tpu.memory_space<vmem>>, vector<16xf32>,
      tpu.vector_store %arg6[%parallel_loop3A_1229, %parallel_loop3A_1230], %broadcast_in_dim3A_36 {strides = array<i32>} : memref<256x128xf32, #tpu.memory_space<vmem>>, vector<16xf32>,
      %parallel_loop3A_1232 = arith.index_cast %parallel_loop3A_1225 : i32 to index
      %parallel_loop3A_1233 = arith.constant 32 : index
      %parallel_loop3A_1234 = tpu.vector_load %arg6[%parallel_loop3A_1232, %parallel_loop3A_1233] {strides = array<i32>} : memref<256x128xf32, #tpu.memory_space<vmem>>, vector<16xf32>,
      tpu.vector_store %arg6[%parallel_loop3A_1232, %parallel_loop3A_1233], %broadcast_in_dim3A_36 {strides = array<i32>} : memref<256x128xf32, #tpu.memory_space<vmem>>, vector<16xf32>,
      %parallel_loop3A_1235 = arith.index_cast %parallel_loop3A_1225 : i32 to index
      %parallel_loop3A_1236 = arith.constant 48 : index
      %parallel_loop3A_1237 = tpu.vector_load %arg6[%parallel_loop3A_1235, %parallel_loop3A_1236] {strides = array<i32>} : memref<256x128xf32, #tpu.memory_space<vmem>>, vector<16xf32>,
      tpu.vector_store %arg6[%parallel_loop3A_1235, %parallel_loop3A_1236], %broadcast_in_dim3A_36 {strides = array<i32>} : memref<256x128xf32, #tpu.memory_space<vmem>>, vector<16xf32>,
      %parallel_loop3A_1238 = arith.index_cast %parallel_loop3A_1225 : i32 to index
      %parallel_loop3A_1239 = arith.constant 64 : index
      %parallel_loop3A_1240 = tpu.vector_load %arg6[%parallel_loop3A_1238, %parallel_loop3A_1239] {strides = array<i32>} : memref<256x128xf32, #tpu.memory_space<vmem>>, vector<16xf32>,
      tpu.vector_store %arg6[%parallel_loop3A_1238, %parallel_loop3A_1239], %broadcast_in_dim3A_36 {strides = array<i32>} : memref<256x128xf32, #tpu.memory_space<vmem>>, vector<16xf32>,
      %parallel_loop3A_1241 = arith.index_cast %parallel_loop3A_1225 : i32 to index
      %parallel_loop3A_1242 = arith.constant 80 : index
      %parallel_loop3A_1243 = tpu.vector_load %arg6[%parallel_loop3A_1241, %parallel_loop3A_1242] {strides = array<i32>} : memref<256x128xf32, #tpu.memory_space<vmem>>, vector<16xf32>,
      tpu.vector_store %arg6[%parallel_loop3A_1241, %parallel_loop3A_1242], %broadcast_in_dim3A_36 {strides = array<i32>} : memref<256x128xf32, #tpu.memory_space<vmem>>, vector<16xf32>,
      %parallel_loop3A_1244 = arith.index_cast %parallel_loop3A_1225 : i32 to index
      %parallel_loop3A_1245 = arith.constant 96 : index
      %parallel_loop3A_1246 = tpu.vector_load %arg6[%parallel_loop3A_1244, %parallel_loop3A_1245] {strides = array<i32>} : memref<256x128xf32, #tpu.memory_space<vmem>>, vector<16xf32>,
      tpu.vector_store %arg6[%parallel_loop3A_1244, %parallel_loop3A_1245], %broadcast_in_dim3A_36 {strides = array<i32>} : memref<256x128xf32, #tpu.memory_space<vmem>>, vector<16xf32>,
      %parallel_loop3A_1247 = arith.index_cast %parallel_loop3A_1225 : i32 to index
      %parallel_loop3A_1248 = arith.constant 112 : index
      %parallel_loop3A_1249 = tpu.vector_load %arg6[%parallel_loop3A_1247, %parallel_loop3A_1248] {strides = array<i32>} : memref<256x128xf32, #tpu.memory_space<vmem>>, vector<16xf32>,
      tpu.vector_store %arg6[%parallel_loop3A_1247, %parallel_loop3A_1248], %broadcast_in_dim3A_36 {strides = array<i32>} : memref<256x128xf32, #tpu.memory_space<vmem>>, vector<16xf32>,
    } {sc.loop_unroll_factor = 4 : i64, sc.parallel_access}
    %get3A_94 = arith.constant 128 : index
    %get3A_95 = tpu.vector_load %arg4[%get3A_94] {strides = array<i32>} : memref<2048xi32, #tpu.memory_space<vmem>>, vector<16xi32>,
    %get3A_96 = arith.constant 144 : index
    %get3A_97 = tpu.vector_load %arg4[%get3A_96] {strides = array<i32>} : memref<2048xi32, #tpu.memory_space<vmem>>, vector<16xi32>,
    %get3A_98 = arith.constant 160 : index
    %get3A_99 = tpu.vector_load %arg4[%get3A_98] {strides = array<i32>} : memref<2048xi32, #tpu.memory_space<vmem>>, vector<16xi32>,
    %get3A_100 = arith.constant 176 : index
    %get3A_101 = tpu.vector_load %arg4[%get3A_100] {strides = array<i32>} : memref<2048xi32, #tpu.memory_space<vmem>>, vector<16xi32>,
    %get3A_102 = arith.constant 192 : index
    %get3A_103 = tpu.vector_load %arg4[%get3A_102] {strides = array<i32>} : memref<2048xi32, #tpu.memory_space<vmem>>, vector<16xi32>,
    %get3A_104 = arith.constant 208 : index
    %get3A_105 = tpu.vector_load %arg4[%get3A_104] {strides = array<i32>} : memref<2048xi32, #tpu.memory_space<vmem>>, vector<16xi32>,
    %get3A_106 = arith.constant 224 : index
    %get3A_107 = tpu.vector_load %arg4[%get3A_106] {strides = array<i32>} : memref<2048xi32, #tpu.memory_space<vmem>>, vector<16xi32>,
    %get3A_108 = arith.constant 240 : index
    %get3A_109 = tpu.vector_load %arg4[%get3A_108] {strides = array<i32>} : memref<2048xi32, #tpu.memory_space<vmem>>, vector<16xi32>,
    %add3A_110 = arith.constant 0 : i32
    %add3A_111 = vector.broadcast %add3A_110 : i32 to vector<16xi32>
    %add3A_112 = arith.addi %iota3A, %add3A_111 : vector<16xi32>
    tpu.vector_store_idx %arg6[%get3A_95, %add3A_112], %broadcast_in_dim3A_38 : memref<256x128xf32, #tpu.memory_space<vmem>>[vector<16xi32>, vector<16xi32>], vector<16xf32>,
    %add3A_113 = arith.constant 16 : i32
    %add3A_114 = vector.broadcast %add3A_113 : i32 to vector<16xi32>
    %add3A_115 = arith.addi %iota3A, %add3A_114 : vector<16xi32>
    tpu.vector_store_idx %arg6[%get3A_97, %add3A_115], %broadcast_in_dim3A_38 : memref<256x128xf32, #tpu.memory_space<vmem>>[vector<16xi32>, vector<16xi32>], vector<16xf32>,
    %add3A_116 = arith.constant 32 : i32
    %add3A_117 = vector.broadcast %add3A_116 : i32 to vector<16xi32>
    %add3A_118 = arith.addi %iota3A, %add3A_117 : vector<16xi32>
    tpu.vector_store_idx %arg6[%get3A_99, %add3A_118], %broadcast_in_dim3A_38 : memref<256x128xf32, #tpu.memory_space<vmem>>[vector<16xi32>, vector<16xi32>], vector<16xf32>,
    %add3A_119 = arith.constant 48 : i32
    %add3A_120 = vector.broadcast %add3A_119 : i32 to vector<16xi32>
    %add3A_121 = arith.addi %iota3A, %add3A_120 : vector<16xi32>
    tpu.vector_store_idx %arg6[%get3A_101, %add3A_121], %broadcast_in_dim3A_38 : memref<256x128xf32, #tpu.memory_space<vmem>>[vector<16xi32>, vector<16xi32>], vector<16xf32>,
    %add3A_122 = arith.constant 64 : i32
    %add3A_123 = vector.broadcast %add3A_122 : i32 to vector<16xi32>
    %add3A_124 = arith.addi %iota3A, %add3A_123 : vector<16xi32>
    tpu.vector_store_idx %arg6[%get3A_103, %add3A_124], %broadcast_in_dim3A_38 : memref<256x128xf32, #tpu.memory_space<vmem>>[vector<16xi32>, vector<16xi32>], vector<16xf32>,
    %add3A_125 = arith.constant 80 : i32
    %add3A_126 = vector.broadcast %add3A_125 : i32 to vector<16xi32>
    %add3A_127 = arith.addi %iota3A, %add3A_126 : vector<16xi32>
    tpu.vector_store_idx %arg6[%get3A_105, %add3A_127], %broadcast_in_dim3A_38 : memref<256x128xf32, #tpu.memory_space<vmem>>[vector<16xi32>, vector<16xi32>], vector<16xf32>,
    %add3A_128 = arith.constant 96 : i32
    %add3A_129 = vector.broadcast %add3A_128 : i32 to vector<16xi32>
    %add3A_130 = arith.addi %iota3A, %add3A_129 : vector<16xi32>
    tpu.vector_store_idx %arg6[%get3A_107, %add3A_130], %broadcast_in_dim3A_38 : memref<256x128xf32, #tpu.memory_space<vmem>>[vector<16xi32>, vector<16xi32>], vector<16xf32>,
    %add3A_131 = arith.constant 112 : i32
    %add3A_132 = vector.broadcast %add3A_131 : i32 to vector<16xi32>
    %add3A_133 = arith.addi %iota3A, %add3A_132 : vector<16xi32>
    tpu.vector_store_idx %arg6[%get3A_109, %add3A_133], %broadcast_in_dim3A_38 : memref<256x128xf32, #tpu.memory_space<vmem>>[vector<16xi32>, vector<16xi32>], vector<16xf32>,
    %add3A_134 = arith.constant 128 : i32
    %add3A_135 = arith.addi %mul3A_32, %add3A_134 : i32
    %dma_start3A_136 = arith.constant 0 : i32
    %dma_start3A_137 = tpu.memref_slice %arg3[%select_n3A, %dma_start3A_136, %add3A_135] : memref<8x256x8192xf32, #tpu.memory_space<hbm>> -> memref<1x256x128xf32, #tpu.memory_space<hbm>>
    %dma_start3A_138 = tpu.memref_squeeze %dma_start3A_137 : memref<1x256x128xf32, #tpu.memory_space<hbm>> -> memref<256x128xf32, #tpu.memory_space<hbm>>
    %dma_start3A_139 = arith.constant 0 : i32
    %dma_start3A_140 = tpu.memref_slice %arg3[%select_n3A, %dma_start3A_139, %add3A_135] : memref<8x256x8192xf32, #tpu.memory_space<hbm>> -> memref<1x256x128xf32, #tpu.memory_space<hbm>>
    %dma_start3A_141 = tpu.memref_squeeze %dma_start3A_140 : memref<1x256x128xf32, #tpu.memory_space<hbm>> -> memref<256x128xf32, #tpu.memory_space<hbm>>
    tpu.enqueue_dma source(%arg6 : memref<256x128xf32, #tpu.memory_space<vmem>>) target(%dma_start3A_141 : memref<256x128xf32, #tpu.memory_space<hbm>>) target_semaphore(%arg9 : memref<!tpu.dma_semaphore, #tpu.memory_space<semaphore_mem>>)
    %parallel_loop3A_142 = arith.constant 0 : i32
    %parallel_loop3A_143 = arith.constant 256 : i32
    %parallel_loop3A_144 = arith.constant 1 : i32
    scf.for %parallel_loop3A_1225 = %parallel_loop3A_142 to %parallel_loop3A_143 step %parallel_loop3A_144  : i32 {
      %parallel_loop3A_1226 = arith.index_cast %parallel_loop3A_1225 : i32 to index
      %parallel_loop3A_1227 = arith.constant 0 : index
      %parallel_loop3A_1228 = tpu.vector_load %arg7[%parallel_loop3A_1226, %parallel_loop3A_1227] {strides = array<i32>} : memref<256x128xf32, #tpu.memory_space<vmem>>, vector<16xf32>,
      tpu.vector_store %arg7[%parallel_loop3A_1226, %parallel_loop3A_1227], %broadcast_in_dim3A_36 {strides = array<i32>} : memref<256x128xf32, #tpu.memory_space<vmem>>, vector<16xf32>,
      %parallel_loop3A_1229 = arith.index_cast %parallel_loop3A_1225 : i32 to index
      %parallel_loop3A_1230 = arith.constant 16 : index
      %parallel_loop3A_1231 = tpu.vector_load %arg7[%parallel_loop3A_1229, %parallel_loop3A_1230] {strides = array<i32>} : memref<256x128xf32, #tpu.memory_space<vmem>>, vector<16xf32>,
      tpu.vector_store %arg7[%parallel_loop3A_1229, %parallel_loop3A_1230], %broadcast_in_dim3A_36 {strides = array<i32>} : memref<256x128xf32, #tpu.memory_space<vmem>>, vector<16xf32>,
      %parallel_loop3A_1232 = arith.index_cast %parallel_loop3A_1225 : i32 to index
      %parallel_loop3A_1233 = arith.constant 32 : index
      %parallel_loop3A_1234 = tpu.vector_load %arg7[%parallel_loop3A_1232, %parallel_loop3A_1233] {strides = array<i32>} : memref<256x128xf32, #tpu.memory_space<vmem>>, vector<16xf32>,
      tpu.vector_store %arg7[%parallel_loop3A_1232, %parallel_loop3A_1233], %broadcast_in_dim3A_36 {strides = array<i32>} : memref<256x128xf32, #tpu.memory_space<vmem>>, vector<16xf32>,
      %parallel_loop3A_1235 = arith.index_cast %parallel_loop3A_1225 : i32 to index
      %parallel_loop3A_1236 = arith.constant 48 : index
      %parallel_loop3A_1237 = tpu.vector_load %arg7[%parallel_loop3A_1235, %parallel_loop3A_1236] {strides = array<i32>} : memref<256x128xf32, #tpu.memory_space<vmem>>, vector<16xf32>,
      tpu.vector_store %arg7[%parallel_loop3A_1235, %parallel_loop3A_1236], %broadcast_in_dim3A_36 {strides = array<i32>} : memref<256x128xf32, #tpu.memory_space<vmem>>, vector<16xf32>,
      %parallel_loop3A_1238 = arith.index_cast %parallel_loop3A_1225 : i32 to index
      %parallel_loop3A_1239 = arith.constant 64 : index
      %parallel_loop3A_1240 = tpu.vector_load %arg7[%parallel_loop3A_1238, %parallel_loop3A_1239] {strides = array<i32>} : memref<256x128xf32, #tpu.memory_space<vmem>>, vector<16xf32>,
      tpu.vector_store %arg7[%parallel_loop3A_1238, %parallel_loop3A_1239], %broadcast_in_dim3A_36 {strides = array<i32>} : memref<256x128xf32, #tpu.memory_space<vmem>>, vector<16xf32>,
      %parallel_loop3A_1241 = arith.index_cast %parallel_loop3A_1225 : i32 to index
      %parallel_loop3A_1242 = arith.constant 80 : index
      %parallel_loop3A_1243 = tpu.vector_load %arg7[%parallel_loop3A_1241, %parallel_loop3A_1242] {strides = array<i32>} : memref<256x128xf32, #tpu.memory_space<vmem>>, vector<16xf32>,
      tpu.vector_store %arg7[%parallel_loop3A_1241, %parallel_loop3A_1242], %broadcast_in_dim3A_36 {strides = array<i32>} : memref<256x128xf32, #tpu.memory_space<vmem>>, vector<16xf32>,
      %parallel_loop3A_1244 = arith.index_cast %parallel_loop3A_1225 : i32 to index
      %parallel_loop3A_1245 = arith.constant 96 : index
      %parallel_loop3A_1246 = tpu.vector_load %arg7[%parallel_loop3A_1244, %parallel_loop3A_1245] {strides = array<i32>} : memref<256x128xf32, #tpu.memory_space<vmem>>, vector<16xf32>,
      tpu.vector_store %arg7[%parallel_loop3A_1244, %parallel_loop3A_1245], %broadcast_in_dim3A_36 {strides = array<i32>} : memref<256x128xf32, #tpu.memory_space<vmem>>, vector<16xf32>,
      %parallel_loop3A_1247 = arith.index_cast %parallel_loop3A_1225 : i32 to index
      %parallel_loop3A_1248 = arith.constant 112 : index
      %parallel_loop3A_1249 = tpu.vector_load %arg7[%parallel_loop3A_1247, %parallel_loop3A_1248] {strides = array<i32>} : memref<256x128xf32, #tpu.memory_space<vmem>>, vector<16xf32>,
      tpu.vector_store %arg7[%parallel_loop3A_1247, %parallel_loop3A_1248], %broadcast_in_dim3A_36 {strides = array<i32>} : memref<256x128xf32, #tpu.memory_space<vmem>>, vector<16xf32>,
    } {sc.loop_unroll_factor = 4 : i64, sc.parallel_access}
    %get3A_145 = arith.constant 256 : index
    %get3A_146 = tpu.vector_load %arg4[%get3A_145] {strides = array<i32>} : memref<2048xi32, #tpu.memory_space<vmem>>, vector<16xi32>,
    %get3A_147 = arith.constant 272 : index
    %get3A_148 = tpu.vector_load %arg4[%get3A_147] {strides = array<i32>} : memref<2048xi32, #tpu.memory_space<vmem>>, vector<16xi32>,
    %get3A_149 = arith.constant 288 : index
    %get3A_150 = tpu.vector_load %arg4[%get3A_149] {strides = array<i32>} : memref<2048xi32, #tpu.memory_space<vmem>>, vector<16xi32>,
    %get3A_151 = arith.constant 304 : index
    %get3A_152 = tpu.vector_load %arg4[%get3A_151] {strides = array<i32>} : memref<2048xi32, #tpu.memory_space<vmem>>, vector<16xi32>,
    %get3A_153 = arith.constant 320 : index
    %get3A_154 = tpu.vector_load %arg4[%get3A_153] {strides = array<i32>} : memref<2048xi32, #tpu.memory_space<vmem>>, vector<16xi32>,
    %get3A_155 = arith.constant 336 : index
    %get3A_156 = tpu.vector_load %arg4[%get3A_155] {strides = array<i32>} : memref<2048xi32, #tpu.memory_space<vmem>>, vector<16xi32>,
    %get3A_157 = arith.constant 352 : index
    %get3A_158 = tpu.vector_load %arg4[%get3A_157] {strides = array<i32>} : memref<2048xi32, #tpu.memory_space<vmem>>, vector<16xi32>,
    %get3A_159 = arith.constant 368 : index
    %get3A_160 = tpu.vector_load %arg4[%get3A_159] {strides = array<i32>} : memref<2048xi32, #tpu.memory_space<vmem>>, vector<16xi32>,
    %add3A_161 = arith.constant 0 : i32
    %add3A_162 = vector.broadcast %add3A_161 : i32 to vector<16xi32>
    %add3A_163 = arith.addi %iota3A, %add3A_162 : vector<16xi32>
    tpu.vector_store_idx %arg7[%get3A_146, %add3A_163], %broadcast_in_dim3A_38 : memref<256x128xf32, #tpu.memory_space<vmem>>[vector<16xi32>, vector<16xi32>], vector<16xf32>,
    %add3A_164 = arith.constant 16 : i32
    %add3A_165 = vector.broadcast %add3A_164 : i32 to vector<16xi32>
    %add3A_166 = arith.addi %iota3A, %add3A_165 : vector<16xi32>
    tpu.vector_store_idx %arg7[%get3A_148, %add3A_166], %broadcast_in_dim3A_38 : memref<256x128xf32, #tpu.memory_space<vmem>>[vector<16xi32>, vector<16xi32>], vector<16xf32>,
    %add3A_167 = arith.constant 32 : i32
    %add3A_168 = vector.broadcast %add3A_167 : i32 to vector<16xi32>
    %add3A_169 = arith.addi %iota3A, %add3A_168 : vector<16xi32>
    tpu.vector_store_idx %arg7[%get3A_150, %add3A_169], %broadcast_in_dim3A_38 : memref<256x128xf32, #tpu.memory_space<vmem>>[vector<16xi32>, vector<16xi32>], vector<16xf32>,
    %add3A_170 = arith.constant 48 : i32
    %add3A_171 = vector.broadcast %add3A_170 : i32 to vector<16xi32>
    %add3A_172 = arith.addi %iota3A, %add3A_171 : vector<16xi32>
    tpu.vector_store_idx %arg7[%get3A_152, %add3A_172], %broadcast_in_dim3A_38 : memref<256x128xf32, #tpu.memory_space<vmem>>[vector<16xi32>, vector<16xi32>], vector<16xf32>,
    %add3A_173 = arith.constant 64 : i32
    %add3A_174 = vector.broadcast %add3A_173 : i32 to vector<16xi32>
    %add3A_175 = arith.addi %iota3A, %add3A_174 : vector<16xi32>
    tpu.vector_store_idx %arg7[%get3A_154, %add3A_175], %broadcast_in_dim3A_38 : memref<256x128xf32, #tpu.memory_space<vmem>>[vector<16xi32>, vector<16xi32>], vector<16xf32>,
    %add3A_176 = arith.constant 80 : i32
    %add3A_177 = vector.broadcast %add3A_176 : i32 to vector<16xi32>
    %add3A_178 = arith.addi %iota3A, %add3A_177 : vector<16xi32>
    tpu.vector_store_idx %arg7[%get3A_156, %add3A_178], %broadcast_in_dim3A_38 : memref<256x128xf32, #tpu.memory_space<vmem>>[vector<16xi32>, vector<16xi32>], vector<16xf32>,
    %add3A_179 = arith.constant 96 : i32
    %add3A_180 = vector.broadcast %add3A_179 : i32 to vector<16xi32>
    %add3A_181 = arith.addi %iota3A, %add3A_180 : vector<16xi32>
    tpu.vector_store_idx %arg7[%get3A_158, %add3A_181], %broadcast_in_dim3A_38 : memref<256x128xf32, #tpu.memory_space<vmem>>[vector<16xi32>, vector<16xi32>], vector<16xf32>,
    %add3A_182 = arith.constant 112 : i32
    %add3A_183 = vector.broadcast %add3A_182 : i32 to vector<16xi32>
    %add3A_184 = arith.addi %iota3A, %add3A_183 : vector<16xi32>
    tpu.vector_store_idx %arg7[%get3A_160, %add3A_184], %broadcast_in_dim3A_38 : memref<256x128xf32, #tpu.memory_space<vmem>>[vector<16xi32>, vector<16xi32>], vector<16xf32>,
    %add3A_185 = arith.constant 256 : i32
    %add3A_186 = arith.addi %mul3A_32, %add3A_185 : i32
    %dma_start3A_187 = arith.constant 0 : i32
    %dma_start3A_188 = tpu.memref_slice %arg3[%select_n3A, %dma_start3A_187, %add3A_186] : memref<8x256x8192xf32, #tpu.memory_space<hbm>> -> memref<1x256x128xf32, #tpu.memory_space<hbm>>
    %dma_start3A_189 = tpu.memref_squeeze %dma_start3A_188 : memref<1x256x128xf32, #tpu.memory_space<hbm>> -> memref<256x128xf32, #tpu.memory_space<hbm>>
    %dma_start3A_190 = arith.constant 0 : i32
    %dma_start3A_191 = tpu.memref_slice %arg3[%select_n3A, %dma_start3A_190, %add3A_186] : memref<8x256x8192xf32, #tpu.memory_space<hbm>> -> memref<1x256x128xf32, #tpu.memory_space<hbm>>
    %dma_start3A_192 = tpu.memref_squeeze %dma_start3A_191 : memref<1x256x128xf32, #tpu.memory_space<hbm>> -> memref<256x128xf32, #tpu.memory_space<hbm>>
    tpu.enqueue_dma source(%arg7 : memref<256x128xf32, #tpu.memory_space<vmem>>) target(%dma_start3A_192 : memref<256x128xf32, #tpu.memory_space<hbm>>) target_semaphore(%arg10 : memref<!tpu.dma_semaphore, #tpu.memory_space<semaphore_mem>>)
    %dma_wait3A_193 = arith.constant 0 : i32
    %dma_wait3A_194 = tpu.memref_slice %arg3[%select_n3A, %dma_wait3A_193, %add3A_84] : memref<8x256x8192xf32, #tpu.memory_space<hbm>> -> memref<1x256x128xf32, #tpu.memory_space<hbm>>
    %dma_wait3A_195 = tpu.memref_squeeze %dma_wait3A_194 : memref<1x256x128xf32, #tpu.memory_space<hbm>> -> memref<256x128xf32, #tpu.memory_space<hbm>>
    %dma_wait3A_196 = arith.constant 0 : i32
    %dma_wait3A_197 = tpu.memref_slice %arg3[%select_n3A, %dma_wait3A_196, %add3A_84] : memref<8x256x8192xf32, #tpu.memory_space<hbm>> -> memref<1x256x128xf32, #tpu.memory_space<hbm>>
    %dma_wait3A_198 = tpu.memref_squeeze %dma_wait3A_197 : memref<1x256x128xf32, #tpu.memory_space<hbm>> -> memref<256x128xf32, #tpu.memory_space<hbm>>
    tpu.wait_dma2 semaphore(%arg8 : memref<!tpu.dma_semaphore, #tpu.memory_space<semaphore_mem>>) src(%arg5 : memref<256x128xf32, #tpu.memory_space<vmem>>) dst(%dma_wait3A_198 : memref<256x128xf32, #tpu.memory_space<hbm>>)
    %add3A_199 = arith.constant 0 : i32
    %add3A_200 = vector.broadcast %add3A_199 : i32 to vector<16xi32>
    %add3A_201 = arith.addi %iota3A, %add3A_200 : vector<16xi32>
    tpu.vector_store_idx %arg5[%get3A_44, %add3A_201], %broadcast_in_dim3A_36 : memref<256x128xf32, #tpu.memory_space<vmem>>[vector<16xi32>, vector<16xi32>], vector<16xf32>,
    %add3A_202 = arith.constant 16 : i32
    %add3A_203 = vector.broadcast %add3A_202 : i32 to vector<16xi32>
    %add3A_204 = arith.addi %iota3A, %add3A_203 : vector<16xi32>
    tpu.vector_store_idx %arg5[%get3A_46, %add3A_204], %broadcast_in_dim3A_36 : memref<256x128xf32, #tpu.memory_space<vmem>>[vector<16xi32>, vector<16xi32>], vector<16xf32>,
    %add3A_205 = arith.constant 32 : i32
    %add3A_206 = vector.broadcast %add3A_205 : i32 to vector<16xi32>
    %add3A_207 = arith.addi %iota3A, %add3A_206 : vector<16xi32>
    tpu.vector_store_idx %arg5[%get3A_48, %add3A_207], %broadcast_in_dim3A_36 : memref<256x128xf32, #tpu.memory_space<vmem>>[vector<16xi32>, vector<16xi32>], vector<16xf32>,
    %add3A_208 = arith.constant 48 : i32
    %add3A_209 = vector.broadcast %add3A_208 : i32 to vector<16xi32>
    %add3A_210 = arith.addi %iota3A, %add3A_209 : vector<16xi32>
    tpu.vector_store_idx %arg5[%get3A_50, %add3A_210], %broadcast_in_dim3A_36 : memref<256x128xf32, #tpu.memory_space<vmem>>[vector<16xi32>, vector<16xi32>], vector<16xf32>,
    %add3A_211 = arith.constant 64 : i32
    %add3A_212 = vector.broadcast %add3A_211 : i32 to vector<16xi32>
    %add3A_213 = arith.addi %iota3A, %add3A_212 : vector<16xi32>
    tpu.vector_store_idx %arg5[%get3A_52, %add3A_213], %broadcast_in_dim3A_36 : memref<256x128xf32, #tpu.memory_space<vmem>>[vector<16xi32>, vector<16xi32>], vector<16xf32>,
    %add3A_214 = arith.constant 80 : i32
    %add3A_215 = vector.broadcast %add3A_214 : i32 to vector<16xi32>
    %add3A_216 = arith.addi %iota3A, %add3A_215 : vector<16xi32>
    tpu.vector_store_idx %arg5[%get3A_54, %add3A_216], %broadcast_in_dim3A_36 : memref<256x128xf32, #tpu.memory_space<vmem>>[vector<16xi32>, vector<16xi32>], vector<16xf32>,
    %add3A_217 = arith.constant 96 : i32
    %add3A_218 = vector.broadcast %add3A_217 : i32 to vector<16xi32>
    %add3A_219 = arith.addi %iota3A, %add3A_218 : vector<16xi32>
    tpu.vector_store_idx %arg5[%get3A_56, %add3A_219], %broadcast_in_dim3A_36 : memref<256x128xf32, #tpu.memory_space<vmem>>[vector<16xi32>, vector<16xi32>], vector<16xf32>,
    %add3A_220 = arith.constant 112 : i32
    %add3A_221 = vector.broadcast %add3A_220 : i32 to vector<16xi32>
    %add3A_222 = arith.addi %iota3A, %add3A_221 : vector<16xi32>
    tpu.vector_store_idx %arg5[%get3A_58, %add3A_222], %broadcast_in_dim3A_36 : memref<256x128xf32, #tpu.memory_space<vmem>>[vector<16xi32>, vector<16xi32>], vector<16xf32>,
    %get3A_223 = arith.constant 384 : index
    %get3A_224 = tpu.vector_load %arg4[%get3A_223] {strides = array<i32>} : memref<2048xi32, #tpu.memory_space<vmem>>, vector<16xi32>,
    %get3A_225 = arith.constant 400 : index
    %get3A_226 = tpu.vector_load %arg4[%get3A_225] {strides = array<i32>} : memref<2048xi32, #tpu.memory_space<vmem>>, vector<16xi32>,
    %get3A_227 = arith.constant 416 : index
    %get3A_228 = tpu.vector_load %arg4[%get3A_227] {strides = array<i32>} : memref<2048xi32, #tpu.memory_space<vmem>>, vector<16xi32>,
    %get3A_229 = arith.constant 432 : index
    %get3A_230 = tpu.vector_load %arg4[%get3A_229] {strides = array<i32>} : memref<2048xi32, #tpu.memory_space<vmem>>, vector<16xi32>,
    %get3A_231 = arith.constant 448 : index
    %get3A_232 = tpu.vector_load %arg4[%get3A_231] {strides = array<i32>} : memref<2048xi32, #tpu.memory_space<vmem>>, vector<16xi32>,
    %get3A_233 = arith.constant 464 : index
    %get3A_234 = tpu.vector_load %arg4[%get3A_233] {strides = array<i32>} : memref<2048xi32, #tpu.memory_space<vmem>>, vector<16xi32>,
    %get3A_235 = arith.constant 480 : index
    %get3A_236 = tpu.vector_load %arg4[%get3A_235] {strides = array<i32>} : memref<2048xi32, #tpu.memory_space<vmem>>, vector<16xi32>,
    %get3A_237 = arith.constant 496 : index
    %get3A_238 = tpu.vector_load %arg4[%get3A_237] {strides = array<i32>} : memref<2048xi32, #tpu.memory_space<vmem>>, vector<16xi32>,
    %add3A_239 = arith.constant 0 : i32
    %add3A_240 = vector.broadcast %add3A_239 : i32 to vector<16xi32>
    %add3A_241 = arith.addi %iota3A, %add3A_240 : vector<16xi32>
    tpu.vector_store_idx %arg5[%get3A_224, %add3A_241], %broadcast_in_dim3A_38 : memref<256x128xf32, #tpu.memory_space<vmem>>[vector<16xi32>, vector<16xi32>], vector<16xf32>,
    %add3A_242 = arith.constant 16 : i32
    %add3A_243 = vector.broadcast %add3A_242 : i32 to vector<16xi32>
    %add3A_244 = arith.addi %iota3A, %add3A_243 : vector<16xi32>
    tpu.vector_store_idx %arg5[%get3A_226, %add3A_244], %broadcast_in_dim3A_38 : memref<256x128xf32, #tpu.memory_space<vmem>>[vector<16xi32>, vector<16xi32>], vector<16xf32>,
    %add3A_245 = arith.constant 32 : i32
    %add3A_246 = vector.broadcast %add3A_245 : i32 to vector<16xi32>
    %add3A_247 = arith.addi %iota3A, %add3A_246 : vector<16xi32>
    tpu.vector_store_idx %arg5[%get3A_228, %add3A_247], %broadcast_in_dim3A_38 : memref<256x128xf32, #tpu.memory_space<vmem>>[vector<16xi32>, vector<16xi32>], vector<16xf32>,
    %add3A_248 = arith.constant 48 : i32
    %add3A_249 = vector.broadcast %add3A_248 : i32 to vector<16xi32>
    %add3A_250 = arith.addi %iota3A, %add3A_249 : vector<16xi32>
    tpu.vector_store_idx %arg5[%get3A_230, %add3A_250], %broadcast_in_dim3A_38 : memref<256x128xf32, #tpu.memory_space<vmem>>[vector<16xi32>, vector<16xi32>], vector<16xf32>,
    %add3A_251 = arith.constant 64 : i32
    %add3A_252 = vector.broadcast %add3A_251 : i32 to vector<16xi32>
    %add3A_253 = arith.addi %iota3A, %add3A_252 : vector<16xi32>
    tpu.vector_store_idx %arg5[%get3A_232, %add3A_253], %broadcast_in_dim3A_38 : memref<256x128xf32, #tpu.memory_space<vmem>>[vector<16xi32>, vector<16xi32>], vector<16xf32>,
    %add3A_254 = arith.constant 80 : i32
    %add3A_255 = vector.broadcast %add3A_254 : i32 to vector<16xi32>
    %add3A_256 = arith.addi %iota3A, %add3A_255 : vector<16xi32>
    tpu.vector_store_idx %arg5[%get3A_234, %add3A_256], %broadcast_in_dim3A_38 : memref<256x128xf32, #tpu.memory_space<vmem>>[vector<16xi32>, vector<16xi32>], vector<16xf32>,
    %add3A_257 = arith.constant 96 : i32
    %add3A_258 = vector.broadcast %add3A_257 : i32 to vector<16xi32>
    %add3A_259 = arith.addi %iota3A, %add3A_258 : vector<16xi32>
    tpu.vector_store_idx %arg5[%get3A_236, %add3A_259], %broadcast_in_dim3A_38 : memref<256x128xf32, #tpu.memory_space<vmem>>[vector<16xi32>, vector<16xi32>], vector<16xf32>,
    %add3A_260 = arith.constant 112 : i32
    %add3A_261 = vector.broadcast %add3A_260 : i32 to vector<16xi32>
    %add3A_262 = arith.addi %iota3A, %add3A_261 : vector<16xi32>
    tpu.vector_store_idx %arg5[%get3A_238, %add3A_262], %broadcast_in_dim3A_38 : memref<256x128xf32, #tpu.memory_space<vmem>>[vector<16xi32>, vector<16xi32>], vector<16xf32>,
    %add3A_263 = arith.constant 384 : i32
    %add3A_264 = arith.addi %mul3A_32, %add3A_263 : i32
    %dma_start3A_265 = arith.constant 0 : i32
    %dma_start3A_266 = tpu.memref_slice %arg3[%select_n3A, %dma_start3A_265, %add3A_264] : memref<8x256x8192xf32, #tpu.memory_space<hbm>> -> memref<1x256x128xf32, #tpu.memory_space<hbm>>
    %dma_start3A_267 = tpu.memref_squeeze %dma_start3A_266 : memref<1x256x128xf32, #tpu.memory_space<hbm>> -> memref<256x128xf32, #tpu.memory_space<hbm>>
    %dma_start3A_268 = arith.constant 0 : i32
    %dma_start3A_269 = tpu.memref_slice %arg3[%select_n3A, %dma_start3A_268, %add3A_264] : memref<8x256x8192xf32, #tpu.memory_space<hbm>> -> memref<1x256x128xf32, #tpu.memory_space<hbm>>
    %dma_start3A_270 = tpu.memref_squeeze %dma_start3A_269 : memref<1x256x128xf32, #tpu.memory_space<hbm>> -> memref<256x128xf32, #tpu.memory_space<hbm>>
    tpu.enqueue_dma source(%arg5 : memref<256x128xf32, #tpu.memory_space<vmem>>) target(%dma_start3A_270 : memref<256x128xf32, #tpu.memory_space<hbm>>) target_semaphore(%arg8 : memref<!tpu.dma_semaphore, #tpu.memory_space<semaphore_mem>>)
    %dma_wait3A_271 = arith.constant 0 : i32
    %dma_wait3A_272 = tpu.memref_slice %arg3[%select_n3A, %dma_wait3A_271, %add3A_135] : memref<8x256x8192xf32, #tpu.memory_space<hbm>> -> memref<1x256x128xf32, #tpu.memory_space<hbm>>
    %dma_wait3A_273 = tpu.memref_squeeze %dma_wait3A_272 : memref<1x256x128xf32, #tpu.memory_space<hbm>> -> memref<256x128xf32, #tpu.memory_space<hbm>>
    %dma_wait3A_274 = arith.constant 0 : i32
    %dma_wait3A_275 = tpu.memref_slice %arg3[%select_n3A, %dma_wait3A_274, %add3A_135] : memref<8x256x8192xf32, #tpu.memory_space<hbm>> -> memref<1x256x128xf32, #tpu.memory_space<hbm>>
    %dma_wait3A_276 = tpu.memref_squeeze %dma_wait3A_275 : memref<1x256x128xf32, #tpu.memory_space<hbm>> -> memref<256x128xf32, #tpu.memory_space<hbm>>
    tpu.wait_dma2 semaphore(%arg9 : memref<!tpu.dma_semaphore, #tpu.memory_space<semaphore_mem>>) src(%arg6 : memref<256x128xf32, #tpu.memory_space<vmem>>) dst(%dma_wait3A_276 : memref<256x128xf32, #tpu.memory_space<hbm>>)
    %add3A_277 = arith.constant 0 : i32
    %add3A_278 = vector.broadcast %add3A_277 : i32 to vector<16xi32>
    %add3A_279 = arith.addi %iota3A, %add3A_278 : vector<16xi32>
    tpu.vector_store_idx %arg6[%get3A_95, %add3A_279], %broadcast_in_dim3A_36 : memref<256x128xf32, #tpu.memory_space<vmem>>[vector<16xi32>, vector<16xi32>], vector<16xf32>,
    %add3A_280 = arith.constant 16 : i32
    %add3A_281 = vector.broadcast %add3A_280 : i32 to vector<16xi32>
    %add3A_282 = arith.addi %iota3A, %add3A_281 : vector<16xi32>
    tpu.vector_store_idx %arg6[%get3A_97, %add3A_282], %broadcast_in_dim3A_36 : memref<256x128xf32, #tpu.memory_space<vmem>>[vector<16xi32>, vector<16xi32>], vector<16xf32>,
    %add3A_283 = arith.constant 32 : i32
    %add3A_284 = vector.broadcast %add3A_283 : i32 to vector<16xi32>
    %add3A_285 = arith.addi %iota3A, %add3A_284 : vector<16xi32>
    tpu.vector_store_idx %arg6[%get3A_99, %add3A_285], %broadcast_in_dim3A_36 : memref<256x128xf32, #tpu.memory_space<vmem>>[vector<16xi32>, vector<16xi32>], vector<16xf32>,
    %add3A_286 = arith.constant 48 : i32
    %add3A_287 = vector.broadcast %add3A_286 : i32 to vector<16xi32>
    %add3A_288 = arith.addi %iota3A, %add3A_287 : vector<16xi32>
    tpu.vector_store_idx %arg6[%get3A_101, %add3A_288], %broadcast_in_dim3A_36 : memref<256x128xf32, #tpu.memory_space<vmem>>[vector<16xi32>, vector<16xi32>], vector<16xf32>,
    %add3A_289 = arith.constant 64 : i32
    %add3A_290 = vector.broadcast %add3A_289 : i32 to vector<16xi32>
    %add3A_291 = arith.addi %iota3A, %add3A_290 : vector<16xi32>
    tpu.vector_store_idx %arg6[%get3A_103, %add3A_291], %broadcast_in_dim3A_36 : memref<256x128xf32, #tpu.memory_space<vmem>>[vector<16xi32>, vector<16xi32>], vector<16xf32>,
    %add3A_292 = arith.constant 80 : i32
    %add3A_293 = vector.broadcast %add3A_292 : i32 to vector<16xi32>
    %add3A_294 = arith.addi %iota3A, %add3A_293 : vector<16xi32>
    tpu.vector_store_idx %arg6[%get3A_105, %add3A_294], %broadcast_in_dim3A_36 : memref<256x128xf32, #tpu.memory_space<vmem>>[vector<16xi32>, vector<16xi32>], vector<16xf32>,
    %add3A_295 = arith.constant 96 : i32
    %add3A_296 = vector.broadcast %add3A_295 : i32 to vector<16xi32>
    %add3A_297 = arith.addi %iota3A, %add3A_296 : vector<16xi32>
    tpu.vector_store_idx %arg6[%get3A_107, %add3A_297], %broadcast_in_dim3A_36 : memref<256x128xf32, #tpu.memory_space<vmem>>[vector<16xi32>, vector<16xi32>], vector<16xf32>,
    %add3A_298 = arith.constant 112 : i32
    %add3A_299 = vector.broadcast %add3A_298 : i32 to vector<16xi32>
    %add3A_300 = arith.addi %iota3A, %add3A_299 : vector<16xi32>
    tpu.vector_store_idx %arg6[%get3A_109, %add3A_300], %broadcast_in_dim3A_36 : memref<256x128xf32, #tpu.memory_space<vmem>>[vector<16xi32>, vector<16xi32>], vector<16xf32>,
    %get3A_301 = arith.constant 512 : index
    %get3A_302 = tpu.vector_load %arg4[%get3A_301] {strides = array<i32>} : memref<2048xi32, #tpu.memory_space<vmem>>, vector<16xi32>,
    %get3A_303 = arith.constant 528 : index
    %get3A_304 = tpu.vector_load %arg4[%get3A_303] {strides = array<i32>} : memref<2048xi32, #tpu.memory_space<vmem>>, vector<16xi32>,
    %get3A_305 = arith.constant 544 : index
    %get3A_306 = tpu.vector_load %arg4[%get3A_305] {strides = array<i32>} : memref<2048xi32, #tpu.memory_space<vmem>>, vector<16xi32>,
    %get3A_307 = arith.constant 560 : index
    %get3A_308 = tpu.vector_load %arg4[%get3A_307] {strides = array<i32>} : memref<2048xi32, #tpu.memory_space<vmem>>, vector<16xi32>,
    %get3A_309 = arith.constant 576 : index
    %get3A_310 = tpu.vector_load %arg4[%get3A_309] {strides = array<i32>} : memref<2048xi32, #tpu.memory_space<vmem>>, vector<16xi32>,
    %get3A_311 = arith.constant 592 : index
    %get3A_312 = tpu.vector_load %arg4[%get3A_311] {strides = array<i32>} : memref<2048xi32, #tpu.memory_space<vmem>>, vector<16xi32>,
    %get3A_313 = arith.constant 608 : index
    %get3A_314 = tpu.vector_load %arg4[%get3A_313] {strides = array<i32>} : memref<2048xi32, #tpu.memory_space<vmem>>, vector<16xi32>,
    %get3A_315 = arith.constant 624 : index
    %get3A_316 = tpu.vector_load %arg4[%get3A_315] {strides = array<i32>} : memref<2048xi32, #tpu.memory_space<vmem>>, vector<16xi32>,
    %add3A_317 = arith.constant 0 : i32
    %add3A_318 = vector.broadcast %add3A_317 : i32 to vector<16xi32>
    %add3A_319 = arith.addi %iota3A, %add3A_318 : vector<16xi32>
    tpu.vector_store_idx %arg6[%get3A_302, %add3A_319], %broadcast_in_dim3A_38 : memref<256x128xf32, #tpu.memory_space<vmem>>[vector<16xi32>, vector<16xi32>], vector<16xf32>,
    %add3A_320 = arith.constant 16 : i32
    %add3A_321 = vector.broadcast %add3A_320 : i32 to vector<16xi32>
    %add3A_322 = arith.addi %iota3A, %add3A_321 : vector<16xi32>
    tpu.vector_store_idx %arg6[%get3A_304, %add3A_322], %broadcast_in_dim3A_38 : memref<256x128xf32, #tpu.memory_space<vmem>>[vector<16xi32>, vector<16xi32>], vector<16xf32>,
    %add3A_323 = arith.constant 32 : i32
    %add3A_324 = vector.broadcast %add3A_323 : i32 to vector<16xi32>
    %add3A_325 = arith.addi %iota3A, %add3A_324 : vector<16xi32>
    tpu.vector_store_idx %arg6[%get3A_306, %add3A_325], %broadcast_in_dim3A_38 : memref<256x128xf32, #tpu.memory_space<vmem>>[vector<16xi32>, vector<16xi32>], vector<16xf32>,
    %add3A_326 = arith.constant 48 : i32
    %add3A_327 = vector.broadcast %add3A_326 : i32 to vector<16xi32>
    %add3A_328 = arith.addi %iota3A, %add3A_327 : vector<16xi32>
    tpu.vector_store_idx %arg6[%get3A_308, %add3A_328], %broadcast_in_dim3A_38 : memref<256x128xf32, #tpu.memory_space<vmem>>[vector<16xi32>, vector<16xi32>], vector<16xf32>,
    %add3A_329 = arith.constant 64 : i32
    %add3A_330 = vector.broadcast %add3A_329 : i32 to vector<16xi32>
    %add3A_331 = arith.addi %iota3A, %add3A_330 : vector<16xi32>
    tpu.vector_store_idx %arg6[%get3A_310, %add3A_331], %broadcast_in_dim3A_38 : memref<256x128xf32, #tpu.memory_space<vmem>>[vector<16xi32>, vector<16xi32>], vector<16xf32>,
    %add3A_332 = arith.constant 80 : i32
    %add3A_333 = vector.broadcast %add3A_332 : i32 to vector<16xi32>
    %add3A_334 = arith.addi %iota3A, %add3A_333 : vector<16xi32>
    tpu.vector_store_idx %arg6[%get3A_312, %add3A_334], %broadcast_in_dim3A_38 : memref<256x128xf32, #tpu.memory_space<vmem>>[vector<16xi32>, vector<16xi32>], vector<16xf32>,
    %add3A_335 = arith.constant 96 : i32
    %add3A_336 = vector.broadcast %add3A_335 : i32 to vector<16xi32>
    %add3A_337 = arith.addi %iota3A, %add3A_336 : vector<16xi32>
    tpu.vector_store_idx %arg6[%get3A_314, %add3A_337], %broadcast_in_dim3A_38 : memref<256x128xf32, #tpu.memory_space<vmem>>[vector<16xi32>, vector<16xi32>], vector<16xf32>,
    %add3A_338 = arith.constant 112 : i32
    %add3A_339 = vector.broadcast %add3A_338 : i32 to vector<16xi32>
    %add3A_340 = arith.addi %iota3A, %add3A_339 : vector<16xi32>
    tpu.vector_store_idx %arg6[%get3A_316, %add3A_340], %broadcast_in_dim3A_38 : memref<256x128xf32, #tpu.memory_space<vmem>>[vector<16xi32>, vector<16xi32>], vector<16xf32>,
    %add3A_341 = arith.constant 512 : i32
    %add3A_342 = arith.addi %mul3A_32, %add3A_341 : i32
    %dma_start3A_343 = arith.constant 0 : i32
    %dma_start3A_344 = tpu.memref_slice %arg3[%select_n3A, %dma_start3A_343, %add3A_342] : memref<8x256x8192xf32, #tpu.memory_space<hbm>> -> memref<1x256x128xf32, #tpu.memory_space<hbm>>
    %dma_start3A_345 = tpu.memref_squeeze %dma_start3A_344 : memref<1x256x128xf32, #tpu.memory_space<hbm>> -> memref<256x128xf32, #tpu.memory_space<hbm>>
    %dma_start3A_346 = arith.constant 0 : i32
    %dma_start3A_347 = tpu.memref_slice %arg3[%select_n3A, %dma_start3A_346, %add3A_342] : memref<8x256x8192xf32, #tpu.memory_space<hbm>> -> memref<1x256x128xf32, #tpu.memory_space<hbm>>
    %dma_start3A_348 = tpu.memref_squeeze %dma_start3A_347 : memref<1x256x128xf32, #tpu.memory_space<hbm>> -> memref<256x128xf32, #tpu.memory_space<hbm>>
    tpu.enqueue_dma source(%arg6 : memref<256x128xf32, #tpu.memory_space<vmem>>) target(%dma_start3A_348 : memref<256x128xf32, #tpu.memory_space<hbm>>) target_semaphore(%arg9 : memref<!tpu.dma_semaphore, #tpu.memory_space<semaphore_mem>>)
    %dma_wait3A_349 = arith.constant 0 : i32
    %dma_wait3A_350 = tpu.memref_slice %arg3[%select_n3A, %dma_wait3A_349, %add3A_186] : memref<8x256x8192xf32, #tpu.memory_space<hbm>> -> memref<1x256x128xf32, #tpu.memory_space<hbm>>
    %dma_wait3A_351 = tpu.memref_squeeze %dma_wait3A_350 : memref<1x256x128xf32, #tpu.memory_space<hbm>> -> memref<256x128xf32, #tpu.memory_space<hbm>>
    %dma_wait3A_352 = arith.constant 0 : i32
    %dma_wait3A_353 = tpu.memref_slice %arg3[%select_n3A, %dma_wait3A_352, %add3A_186] : memref<8x256x8192xf32, #tpu.memory_space<hbm>> -> memref<1x256x128xf32, #tpu.memory_space<hbm>>
    %dma_wait3A_354 = tpu.memref_squeeze %dma_wait3A_353 : memref<1x256x128xf32, #tpu.memory_space<hbm>> -> memref<256x128xf32, #tpu.memory_space<hbm>>
    tpu.wait_dma2 semaphore(%arg10 : memref<!tpu.dma_semaphore, #tpu.memory_space<semaphore_mem>>) src(%arg7 : memref<256x128xf32, #tpu.memory_space<vmem>>) dst(%dma_wait3A_354 : memref<256x128xf32, #tpu.memory_space<hbm>>)
    %add3A_355 = arith.constant 0 : i32
    %add3A_356 = vector.broadcast %add3A_355 : i32 to vector<16xi32>
    %add3A_357 = arith.addi %iota3A, %add3A_356 : vector<16xi32>
    tpu.vector_store_idx %arg7[%get3A_146, %add3A_357], %broadcast_in_dim3A_36 : memref<256x128xf32, #tpu.memory_space<vmem>>[vector<16xi32>, vector<16xi32>], vector<16xf32>,
    %add3A_358 = arith.constant 16 : i32
    %add3A_359 = vector.broadcast %add3A_358 : i32 to vector<16xi32>
    %add3A_360 = arith.addi %iota3A, %add3A_359 : vector<16xi32>
    tpu.vector_store_idx %arg7[%get3A_148, %add3A_360], %broadcast_in_dim3A_36 : memref<256x128xf32, #tpu.memory_space<vmem>>[vector<16xi32>, vector<16xi32>], vector<16xf32>,
    %add3A_361 = arith.constant 32 : i32
    %add3A_362 = vector.broadcast %add3A_361 : i32 to vector<16xi32>
    %add3A_363 = arith.addi %iota3A, %add3A_362 : vector<16xi32>
    tpu.vector_store_idx %arg7[%get3A_150, %add3A_363], %broadcast_in_dim3A_36 : memref<256x128xf32, #tpu.memory_space<vmem>>[vector<16xi32>, vector<16xi32>], vector<16xf32>,
    %add3A_364 = arith.constant 48 : i32
    %add3A_365 = vector.broadcast %add3A_364 : i32 to vector<16xi32>
    %add3A_366 = arith.addi %iota3A, %add3A_365 : vector<16xi32>
    tpu.vector_store_idx %arg7[%get3A_152, %add3A_366], %broadcast_in_dim3A_36 : memref<256x128xf32, #tpu.memory_space<vmem>>[vector<16xi32>, vector<16xi32>], vector<16xf32>,
    %add3A_367 = arith.constant 64 : i32
    %add3A_368 = vector.broadcast %add3A_367 : i32 to vector<16xi32>
    %add3A_369 = arith.addi %iota3A, %add3A_368 : vector<16xi32>
    tpu.vector_store_idx %arg7[%get3A_154, %add3A_369], %broadcast_in_dim3A_36 : memref<256x128xf32, #tpu.memory_space<vmem>>[vector<16xi32>, vector<16xi32>], vector<16xf32>,
    %add3A_370 = arith.constant 80 : i32
    %add3A_371 = vector.broadcast %add3A_370 : i32 to vector<16xi32>
    %add3A_372 = arith.addi %iota3A, %add3A_371 : vector<16xi32>
    tpu.vector_store_idx %arg7[%get3A_156, %add3A_372], %broadcast_in_dim3A_36 : memref<256x128xf32, #tpu.memory_space<vmem>>[vector<16xi32>, vector<16xi32>], vector<16xf32>,
    %add3A_373 = arith.constant 96 : i32
    %add3A_374 = vector.broadcast %add3A_373 : i32 to vector<16xi32>
    %add3A_375 = arith.addi %iota3A, %add3A_374 : vector<16xi32>
    tpu.vector_store_idx %arg7[%get3A_158, %add3A_375], %broadcast_in_dim3A_36 : memref<256x128xf32, #tpu.memory_space<vmem>>[vector<16xi32>, vector<16xi32>], vector<16xf32>,
    %add3A_376 = arith.constant 112 : i32
    %add3A_377 = vector.broadcast %add3A_376 : i32 to vector<16xi32>
    %add3A_378 = arith.addi %iota3A, %add3A_377 : vector<16xi32>
    tpu.vector_store_idx %arg7[%get3A_160, %add3A_378], %broadcast_in_dim3A_36 : memref<256x128xf32, #tpu.memory_space<vmem>>[vector<16xi32>, vector<16xi32>], vector<16xf32>,
    %get3A_379 = arith.constant 640 : index
    %get3A_380 = tpu.vector_load %arg4[%get3A_379] {strides = array<i32>} : memref<2048xi32, #tpu.memory_space<vmem>>, vector<16xi32>,
    %get3A_381 = arith.constant 656 : index
    %get3A_382 = tpu.vector_load %arg4[%get3A_381] {strides = array<i32>} : memref<2048xi32, #tpu.memory_space<vmem>>, vector<16xi32>,
    %get3A_383 = arith.constant 672 : index
    %get3A_384 = tpu.vector_load %arg4[%get3A_383] {strides = array<i32>} : memref<2048xi32, #tpu.memory_space<vmem>>, vector<16xi32>,
    %get3A_385 = arith.constant 688 : index
    %get3A_386 = tpu.vector_load %arg4[%get3A_385] {strides = array<i32>} : memref<2048xi32, #tpu.memory_space<vmem>>, vector<16xi32>,
    %get3A_387 = arith.constant 704 : index
    %get3A_388 = tpu.vector_load %arg4[%get3A_387] {strides = array<i32>} : memref<2048xi32, #tpu.memory_space<vmem>>, vector<16xi32>,
    %get3A_389 = arith.constant 720 : index
    %get3A_390 = tpu.vector_load %arg4[%get3A_389] {strides = array<i32>} : memref<2048xi32, #tpu.memory_space<vmem>>, vector<16xi32>,
    %get3A_391 = arith.constant 736 : index
    %get3A_392 = tpu.vector_load %arg4[%get3A_391] {strides = array<i32>} : memref<2048xi32, #tpu.memory_space<vmem>>, vector<16xi32>,
    %get3A_393 = arith.constant 752 : index
    %get3A_394 = tpu.vector_load %arg4[%get3A_393] {strides = array<i32>} : memref<2048xi32, #tpu.memory_space<vmem>>, vector<16xi32>,
    %add3A_395 = arith.constant 0 : i32
    %add3A_396 = vector.broadcast %add3A_395 : i32 to vector<16xi32>
    %add3A_397 = arith.addi %iota3A, %add3A_396 : vector<16xi32>
    tpu.vector_store_idx %arg7[%get3A_380, %add3A_397], %broadcast_in_dim3A_38 : memref<256x128xf32, #tpu.memory_space<vmem>>[vector<16xi32>, vector<16xi32>], vector<16xf32>,
    %add3A_398 = arith.constant 16 : i32
    %add3A_399 = vector.broadcast %add3A_398 : i32 to vector<16xi32>
    %add3A_400 = arith.addi %iota3A, %add3A_399 : vector<16xi32>
    tpu.vector_store_idx %arg7[%get3A_382, %add3A_400], %broadcast_in_dim3A_38 : memref<256x128xf32, #tpu.memory_space<vmem>>[vector<16xi32>, vector<16xi32>], vector<16xf32>,
    %add3A_401 = arith.constant 32 : i32
    %add3A_402 = vector.broadcast %add3A_401 : i32 to vector<16xi32>
    %add3A_403 = arith.addi %iota3A, %add3A_402 : vector<16xi32>
    tpu.vector_store_idx %arg7[%get3A_384, %add3A_403], %broadcast_in_dim3A_38 : memref<256x128xf32, #tpu.memory_space<vmem>>[vector<16xi32>, vector<16xi32>], vector<16xf32>,
    %add3A_404 = arith.constant 48 : i32
    %add3A_405 = vector.broadcast %add3A_404 : i32 to vector<16xi32>
    %add3A_406 = arith.addi %iota3A, %add3A_405 : vector<16xi32>
    tpu.vector_store_idx %arg7[%get3A_386, %add3A_406], %broadcast_in_dim3A_38 : memref<256x128xf32, #tpu.memory_space<vmem>>[vector<16xi32>, vector<16xi32>], vector<16xf32>,
    %add3A_407 = arith.constant 64 : i32
    %add3A_408 = vector.broadcast %add3A_407 : i32 to vector<16xi32>
    %add3A_409 = arith.addi %iota3A, %add3A_408 : vector<16xi32>
    tpu.vector_store_idx %arg7[%get3A_388, %add3A_409], %broadcast_in_dim3A_38 : memref<256x128xf32, #tpu.memory_space<vmem>>[vector<16xi32>, vector<16xi32>], vector<16xf32>,
    %add3A_410 = arith.constant 80 : i32
    %add3A_411 = vector.broadcast %add3A_410 : i32 to vector<16xi32>
    %add3A_412 = arith.addi %iota3A, %add3A_411 : vector<16xi32>
    tpu.vector_store_idx %arg7[%get3A_390, %add3A_412], %broadcast_in_dim3A_38 : memref<256x128xf32, #tpu.memory_space<vmem>>[vector<16xi32>, vector<16xi32>], vector<16xf32>,
    %add3A_413 = arith.constant 96 : i32
    %add3A_414 = vector.broadcast %add3A_413 : i32 to vector<16xi32>
    %add3A_415 = arith.addi %iota3A, %add3A_414 : vector<16xi32>
    tpu.vector_store_idx %arg7[%get3A_392, %add3A_415], %broadcast_in_dim3A_38 : memref<256x128xf32, #tpu.memory_space<vmem>>[vector<16xi32>, vector<16xi32>], vector<16xf32>,
    %add3A_416 = arith.constant 112 : i32
    %add3A_417 = vector.broadcast %add3A_416 : i32 to vector<16xi32>
    %add3A_418 = arith.addi %iota3A, %add3A_417 : vector<16xi32>
    tpu.vector_store_idx %arg7[%get3A_394, %add3A_418], %broadcast_in_dim3A_38 : memref<256x128xf32, #tpu.memory_space<vmem>>[vector<16xi32>, vector<16xi32>], vector<16xf32>,
    %add3A_419 = arith.constant 640 : i32
    %add3A_420 = arith.addi %mul3A_32, %add3A_419 : i32
    %dma_start3A_421 = arith.constant 0 : i32
    %dma_start3A_422 = tpu.memref_slice %arg3[%select_n3A, %dma_start3A_421, %add3A_420] : memref<8x256x8192xf32, #tpu.memory_space<hbm>> -> memref<1x256x128xf32, #tpu.memory_space<hbm>>
    %dma_start3A_423 = tpu.memref_squeeze %dma_start3A_422 : memref<1x256x128xf32, #tpu.memory_space<hbm>> -> memref<256x128xf32, #tpu.memory_space<hbm>>
    %dma_start3A_424 = arith.constant 0 : i32
    %dma_start3A_425 = tpu.memref_slice %arg3[%select_n3A, %dma_start3A_424, %add3A_420] : memref<8x256x8192xf32, #tpu.memory_space<hbm>> -> memref<1x256x128xf32, #tpu.memory_space<hbm>>
    %dma_start3A_426 = tpu.memref_squeeze %dma_start3A_425 : memref<1x256x128xf32, #tpu.memory_space<hbm>> -> memref<256x128xf32, #tpu.memory_space<hbm>>
    tpu.enqueue_dma source(%arg7 : memref<256x128xf32, #tpu.memory_space<vmem>>) target(%dma_start3A_426 : memref<256x128xf32, #tpu.memory_space<hbm>>) target_semaphore(%arg10 : memref<!tpu.dma_semaphore, #tpu.memory_space<semaphore_mem>>)
    %dma_wait3A_427 = arith.constant 0 : i32
    %dma_wait3A_428 = tpu.memref_slice %arg3[%select_n3A, %dma_wait3A_427, %add3A_264] : memref<8x256x8192xf32, #tpu.memory_space<hbm>> -> memref<1x256x128xf32, #tpu.memory_space<hbm>>
    %dma_wait3A_429 = tpu.memref_squeeze %dma_wait3A_428 : memref<1x256x128xf32, #tpu.memory_space<hbm>> -> memref<256x128xf32, #tpu.memory_space<hbm>>
    %dma_wait3A_430 = arith.constant 0 : i32
    %dma_wait3A_431 = tpu.memref_slice %arg3[%select_n3A, %dma_wait3A_430, %add3A_264] : memref<8x256x8192xf32, #tpu.memory_space<hbm>> -> memref<1x256x128xf32, #tpu.memory_space<hbm>>
    %dma_wait3A_432 = tpu.memref_squeeze %dma_wait3A_431 : memref<1x256x128xf32, #tpu.memory_space<hbm>> -> memref<256x128xf32, #tpu.memory_space<hbm>>
    tpu.wait_dma2 semaphore(%arg8 : memref<!tpu.dma_semaphore, #tpu.memory_space<semaphore_mem>>) src(%arg5 : memref<256x128xf32, #tpu.memory_space<vmem>>) dst(%dma_wait3A_432 : memref<256x128xf32, #tpu.memory_space<hbm>>)
    %add3A_433 = arith.constant 0 : i32
    %add3A_434 = vector.broadcast %add3A_433 : i32 to vector<16xi32>
    %add3A_435 = arith.addi %iota3A, %add3A_434 : vector<16xi32>
    tpu.vector_store_idx %arg5[%get3A_224, %add3A_435], %broadcast_in_dim3A_36 : memref<256x128xf32, #tpu.memory_space<vmem>>[vector<16xi32>, vector<16xi32>], vector<16xf32>,
    %add3A_436 = arith.constant 16 : i32
    %add3A_437 = vector.broadcast %add3A_436 : i32 to vector<16xi32>
    %add3A_438 = arith.addi %iota3A, %add3A_437 : vector<16xi32>
    tpu.vector_store_idx %arg5[%get3A_226, %add3A_438], %broadcast_in_dim3A_36 : memref<256x128xf32, #tpu.memory_space<vmem>>[vector<16xi32>, vector<16xi32>], vector<16xf32>,
    %add3A_439 = arith.constant 32 : i32
    %add3A_440 = vector.broadcast %add3A_439 : i32 to vector<16xi32>
    %add3A_441 = arith.addi %iota3A, %add3A_440 : vector<16xi32>
    tpu.vector_store_idx %arg5[%get3A_228, %add3A_441], %broadcast_in_dim3A_36 : memref<256x128xf32, #tpu.memory_space<vmem>>[vector<16xi32>, vector<16xi32>], vector<16xf32>,
    %add3A_442 = arith.constant 48 : i32
    %add3A_443 = vector.broadcast %add3A_442 : i32 to vector<16xi32>
    %add3A_444 = arith.addi %iota3A, %add3A_443 : vector<16xi32>
    tpu.vector_store_idx %arg5[%get3A_230, %add3A_444], %broadcast_in_dim3A_36 : memref<256x128xf32, #tpu.memory_space<vmem>>[vector<16xi32>, vector<16xi32>], vector<16xf32>,
    %add3A_445 = arith.constant 64 : i32
    %add3A_446 = vector.broadcast %add3A_445 : i32 to vector<16xi32>
    %add3A_447 = arith.addi %iota3A, %add3A_446 : vector<16xi32>
    tpu.vector_store_idx %arg5[%get3A_232, %add3A_447], %broadcast_in_dim3A_36 : memref<256x128xf32, #tpu.memory_space<vmem>>[vector<16xi32>, vector<16xi32>], vector<16xf32>,
    %add3A_448 = arith.constant 80 : i32
    %add3A_449 = vector.broadcast %add3A_448 : i32 to vector<16xi32>
    %add3A_450 = arith.addi %iota3A, %add3A_449 : vector<16xi32>
    tpu.vector_store_idx %arg5[%get3A_234, %add3A_450], %broadcast_in_dim3A_36 : memref<256x128xf32, #tpu.memory_space<vmem>>[vector<16xi32>, vector<16xi32>], vector<16xf32>,
    %add3A_451 = arith.constant 96 : i32
    %add3A_452 = vector.broadcast %add3A_451 : i32 to vector<16xi32>
    %add3A_453 = arith.addi %iota3A, %add3A_452 : vector<16xi32>
    tpu.vector_store_idx %arg5[%get3A_236, %add3A_453], %broadcast_in_dim3A_36 : memref<256x128xf32, #tpu.memory_space<vmem>>[vector<16xi32>, vector<16xi32>], vector<16xf32>,
    %add3A_454 = arith.constant 112 : i32
    %add3A_455 = vector.broadcast %add3A_454 : i32 to vector<16xi32>
    %add3A_456 = arith.addi %iota3A, %add3A_455 : vector<16xi32>
    tpu.vector_store_idx %arg5[%get3A_238, %add3A_456], %broadcast_in_dim3A_36 : memref<256x128xf32, #tpu.memory_space<vmem>>[vector<16xi32>, vector<16xi32>], vector<16xf32>,
    %get3A_457 = arith.constant 768 : index
    %get3A_458 = tpu.vector_load %arg4[%get3A_457] {strides = array<i32>} : memref<2048xi32, #tpu.memory_space<vmem>>, vector<16xi32>,
    %get3A_459 = arith.constant 784 : index
    %get3A_460 = tpu.vector_load %arg4[%get3A_459] {strides = array<i32>} : memref<2048xi32, #tpu.memory_space<vmem>>, vector<16xi32>,
    %get3A_461 = arith.constant 800 : index
    %get3A_462 = tpu.vector_load %arg4[%get3A_461] {strides = array<i32>} : memref<2048xi32, #tpu.memory_space<vmem>>, vector<16xi32>,
    %get3A_463 = arith.constant 816 : index
    %get3A_464 = tpu.vector_load %arg4[%get3A_463] {strides = array<i32>} : memref<2048xi32, #tpu.memory_space<vmem>>, vector<16xi32>,
    %get3A_465 = arith.constant 832 : index
    %get3A_466 = tpu.vector_load %arg4[%get3A_465] {strides = array<i32>} : memref<2048xi32, #tpu.memory_space<vmem>>, vector<16xi32>,
    %get3A_467 = arith.constant 848 : index
    %get3A_468 = tpu.vector_load %arg4[%get3A_467] {strides = array<i32>} : memref<2048xi32, #tpu.memory_space<vmem>>, vector<16xi32>,
    %get3A_469 = arith.constant 864 : index
    %get3A_470 = tpu.vector_load %arg4[%get3A_469] {strides = array<i32>} : memref<2048xi32, #tpu.memory_space<vmem>>, vector<16xi32>,
    %get3A_471 = arith.constant 880 : index
    %get3A_472 = tpu.vector_load %arg4[%get3A_471] {strides = array<i32>} : memref<2048xi32, #tpu.memory_space<vmem>>, vector<16xi32>,
    %add3A_473 = arith.constant 0 : i32
    %add3A_474 = vector.broadcast %add3A_473 : i32 to vector<16xi32>
    %add3A_475 = arith.addi %iota3A, %add3A_474 : vector<16xi32>
    tpu.vector_store_idx %arg5[%get3A_458, %add3A_475], %broadcast_in_dim3A_38 : memref<256x128xf32, #tpu.memory_space<vmem>>[vector<16xi32>, vector<16xi32>], vector<16xf32>,
    %add3A_476 = arith.constant 16 : i32
    %add3A_477 = vector.broadcast %add3A_476 : i32 to vector<16xi32>
    %add3A_478 = arith.addi %iota3A, %add3A_477 : vector<16xi32>
    tpu.vector_store_idx %arg5[%get3A_460, %add3A_478], %broadcast_in_dim3A_38 : memref<256x128xf32, #tpu.memory_space<vmem>>[vector<16xi32>, vector<16xi32>], vector<16xf32>,
    %add3A_479 = arith.constant 32 : i32
    %add3A_480 = vector.broadcast %add3A_479 : i32 to vector<16xi32>
    %add3A_481 = arith.addi %iota3A, %add3A_480 : vector<16xi32>
    tpu.vector_store_idx %arg5[%get3A_462, %add3A_481], %broadcast_in_dim3A_38 : memref<256x128xf32, #tpu.memory_space<vmem>>[vector<16xi32>, vector<16xi32>], vector<16xf32>,
    %add3A_482 = arith.constant 48 : i32
    %add3A_483 = vector.broadcast %add3A_482 : i32 to vector<16xi32>
    %add3A_484 = arith.addi %iota3A, %add3A_483 : vector<16xi32>
    tpu.vector_store_idx %arg5[%get3A_464, %add3A_484], %broadcast_in_dim3A_38 : memref<256x128xf32, #tpu.memory_space<vmem>>[vector<16xi32>, vector<16xi32>], vector<16xf32>,
    %add3A_485 = arith.constant 64 : i32
    %add3A_486 = vector.broadcast %add3A_485 : i32 to vector<16xi32>
    %add3A_487 = arith.addi %iota3A, %add3A_486 : vector<16xi32>
    tpu.vector_store_idx %arg5[%get3A_466, %add3A_487], %broadcast_in_dim3A_38 : memref<256x128xf32, #tpu.memory_space<vmem>>[vector<16xi32>, vector<16xi32>], vector<16xf32>,
    %add3A_488 = arith.constant 80 : i32
    %add3A_489 = vector.broadcast %add3A_488 : i32 to vector<16xi32>
    %add3A_490 = arith.addi %iota3A, %add3A_489 : vector<16xi32>
    tpu.vector_store_idx %arg5[%get3A_468, %add3A_490], %broadcast_in_dim3A_38 : memref<256x128xf32, #tpu.memory_space<vmem>>[vector<16xi32>, vector<16xi32>], vector<16xf32>,
    %add3A_491 = arith.constant 96 : i32
    %add3A_492 = vector.broadcast %add3A_491 : i32 to vector<16xi32>
    %add3A_493 = arith.addi %iota3A, %add3A_492 : vector<16xi32>
    tpu.vector_store_idx %arg5[%get3A_470, %add3A_493], %broadcast_in_dim3A_38 : memref<256x128xf32, #tpu.memory_space<vmem>>[vector<16xi32>, vector<16xi32>], vector<16xf32>,
    %add3A_494 = arith.constant 112 : i32
    %add3A_495 = vector.broadcast %add3A_494 : i32 to vector<16xi32>
    %add3A_496 = arith.addi %iota3A, %add3A_495 : vector<16xi32>
    tpu.vector_store_idx %arg5[%get3A_472, %add3A_496], %broadcast_in_dim3A_38 : memref<256x128xf32, #tpu.memory_space<vmem>>[vector<16xi32>, vector<16xi32>], vector<16xf32>,
    %add3A_497 = arith.constant 768 : i32
    %add3A_498 = arith.addi %mul3A_32, %add3A_497 : i32
    %dma_start3A_499 = arith.constant 0 : i32
    %dma_start3A_500 = tpu.memref_slice %arg3[%select_n3A, %dma_start3A_499, %add3A_498] : memref<8x256x8192xf32, #tpu.memory_space<hbm>> -> memref<1x256x128xf32, #tpu.memory_space<hbm>>
    %dma_start3A_501 = tpu.memref_squeeze %dma_start3A_500 : memref<1x256x128xf32, #tpu.memory_space<hbm>> -> memref<256x128xf32, #tpu.memory_space<hbm>>
    %dma_start3A_502 = arith.constant 0 : i32
    %dma_start3A_503 = tpu.memref_slice %arg3[%select_n3A, %dma_start3A_502, %add3A_498] : memref<8x256x8192xf32, #tpu.memory_space<hbm>> -> memref<1x256x128xf32, #tpu.memory_space<hbm>>
    %dma_start3A_504 = tpu.memref_squeeze %dma_start3A_503 : memref<1x256x128xf32, #tpu.memory_space<hbm>> -> memref<256x128xf32, #tpu.memory_space<hbm>>
    tpu.enqueue_dma source(%arg5 : memref<256x128xf32, #tpu.memory_space<vmem>>) target(%dma_start3A_504 : memref<256x128xf32, #tpu.memory_space<hbm>>) target_semaphore(%arg8 : memref<!tpu.dma_semaphore, #tpu.memory_space<semaphore_mem>>)
    %dma_wait3A_505 = arith.constant 0 : i32
    %dma_wait3A_506 = tpu.memref_slice %arg3[%select_n3A, %dma_wait3A_505, %add3A_342] : memref<8x256x8192xf32, #tpu.memory_space<hbm>> -> memref<1x256x128xf32, #tpu.memory_space<hbm>>
    %dma_wait3A_507 = tpu.memref_squeeze %dma_wait3A_506 : memref<1x256x128xf32, #tpu.memory_space<hbm>> -> memref<256x128xf32, #tpu.memory_space<hbm>>
    %dma_wait3A_508 = arith.constant 0 : i32
    %dma_wait3A_509 = tpu.memref_slice %arg3[%select_n3A, %dma_wait3A_508, %add3A_342] : memref<8x256x8192xf32, #tpu.memory_space<hbm>> -> memref<1x256x128xf32, #tpu.memory_space<hbm>>
    %dma_wait3A_510 = tpu.memref_squeeze %dma_wait3A_509 : memref<1x256x128xf32, #tpu.memory_space<hbm>> -> memref<256x128xf32, #tpu.memory_space<hbm>>
    tpu.wait_dma2 semaphore(%arg9 : memref<!tpu.dma_semaphore, #tpu.memory_space<semaphore_mem>>) src(%arg6 : memref<256x128xf32, #tpu.memory_space<vmem>>) dst(%dma_wait3A_510 : memref<256x128xf32, #tpu.memory_space<hbm>>)
    %add3A_511 = arith.constant 0 : i32
    %add3A_512 = vector.broadcast %add3A_511 : i32 to vector<16xi32>
    %add3A_513 = arith.addi %iota3A, %add3A_512 : vector<16xi32>
    tpu.vector_store_idx %arg6[%get3A_302, %add3A_513], %broadcast_in_dim3A_36 : memref<256x128xf32, #tpu.memory_space<vmem>>[vector<16xi32>, vector<16xi32>], vector<16xf32>,
    %add3A_514 = arith.constant 16 : i32
    %add3A_515 = vector.broadcast %add3A_514 : i32 to vector<16xi32>
    %add3A_516 = arith.addi %iota3A, %add3A_515 : vector<16xi32>
    tpu.vector_store_idx %arg6[%get3A_304, %add3A_516], %broadcast_in_dim3A_36 : memref<256x128xf32, #tpu.memory_space<vmem>>[vector<16xi32>, vector<16xi32>], vector<16xf32>,
    %add3A_517 = arith.constant 32 : i32
    %add3A_518 = vector.broadcast %add3A_517 : i32 to vector<16xi32>
    %add3A_519 = arith.addi %iota3A, %add3A_518 : vector<16xi32>
    tpu.vector_store_idx %arg6[%get3A_306, %add3A_519], %broadcast_in_dim3A_36 : memref<256x128xf32, #tpu.memory_space<vmem>>[vector<16xi32>, vector<16xi32>], vector<16xf32>,
    %add3A_520 = arith.constant 48 : i32
    %add3A_521 = vector.broadcast %add3A_520 : i32 to vector<16xi32>
    %add3A_522 = arith.addi %iota3A, %add3A_521 : vector<16xi32>
    tpu.vector_store_idx %arg6[%get3A_308, %add3A_522], %broadcast_in_dim3A_36 : memref<256x128xf32, #tpu.memory_space<vmem>>[vector<16xi32>, vector<16xi32>], vector<16xf32>,
    %add3A_523 = arith.constant 64 : i32
    %add3A_524 = vector.broadcast %add3A_523 : i32 to vector<16xi32>
    %add3A_525 = arith.addi %iota3A, %add3A_524 : vector<16xi32>
    tpu.vector_store_idx %arg6[%get3A_310, %add3A_525], %broadcast_in_dim3A_36 : memref<256x128xf32, #tpu.memory_space<vmem>>[vector<16xi32>, vector<16xi32>], vector<16xf32>,
    %add3A_526 = arith.constant 80 : i32
    %add3A_527 = vector.broadcast %add3A_526 : i32 to vector<16xi32>
    %add3A_528 = arith.addi %iota3A, %add3A_527 : vector<16xi32>
    tpu.vector_store_idx %arg6[%get3A_312, %add3A_528], %broadcast_in_dim3A_36 : memref<256x128xf32, #tpu.memory_space<vmem>>[vector<16xi32>, vector<16xi32>], vector<16xf32>,
    %add3A_529 = arith.constant 96 : i32
    %add3A_530 = vector.broadcast %add3A_529 : i32 to vector<16xi32>
    %add3A_531 = arith.addi %iota3A, %add3A_530 : vector<16xi32>
    tpu.vector_store_idx %arg6[%get3A_314, %add3A_531], %broadcast_in_dim3A_36 : memref<256x128xf32, #tpu.memory_space<vmem>>[vector<16xi32>, vector<16xi32>], vector<16xf32>,
    %add3A_532 = arith.constant 112 : i32
    %add3A_533 = vector.broadcast %add3A_532 : i32 to vector<16xi32>
    %add3A_534 = arith.addi %iota3A, %add3A_533 : vector<16xi32>
    tpu.vector_store_idx %arg6[%get3A_316, %add3A_534], %broadcast_in_dim3A_36 : memref<256x128xf32, #tpu.memory_space<vmem>>[vector<16xi32>, vector<16xi32>], vector<16xf32>,
    %get3A_535 = arith.constant 896 : index
    %get3A_536 = tpu.vector_load %arg4[%get3A_535] {strides = array<i32>} : memref<2048xi32, #tpu.memory_space<vmem>>, vector<16xi32>,
    %get3A_537 = arith.constant 912 : index
    %get3A_538 = tpu.vector_load %arg4[%get3A_537] {strides = array<i32>} : memref<2048xi32, #tpu.memory_space<vmem>>, vector<16xi32>,
    %get3A_539 = arith.constant 928 : index
    %get3A_540 = tpu.vector_load %arg4[%get3A_539] {strides = array<i32>} : memref<2048xi32, #tpu.memory_space<vmem>>, vector<16xi32>,
    %get3A_541 = arith.constant 944 : index
    %get3A_542 = tpu.vector_load %arg4[%get3A_541] {strides = array<i32>} : memref<2048xi32, #tpu.memory_space<vmem>>, vector<16xi32>,
    %get3A_543 = arith.constant 960 : index
    %get3A_544 = tpu.vector_load %arg4[%get3A_543] {strides = array<i32>} : memref<2048xi32, #tpu.memory_space<vmem>>, vector<16xi32>,
    %get3A_545 = arith.constant 976 : index
    %get3A_546 = tpu.vector_load %arg4[%get3A_545] {strides = array<i32>} : memref<2048xi32, #tpu.memory_space<vmem>>, vector<16xi32>,
    %get3A_547 = arith.constant 992 : index
    %get3A_548 = tpu.vector_load %arg4[%get3A_547] {strides = array<i32>} : memref<2048xi32, #tpu.memory_space<vmem>>, vector<16xi32>,
    %get3A_549 = arith.constant 1008 : index
    %get3A_550 = tpu.vector_load %arg4[%get3A_549] {strides = array<i32>} : memref<2048xi32, #tpu.memory_space<vmem>>, vector<16xi32>,
    %add3A_551 = arith.constant 0 : i32
    %add3A_552 = vector.broadcast %add3A_551 : i32 to vector<16xi32>
    %add3A_553 = arith.addi %iota3A, %add3A_552 : vector<16xi32>
    tpu.vector_store_idx %arg6[%get3A_536, %add3A_553], %broadcast_in_dim3A_38 : memref<256x128xf32, #tpu.memory_space<vmem>>[vector<16xi32>, vector<16xi32>], vector<16xf32>,
    %add3A_554 = arith.constant 16 : i32
    %add3A_555 = vector.broadcast %add3A_554 : i32 to vector<16xi32>
    %add3A_556 = arith.addi %iota3A, %add3A_555 : vector<16xi32>
    tpu.vector_store_idx %arg6[%get3A_538, %add3A_556], %broadcast_in_dim3A_38 : memref<256x128xf32, #tpu.memory_space<vmem>>[vector<16xi32>, vector<16xi32>], vector<16xf32>,
    %add3A_557 = arith.constant 32 : i32
    %add3A_558 = vector.broadcast %add3A_557 : i32 to vector<16xi32>
    %add3A_559 = arith.addi %iota3A, %add3A_558 : vector<16xi32>
    tpu.vector_store_idx %arg6[%get3A_540, %add3A_559], %broadcast_in_dim3A_38 : memref<256x128xf32, #tpu.memory_space<vmem>>[vector<16xi32>, vector<16xi32>], vector<16xf32>,
    %add3A_560 = arith.constant 48 : i32
    %add3A_561 = vector.broadcast %add3A_560 : i32 to vector<16xi32>
    %add3A_562 = arith.addi %iota3A, %add3A_561 : vector<16xi32>
    tpu.vector_store_idx %arg6[%get3A_542, %add3A_562], %broadcast_in_dim3A_38 : memref<256x128xf32, #tpu.memory_space<vmem>>[vector<16xi32>, vector<16xi32>], vector<16xf32>,
    %add3A_563 = arith.constant 64 : i32
    %add3A_564 = vector.broadcast %add3A_563 : i32 to vector<16xi32>
    %add3A_565 = arith.addi %iota3A, %add3A_564 : vector<16xi32>
    tpu.vector_store_idx %arg6[%get3A_544, %add3A_565], %broadcast_in_dim3A_38 : memref<256x128xf32, #tpu.memory_space<vmem>>[vector<16xi32>, vector<16xi32>], vector<16xf32>,
    %add3A_566 = arith.constant 80 : i32
    %add3A_567 = vector.broadcast %add3A_566 : i32 to vector<16xi32>
    %add3A_568 = arith.addi %iota3A, %add3A_567 : vector<16xi32>
    tpu.vector_store_idx %arg6[%get3A_546, %add3A_568], %broadcast_in_dim3A_38 : memref<256x128xf32, #tpu.memory_space<vmem>>[vector<16xi32>, vector<16xi32>], vector<16xf32>,
    %add3A_569 = arith.constant 96 : i32
    %add3A_570 = vector.broadcast %add3A_569 : i32 to vector<16xi32>
    %add3A_571 = arith.addi %iota3A, %add3A_570 : vector<16xi32>
    tpu.vector_store_idx %arg6[%get3A_548, %add3A_571], %broadcast_in_dim3A_38 : memref<256x128xf32, #tpu.memory_space<vmem>>[vector<16xi32>, vector<16xi32>], vector<16xf32>,
    %add3A_572 = arith.constant 112 : i32
    %add3A_573 = vector.broadcast %add3A_572 : i32 to vector<16xi32>
    %add3A_574 = arith.addi %iota3A, %add3A_573 : vector<16xi32>
    tpu.vector_store_idx %arg6[%get3A_550, %add3A_574], %broadcast_in_dim3A_38 : memref<256x128xf32, #tpu.memory_space<vmem>>[vector<16xi32>, vector<16xi32>], vector<16xf32>,
    %add3A_575 = arith.constant 896 : i32
    %add3A_576 = arith.addi %mul3A_32, %add3A_575 : i32
    %dma_start3A_577 = arith.constant 0 : i32
    %dma_start3A_578 = tpu.memref_slice %arg3[%select_n3A, %dma_start3A_577, %add3A_576] : memref<8x256x8192xf32, #tpu.memory_space<hbm>> -> memref<1x256x128xf32, #tpu.memory_space<hbm>>
    %dma_start3A_579 = tpu.memref_squeeze %dma_start3A_578 : memref<1x256x128xf32, #tpu.memory_space<hbm>> -> memref<256x128xf32, #tpu.memory_space<hbm>>
    %dma_start3A_580 = arith.constant 0 : i32
    %dma_start3A_581 = tpu.memref_slice %arg3[%select_n3A, %dma_start3A_580, %add3A_576] : memref<8x256x8192xf32, #tpu.memory_space<hbm>> -> memref<1x256x128xf32, #tpu.memory_space<hbm>>
    %dma_start3A_582 = tpu.memref_squeeze %dma_start3A_581 : memref<1x256x128xf32, #tpu.memory_space<hbm>> -> memref<256x128xf32, #tpu.memory_space<hbm>>
    tpu.enqueue_dma source(%arg6 : memref<256x128xf32, #tpu.memory_space<vmem>>) target(%dma_start3A_582 : memref<256x128xf32, #tpu.memory_space<hbm>>) target_semaphore(%arg9 : memref<!tpu.dma_semaphore, #tpu.memory_space<semaphore_mem>>)
    %dma_wait3A_583 = arith.constant 0 : i32
    %dma_wait3A_584 = tpu.memref_slice %arg3[%select_n3A, %dma_wait3A_583, %add3A_420] : memref<8x256x8192xf32, #tpu.memory_space<hbm>> -> memref<1x256x128xf32, #tpu.memory_space<hbm>>
    %dma_wait3A_585 = tpu.memref_squeeze %dma_wait3A_584 : memref<1x256x128xf32, #tpu.memory_space<hbm>> -> memref<256x128xf32, #tpu.memory_space<hbm>>
    %dma_wait3A_586 = arith.constant 0 : i32
    %dma_wait3A_587 = tpu.memref_slice %arg3[%select_n3A, %dma_wait3A_586, %add3A_420] : memref<8x256x8192xf32, #tpu.memory_space<hbm>> -> memref<1x256x128xf32, #tpu.memory_space<hbm>>
    %dma_wait3A_588 = tpu.memref_squeeze %dma_wait3A_587 : memref<1x256x128xf32, #tpu.memory_space<hbm>> -> memref<256x128xf32, #tpu.memory_space<hbm>>
    tpu.wait_dma2 semaphore(%arg10 : memref<!tpu.dma_semaphore, #tpu.memory_space<semaphore_mem>>) src(%arg7 : memref<256x128xf32, #tpu.memory_space<vmem>>) dst(%dma_wait3A_588 : memref<256x128xf32, #tpu.memory_space<hbm>>)
    %add3A_589 = arith.constant 0 : i32
    %add3A_590 = vector.broadcast %add3A_589 : i32 to vector<16xi32>
    %add3A_591 = arith.addi %iota3A, %add3A_590 : vector<16xi32>
    tpu.vector_store_idx %arg7[%get3A_380, %add3A_591], %broadcast_in_dim3A_36 : memref<256x128xf32, #tpu.memory_space<vmem>>[vector<16xi32>, vector<16xi32>], vector<16xf32>,
    %add3A_592 = arith.constant 16 : i32
    %add3A_593 = vector.broadcast %add3A_592 : i32 to vector<16xi32>
    %add3A_594 = arith.addi %iota3A, %add3A_593 : vector<16xi32>
    tpu.vector_store_idx %arg7[%get3A_382, %add3A_594], %broadcast_in_dim3A_36 : memref<256x128xf32, #tpu.memory_space<vmem>>[vector<16xi32>, vector<16xi32>], vector<16xf32>,
    %add3A_595 = arith.constant 32 : i32
    %add3A_596 = vector.broadcast %add3A_595 : i32 to vector<16xi32>
    %add3A_597 = arith.addi %iota3A, %add3A_596 : vector<16xi32>
    tpu.vector_store_idx %arg7[%get3A_384, %add3A_597], %broadcast_in_dim3A_36 : memref<256x128xf32, #tpu.memory_space<vmem>>[vector<16xi32>, vector<16xi32>], vector<16xf32>,
    %add3A_598 = arith.constant 48 : i32
    %add3A_599 = vector.broadcast %add3A_598 : i32 to vector<16xi32>
    %add3A_600 = arith.addi %iota3A, %add3A_599 : vector<16xi32>
    tpu.vector_store_idx %arg7[%get3A_386, %add3A_600], %broadcast_in_dim3A_36 : memref<256x128xf32, #tpu.memory_space<vmem>>[vector<16xi32>, vector<16xi32>], vector<16xf32>,
    %add3A_601 = arith.constant 64 : i32
    %add3A_602 = vector.broadcast %add3A_601 : i32 to vector<16xi32>
    %add3A_603 = arith.addi %iota3A, %add3A_602 : vector<16xi32>
    tpu.vector_store_idx %arg7[%get3A_388, %add3A_603], %broadcast_in_dim3A_36 : memref<256x128xf32, #tpu.memory_space<vmem>>[vector<16xi32>, vector<16xi32>], vector<16xf32>,
    %add3A_604 = arith.constant 80 : i32
    %add3A_605 = vector.broadcast %add3A_604 : i32 to vector<16xi32>
    %add3A_606 = arith.addi %iota3A, %add3A_605 : vector<16xi32>
    tpu.vector_store_idx %arg7[%get3A_390, %add3A_606], %broadcast_in_dim3A_36 : memref<256x128xf32, #tpu.memory_space<vmem>>[vector<16xi32>, vector<16xi32>], vector<16xf32>,
    %add3A_607 = arith.constant 96 : i32
    %add3A_608 = vector.broadcast %add3A_607 : i32 to vector<16xi32>
    %add3A_609 = arith.addi %iota3A, %add3A_608 : vector<16xi32>
    tpu.vector_store_idx %arg7[%get3A_392, %add3A_609], %broadcast_in_dim3A_36 : memref<256x128xf32, #tpu.memory_space<vmem>>[vector<16xi32>, vector<16xi32>], vector<16xf32>,
    %add3A_610 = arith.constant 112 : i32
    %add3A_611 = vector.broadcast %add3A_610 : i32 to vector<16xi32>
    %add3A_612 = arith.addi %iota3A, %add3A_611 : vector<16xi32>
    tpu.vector_store_idx %arg7[%get3A_394, %add3A_612], %broadcast_in_dim3A_36 : memref<256x128xf32, #tpu.memory_space<vmem>>[vector<16xi32>, vector<16xi32>], vector<16xf32>,
    %get3A_613 = arith.constant 1024 : index
    %get3A_614 = tpu.vector_load %arg4[%get3A_613] {strides = array<i32>} : memref<2048xi32, #tpu.memory_space<vmem>>, vector<16xi32>,
    %get3A_615 = arith.constant 1040 : index
    %get3A_616 = tpu.vector_load %arg4[%get3A_615] {strides = array<i32>} : memref<2048xi32, #tpu.memory_space<vmem>>, vector<16xi32>,
    %get3A_617 = arith.constant 1056 : index
    %get3A_618 = tpu.vector_load %arg4[%get3A_617] {strides = array<i32>} : memref<2048xi32, #tpu.memory_space<vmem>>, vector<16xi32>,
    %get3A_619 = arith.constant 1072 : index
    %get3A_620 = tpu.vector_load %arg4[%get3A_619] {strides = array<i32>} : memref<2048xi32, #tpu.memory_space<vmem>>, vector<16xi32>,
    %get3A_621 = arith.constant 1088 : index
    %get3A_622 = tpu.vector_load %arg4[%get3A_621] {strides = array<i32>} : memref<2048xi32, #tpu.memory_space<vmem>>, vector<16xi32>,
    %get3A_623 = arith.constant 1104 : index
    %get3A_624 = tpu.vector_load %arg4[%get3A_623] {strides = array<i32>} : memref<2048xi32, #tpu.memory_space<vmem>>, vector<16xi32>,
    %get3A_625 = arith.constant 1120 : index
    %get3A_626 = tpu.vector_load %arg4[%get3A_625] {strides = array<i32>} : memref<2048xi32, #tpu.memory_space<vmem>>, vector<16xi32>,
    %get3A_627 = arith.constant 1136 : index
    %get3A_628 = tpu.vector_load %arg4[%get3A_627] {strides = array<i32>} : memref<2048xi32, #tpu.memory_space<vmem>>, vector<16xi32>,
    %add3A_629 = arith.constant 0 : i32
    %add3A_630 = vector.broadcast %add3A_629 : i32 to vector<16xi32>
    %add3A_631 = arith.addi %iota3A, %add3A_630 : vector<16xi32>
    tpu.vector_store_idx %arg7[%get3A_614, %add3A_631], %broadcast_in_dim3A_38 : memref<256x128xf32, #tpu.memory_space<vmem>>[vector<16xi32>, vector<16xi32>], vector<16xf32>,
    %add3A_632 = arith.constant 16 : i32
    %add3A_633 = vector.broadcast %add3A_632 : i32 to vector<16xi32>
    %add3A_634 = arith.addi %iota3A, %add3A_633 : vector<16xi32>
    tpu.vector_store_idx %arg7[%get3A_616, %add3A_634], %broadcast_in_dim3A_38 : memref<256x128xf32, #tpu.memory_space<vmem>>[vector<16xi32>, vector<16xi32>], vector<16xf32>,
    %add3A_635 = arith.constant 32 : i32
    %add3A_636 = vector.broadcast %add3A_635 : i32 to vector<16xi32>
    %add3A_637 = arith.addi %iota3A, %add3A_636 : vector<16xi32>
    tpu.vector_store_idx %arg7[%get3A_618, %add3A_637], %broadcast_in_dim3A_38 : memref<256x128xf32, #tpu.memory_space<vmem>>[vector<16xi32>, vector<16xi32>], vector<16xf32>,
    %add3A_638 = arith.constant 48 : i32
    %add3A_639 = vector.broadcast %add3A_638 : i32 to vector<16xi32>
    %add3A_640 = arith.addi %iota3A, %add3A_639 : vector<16xi32>
    tpu.vector_store_idx %arg7[%get3A_620, %add3A_640], %broadcast_in_dim3A_38 : memref<256x128xf32, #tpu.memory_space<vmem>>[vector<16xi32>, vector<16xi32>], vector<16xf32>,
    %add3A_641 = arith.constant 64 : i32
    %add3A_642 = vector.broadcast %add3A_641 : i32 to vector<16xi32>
    %add3A_643 = arith.addi %iota3A, %add3A_642 : vector<16xi32>
    tpu.vector_store_idx %arg7[%get3A_622, %add3A_643], %broadcast_in_dim3A_38 : memref<256x128xf32, #tpu.memory_space<vmem>>[vector<16xi32>, vector<16xi32>], vector<16xf32>,
    %add3A_644 = arith.constant 80 : i32
    %add3A_645 = vector.broadcast %add3A_644 : i32 to vector<16xi32>
    %add3A_646 = arith.addi %iota3A, %add3A_645 : vector<16xi32>
    tpu.vector_store_idx %arg7[%get3A_624, %add3A_646], %broadcast_in_dim3A_38 : memref<256x128xf32, #tpu.memory_space<vmem>>[vector<16xi32>, vector<16xi32>], vector<16xf32>,
    %add3A_647 = arith.constant 96 : i32
    %add3A_648 = vector.broadcast %add3A_647 : i32 to vector<16xi32>
    %add3A_649 = arith.addi %iota3A, %add3A_648 : vector<16xi32>
    tpu.vector_store_idx %arg7[%get3A_626, %add3A_649], %broadcast_in_dim3A_38 : memref<256x128xf32, #tpu.memory_space<vmem>>[vector<16xi32>, vector<16xi32>], vector<16xf32>,
    %add3A_650 = arith.constant 112 : i32
    %add3A_651 = vector.broadcast %add3A_650 : i32 to vector<16xi32>
    %add3A_652 = arith.addi %iota3A, %add3A_651 : vector<16xi32>
    tpu.vector_store_idx %arg7[%get3A_628, %add3A_652], %broadcast_in_dim3A_38 : memref<256x128xf32, #tpu.memory_space<vmem>>[vector<16xi32>, vector<16xi32>], vector<16xf32>,
    %add3A_653 = arith.constant 1024 : i32
    %add3A_654 = arith.addi %mul3A_32, %add3A_653 : i32
    %dma_start3A_655 = arith.constant 0 : i32
    %dma_start3A_656 = tpu.memref_slice %arg3[%select_n3A, %dma_start3A_655, %add3A_654] : memref<8x256x8192xf32, #tpu.memory_space<hbm>> -> memref<1x256x128xf32, #tpu.memory_space<hbm>>
    %dma_start3A_657 = tpu.memref_squeeze %dma_start3A_656 : memref<1x256x128xf32, #tpu.memory_space<hbm>> -> memref<256x128xf32, #tpu.memory_space<hbm>>
    %dma_start3A_658 = arith.constant 0 : i32
    %dma_start3A_659 = tpu.memref_slice %arg3[%select_n3A, %dma_start3A_658, %add3A_654] : memref<8x256x8192xf32, #tpu.memory_space<hbm>> -> memref<1x256x128xf32, #tpu.memory_space<hbm>>
    %dma_start3A_660 = tpu.memref_squeeze %dma_start3A_659 : memref<1x256x128xf32, #tpu.memory_space<hbm>> -> memref<256x128xf32, #tpu.memory_space<hbm>>
    tpu.enqueue_dma source(%arg7 : memref<256x128xf32, #tpu.memory_space<vmem>>) target(%dma_start3A_660 : memref<256x128xf32, #tpu.memory_space<hbm>>) target_semaphore(%arg10 : memref<!tpu.dma_semaphore, #tpu.memory_space<semaphore_mem>>)
    %dma_wait3A_661 = arith.constant 0 : i32
    %dma_wait3A_662 = tpu.memref_slice %arg3[%select_n3A, %dma_wait3A_661, %add3A_498] : memref<8x256x8192xf32, #tpu.memory_space<hbm>> -> memref<1x256x128xf32, #tpu.memory_space<hbm>>
    %dma_wait3A_663 = tpu.memref_squeeze %dma_wait3A_662 : memref<1x256x128xf32, #tpu.memory_space<hbm>> -> memref<256x128xf32, #tpu.memory_space<hbm>>
    %dma_wait3A_664 = arith.constant 0 : i32
    %dma_wait3A_665 = tpu.memref_slice %arg3[%select_n3A, %dma_wait3A_664, %add3A_498] : memref<8x256x8192xf32, #tpu.memory_space<hbm>> -> memref<1x256x128xf32, #tpu.memory_space<hbm>>
    %dma_wait3A_666 = tpu.memref_squeeze %dma_wait3A_665 : memref<1x256x128xf32, #tpu.memory_space<hbm>> -> memref<256x128xf32, #tpu.memory_space<hbm>>
    tpu.wait_dma2 semaphore(%arg8 : memref<!tpu.dma_semaphore, #tpu.memory_space<semaphore_mem>>) src(%arg5 : memref<256x128xf32, #tpu.memory_space<vmem>>) dst(%dma_wait3A_666 : memref<256x128xf32, #tpu.memory_space<hbm>>)
    %add3A_667 = arith.constant 0 : i32
    %add3A_668 = vector.broadcast %add3A_667 : i32 to vector<16xi32>
    %add3A_669 = arith.addi %iota3A, %add3A_668 : vector<16xi32>
    tpu.vector_store_idx %arg5[%get3A_458, %add3A_669], %broadcast_in_dim3A_36 : memref<256x128xf32, #tpu.memory_space<vmem>>[vector<16xi32>, vector<16xi32>], vector<16xf32>,
    %add3A_670 = arith.constant 16 : i32
    %add3A_671 = vector.broadcast %add3A_670 : i32 to vector<16xi32>
    %add3A_672 = arith.addi %iota3A, %add3A_671 : vector<16xi32>
    tpu.vector_store_idx %arg5[%get3A_460, %add3A_672], %broadcast_in_dim3A_36 : memref<256x128xf32, #tpu.memory_space<vmem>>[vector<16xi32>, vector<16xi32>], vector<16xf32>,
    %add3A_673 = arith.constant 32 : i32
    %add3A_674 = vector.broadcast %add3A_673 : i32 to vector<16xi32>
    %add3A_675 = arith.addi %iota3A, %add3A_674 : vector<16xi32>
    tpu.vector_store_idx %arg5[%get3A_462, %add3A_675], %broadcast_in_dim3A_36 : memref<256x128xf32, #tpu.memory_space<vmem>>[vector<16xi32>, vector<16xi32>], vector<16xf32>,
    %add3A_676 = arith.constant 48 : i32
    %add3A_677 = vector.broadcast %add3A_676 : i32 to vector<16xi32>
    %add3A_678 = arith.addi %iota3A, %add3A_677 : vector<16xi32>
    tpu.vector_store_idx %arg5[%get3A_464, %add3A_678], %broadcast_in_dim3A_36 : memref<256x128xf32, #tpu.memory_space<vmem>>[vector<16xi32>, vector<16xi32>], vector<16xf32>,
    %add3A_679 = arith.constant 64 : i32
    %add3A_680 = vector.broadcast %add3A_679 : i32 to vector<16xi32>
    %add3A_681 = arith.addi %iota3A, %add3A_680 : vector<16xi32>
    tpu.vector_store_idx %arg5[%get3A_466, %add3A_681], %broadcast_in_dim3A_36 : memref<256x128xf32, #tpu.memory_space<vmem>>[vector<16xi32>, vector<16xi32>], vector<16xf32>,
    %add3A_682 = arith.constant 80 : i32
    %add3A_683 = vector.broadcast %add3A_682 : i32 to vector<16xi32>
    %add3A_684 = arith.addi %iota3A, %add3A_683 : vector<16xi32>
    tpu.vector_store_idx %arg5[%get3A_468, %add3A_684], %broadcast_in_dim3A_36 : memref<256x128xf32, #tpu.memory_space<vmem>>[vector<16xi32>, vector<16xi32>], vector<16xf32>,
    %add3A_685 = arith.constant 96 : i32
    %add3A_686 = vector.broadcast %add3A_685 : i32 to vector<16xi32>
    %add3A_687 = arith.addi %iota3A, %add3A_686 : vector<16xi32>
    tpu.vector_store_idx %arg5[%get3A_470, %add3A_687], %broadcast_in_dim3A_36 : memref<256x128xf32, #tpu.memory_space<vmem>>[vector<16xi32>, vector<16xi32>], vector<16xf32>,
    %add3A_688 = arith.constant 112 : i32
    %add3A_689 = vector.broadcast %add3A_688 : i32 to vector<16xi32>
    %add3A_690 = arith.addi %iota3A, %add3A_689 : vector<16xi32>
    tpu.vector_store_idx %arg5[%get3A_472, %add3A_690], %broadcast_in_dim3A_36 : memref<256x128xf32, #tpu.memory_space<vmem>>[vector<16xi32>, vector<16xi32>], vector<16xf32>,
    %get3A_691 = arith.constant 1152 : index
    %get3A_692 = tpu.vector_load %arg4[%get3A_691] {strides = array<i32>} : memref<2048xi32, #tpu.memory_space<vmem>>, vector<16xi32>,
    %get3A_693 = arith.constant 1168 : index
    %get3A_694 = tpu.vector_load %arg4[%get3A_693] {strides = array<i32>} : memref<2048xi32, #tpu.memory_space<vmem>>, vector<16xi32>,
    %get3A_695 = arith.constant 1184 : index
    %get3A_696 = tpu.vector_load %arg4[%get3A_695] {strides = array<i32>} : memref<2048xi32, #tpu.memory_space<vmem>>, vector<16xi32>,
    %get3A_697 = arith.constant 1200 : index
    %get3A_698 = tpu.vector_load %arg4[%get3A_697] {strides = array<i32>} : memref<2048xi32, #tpu.memory_space<vmem>>, vector<16xi32>,
    %get3A_699 = arith.constant 1216 : index
    %get3A_700 = tpu.vector_load %arg4[%get3A_699] {strides = array<i32>} : memref<2048xi32, #tpu.memory_space<vmem>>, vector<16xi32>,
    %get3A_701 = arith.constant 1232 : index
    %get3A_702 = tpu.vector_load %arg4[%get3A_701] {strides = array<i32>} : memref<2048xi32, #tpu.memory_space<vmem>>, vector<16xi32>,
    %get3A_703 = arith.constant 1248 : index
    %get3A_704 = tpu.vector_load %arg4[%get3A_703] {strides = array<i32>} : memref<2048xi32, #tpu.memory_space<vmem>>, vector<16xi32>,
    %get3A_705 = arith.constant 1264 : index
    %get3A_706 = tpu.vector_load %arg4[%get3A_705] {strides = array<i32>} : memref<2048xi32, #tpu.memory_space<vmem>>, vector<16xi32>,
    %add3A_707 = arith.constant 0 : i32
    %add3A_708 = vector.broadcast %add3A_707 : i32 to vector<16xi32>
    %add3A_709 = arith.addi %iota3A, %add3A_708 : vector<16xi32>
    tpu.vector_store_idx %arg5[%get3A_692, %add3A_709], %broadcast_in_dim3A_38 : memref<256x128xf32, #tpu.memory_space<vmem>>[vector<16xi32>, vector<16xi32>], vector<16xf32>,
    %add3A_710 = arith.constant 16 : i32
    %add3A_711 = vector.broadcast %add3A_710 : i32 to vector<16xi32>
    %add3A_712 = arith.addi %iota3A, %add3A_711 : vector<16xi32>
    tpu.vector_store_idx %arg5[%get3A_694, %add3A_712], %broadcast_in_dim3A_38 : memref<256x128xf32, #tpu.memory_space<vmem>>[vector<16xi32>, vector<16xi32>], vector<16xf32>,
    %add3A_713 = arith.constant 32 : i32
    %add3A_714 = vector.broadcast %add3A_713 : i32 to vector<16xi32>
    %add3A_715 = arith.addi %iota3A, %add3A_714 : vector<16xi32>
    tpu.vector_store_idx %arg5[%get3A_696, %add3A_715], %broadcast_in_dim3A_38 : memref<256x128xf32, #tpu.memory_space<vmem>>[vector<16xi32>, vector<16xi32>], vector<16xf32>,
    %add3A_716 = arith.constant 48 : i32
    %add3A_717 = vector.broadcast %add3A_716 : i32 to vector<16xi32>
    %add3A_718 = arith.addi %iota3A, %add3A_717 : vector<16xi32>
    tpu.vector_store_idx %arg5[%get3A_698, %add3A_718], %broadcast_in_dim3A_38 : memref<256x128xf32, #tpu.memory_space<vmem>>[vector<16xi32>, vector<16xi32>], vector<16xf32>,
    %add3A_719 = arith.constant 64 : i32
    %add3A_720 = vector.broadcast %add3A_719 : i32 to vector<16xi32>
    %add3A_721 = arith.addi %iota3A, %add3A_720 : vector<16xi32>
    tpu.vector_store_idx %arg5[%get3A_700, %add3A_721], %broadcast_in_dim3A_38 : memref<256x128xf32, #tpu.memory_space<vmem>>[vector<16xi32>, vector<16xi32>], vector<16xf32>,
    %add3A_722 = arith.constant 80 : i32
    %add3A_723 = vector.broadcast %add3A_722 : i32 to vector<16xi32>
    %add3A_724 = arith.addi %iota3A, %add3A_723 : vector<16xi32>
    tpu.vector_store_idx %arg5[%get3A_702, %add3A_724], %broadcast_in_dim3A_38 : memref<256x128xf32, #tpu.memory_space<vmem>>[vector<16xi32>, vector<16xi32>], vector<16xf32>,
    %add3A_725 = arith.constant 96 : i32
    %add3A_726 = vector.broadcast %add3A_725 : i32 to vector<16xi32>
    %add3A_727 = arith.addi %iota3A, %add3A_726 : vector<16xi32>
    tpu.vector_store_idx %arg5[%get3A_704, %add3A_727], %broadcast_in_dim3A_38 : memref<256x128xf32, #tpu.memory_space<vmem>>[vector<16xi32>, vector<16xi32>], vector<16xf32>,
    %add3A_728 = arith.constant 112 : i32
    %add3A_729 = vector.broadcast %add3A_728 : i32 to vector<16xi32>
    %add3A_730 = arith.addi %iota3A, %add3A_729 : vector<16xi32>
    tpu.vector_store_idx %arg5[%get3A_706, %add3A_730], %broadcast_in_dim3A_38 : memref<256x128xf32, #tpu.memory_space<vmem>>[vector<16xi32>, vector<16xi32>], vector<16xf32>,
    %add3A_731 = arith.constant 1152 : i32
    %add3A_732 = arith.addi %mul3A_32, %add3A_731 : i32
    %dma_start3A_733 = arith.constant 0 : i32
    %dma_start3A_734 = tpu.memref_slice %arg3[%select_n3A, %dma_start3A_733, %add3A_732] : memref<8x256x8192xf32, #tpu.memory_space<hbm>> -> memref<1x256x128xf32, #tpu.memory_space<hbm>>
    %dma_start3A_735 = tpu.memref_squeeze %dma_start3A_734 : memref<1x256x128xf32, #tpu.memory_space<hbm>> -> memref<256x128xf32, #tpu.memory_space<hbm>>
    %dma_start3A_736 = arith.constant 0 : i32
    %dma_start3A_737 = tpu.memref_slice %arg3[%select_n3A, %dma_start3A_736, %add3A_732] : memref<8x256x8192xf32, #tpu.memory_space<hbm>> -> memref<1x256x128xf32, #tpu.memory_space<hbm>>
    %dma_start3A_738 = tpu.memref_squeeze %dma_start3A_737 : memref<1x256x128xf32, #tpu.memory_space<hbm>> -> memref<256x128xf32, #tpu.memory_space<hbm>>
    tpu.enqueue_dma source(%arg5 : memref<256x128xf32, #tpu.memory_space<vmem>>) target(%dma_start3A_738 : memref<256x128xf32, #tpu.memory_space<hbm>>) target_semaphore(%arg8 : memref<!tpu.dma_semaphore, #tpu.memory_space<semaphore_mem>>)
    %dma_wait3A_739 = arith.constant 0 : i32
    %dma_wait3A_740 = tpu.memref_slice %arg3[%select_n3A, %dma_wait3A_739, %add3A_576] : memref<8x256x8192xf32, #tpu.memory_space<hbm>> -> memref<1x256x128xf32, #tpu.memory_space<hbm>>
    %dma_wait3A_741 = tpu.memref_squeeze %dma_wait3A_740 : memref<1x256x128xf32, #tpu.memory_space<hbm>> -> memref<256x128xf32, #tpu.memory_space<hbm>>
    %dma_wait3A_742 = arith.constant 0 : i32
    %dma_wait3A_743 = tpu.memref_slice %arg3[%select_n3A, %dma_wait3A_742, %add3A_576] : memref<8x256x8192xf32, #tpu.memory_space<hbm>> -> memref<1x256x128xf32, #tpu.memory_space<hbm>>
    %dma_wait3A_744 = tpu.memref_squeeze %dma_wait3A_743 : memref<1x256x128xf32, #tpu.memory_space<hbm>> -> memref<256x128xf32, #tpu.memory_space<hbm>>
    tpu.wait_dma2 semaphore(%arg9 : memref<!tpu.dma_semaphore, #tpu.memory_space<semaphore_mem>>) src(%arg6 : memref<256x128xf32, #tpu.memory_space<vmem>>) dst(%dma_wait3A_744 : memref<256x128xf32, #tpu.memory_space<hbm>>)
    %add3A_745 = arith.constant 0 : i32
    %add3A_746 = vector.broadcast %add3A_745 : i32 to vector<16xi32>
    %add3A_747 = arith.addi %iota3A, %add3A_746 : vector<16xi32>
    tpu.vector_store_idx %arg6[%get3A_536, %add3A_747], %broadcast_in_dim3A_36 : memref<256x128xf32, #tpu.memory_space<vmem>>[vector<16xi32>, vector<16xi32>], vector<16xf32>,
    %add3A_748 = arith.constant 16 : i32
    %add3A_749 = vector.broadcast %add3A_748 : i32 to vector<16xi32>
    %add3A_750 = arith.addi %iota3A, %add3A_749 : vector<16xi32>
    tpu.vector_store_idx %arg6[%get3A_538, %add3A_750], %broadcast_in_dim3A_36 : memref<256x128xf32, #tpu.memory_space<vmem>>[vector<16xi32>, vector<16xi32>], vector<16xf32>,
    %add3A_751 = arith.constant 32 : i32
    %add3A_752 = vector.broadcast %add3A_751 : i32 to vector<16xi32>
    %add3A_753 = arith.addi %iota3A, %add3A_752 : vector<16xi32>
    tpu.vector_store_idx %arg6[%get3A_540, %add3A_753], %broadcast_in_dim3A_36 : memref<256x128xf32, #tpu.memory_space<vmem>>[vector<16xi32>, vector<16xi32>], vector<16xf32>,
    %add3A_754 = arith.constant 48 : i32
    %add3A_755 = vector.broadcast %add3A_754 : i32 to vector<16xi32>
    %add3A_756 = arith.addi %iota3A, %add3A_755 : vector<16xi32>
    tpu.vector_store_idx %arg6[%get3A_542, %add3A_756], %broadcast_in_dim3A_36 : memref<256x128xf32, #tpu.memory_space<vmem>>[vector<16xi32>, vector<16xi32>], vector<16xf32>,
    %add3A_757 = arith.constant 64 : i32
    %add3A_758 = vector.broadcast %add3A_757 : i32 to vector<16xi32>
    %add3A_759 = arith.addi %iota3A, %add3A_758 : vector<16xi32>
    tpu.vector_store_idx %arg6[%get3A_544, %add3A_759], %broadcast_in_dim3A_36 : memref<256x128xf32, #tpu.memory_space<vmem>>[vector<16xi32>, vector<16xi32>], vector<16xf32>,
    %add3A_760 = arith.constant 80 : i32
    %add3A_761 = vector.broadcast %add3A_760 : i32 to vector<16xi32>
    %add3A_762 = arith.addi %iota3A, %add3A_761 : vector<16xi32>
    tpu.vector_store_idx %arg6[%get3A_546, %add3A_762], %broadcast_in_dim3A_36 : memref<256x128xf32, #tpu.memory_space<vmem>>[vector<16xi32>, vector<16xi32>], vector<16xf32>,
    %add3A_763 = arith.constant 96 : i32
    %add3A_764 = vector.broadcast %add3A_763 : i32 to vector<16xi32>
    %add3A_765 = arith.addi %iota3A, %add3A_764 : vector<16xi32>
    tpu.vector_store_idx %arg6[%get3A_548, %add3A_765], %broadcast_in_dim3A_36 : memref<256x128xf32, #tpu.memory_space<vmem>>[vector<16xi32>, vector<16xi32>], vector<16xf32>,
    %add3A_766 = arith.constant 112 : i32
    %add3A_767 = vector.broadcast %add3A_766 : i32 to vector<16xi32>
    %add3A_768 = arith.addi %iota3A, %add3A_767 : vector<16xi32>
    tpu.vector_store_idx %arg6[%get3A_550, %add3A_768], %broadcast_in_dim3A_36 : memref<256x128xf32, #tpu.memory_space<vmem>>[vector<16xi32>, vector<16xi32>], vector<16xf32>,
    %get3A_769 = arith.constant 1280 : index
    %get3A_770 = tpu.vector_load %arg4[%get3A_769] {strides = array<i32>} : memref<2048xi32, #tpu.memory_space<vmem>>, vector<16xi32>,
    %get3A_771 = arith.constant 1296 : index
    %get3A_772 = tpu.vector_load %arg4[%get3A_771] {strides = array<i32>} : memref<2048xi32, #tpu.memory_space<vmem>>, vector<16xi32>,
    %get3A_773 = arith.constant 1312 : index
    %get3A_774 = tpu.vector_load %arg4[%get3A_773] {strides = array<i32>} : memref<2048xi32, #tpu.memory_space<vmem>>, vector<16xi32>,
    %get3A_775 = arith.constant 1328 : index
    %get3A_776 = tpu.vector_load %arg4[%get3A_775] {strides = array<i32>} : memref<2048xi32, #tpu.memory_space<vmem>>, vector<16xi32>,
    %get3A_777 = arith.constant 1344 : index
    %get3A_778 = tpu.vector_load %arg4[%get3A_777] {strides = array<i32>} : memref<2048xi32, #tpu.memory_space<vmem>>, vector<16xi32>,
    %get3A_779 = arith.constant 1360 : index
    %get3A_780 = tpu.vector_load %arg4[%get3A_779] {strides = array<i32>} : memref<2048xi32, #tpu.memory_space<vmem>>, vector<16xi32>,
    %get3A_781 = arith.constant 1376 : index
    %get3A_782 = tpu.vector_load %arg4[%get3A_781] {strides = array<i32>} : memref<2048xi32, #tpu.memory_space<vmem>>, vector<16xi32>,
    %get3A_783 = arith.constant 1392 : index
    %get3A_784 = tpu.vector_load %arg4[%get3A_783] {strides = array<i32>} : memref<2048xi32, #tpu.memory_space<vmem>>, vector<16xi32>,
    %add3A_785 = arith.constant 0 : i32
    %add3A_786 = vector.broadcast %add3A_785 : i32 to vector<16xi32>
    %add3A_787 = arith.addi %iota3A, %add3A_786 : vector<16xi32>
    tpu.vector_store_idx %arg6[%get3A_770, %add3A_787], %broadcast_in_dim3A_38 : memref<256x128xf32, #tpu.memory_space<vmem>>[vector<16xi32>, vector<16xi32>], vector<16xf32>,
    %add3A_788 = arith.constant 16 : i32
    %add3A_789 = vector.broadcast %add3A_788 : i32 to vector<16xi32>
    %add3A_790 = arith.addi %iota3A, %add3A_789 : vector<16xi32>
    tpu.vector_store_idx %arg6[%get3A_772, %add3A_790], %broadcast_in_dim3A_38 : memref<256x128xf32, #tpu.memory_space<vmem>>[vector<16xi32>, vector<16xi32>], vector<16xf32>,
    %add3A_791 = arith.constant 32 : i32
    %add3A_792 = vector.broadcast %add3A_791 : i32 to vector<16xi32>
    %add3A_793 = arith.addi %iota3A, %add3A_792 : vector<16xi32>
    tpu.vector_store_idx %arg6[%get3A_774, %add3A_793], %broadcast_in_dim3A_38 : memref<256x128xf32, #tpu.memory_space<vmem>>[vector<16xi32>, vector<16xi32>], vector<16xf32>,
    %add3A_794 = arith.constant 48 : i32
    %add3A_795 = vector.broadcast %add3A_794 : i32 to vector<16xi32>
    %add3A_796 = arith.addi %iota3A, %add3A_795 : vector<16xi32>
    tpu.vector_store_idx %arg6[%get3A_776, %add3A_796], %broadcast_in_dim3A_38 : memref<256x128xf32, #tpu.memory_space<vmem>>[vector<16xi32>, vector<16xi32>], vector<16xf32>,
    %add3A_797 = arith.constant 64 : i32
    %add3A_798 = vector.broadcast %add3A_797 : i32 to vector<16xi32>
    %add3A_799 = arith.addi %iota3A, %add3A_798 : vector<16xi32>
    tpu.vector_store_idx %arg6[%get3A_778, %add3A_799], %broadcast_in_dim3A_38 : memref<256x128xf32, #tpu.memory_space<vmem>>[vector<16xi32>, vector<16xi32>], vector<16xf32>,
    %add3A_800 = arith.constant 80 : i32
    %add3A_801 = vector.broadcast %add3A_800 : i32 to vector<16xi32>
    %add3A_802 = arith.addi %iota3A, %add3A_801 : vector<16xi32>
    tpu.vector_store_idx %arg6[%get3A_780, %add3A_802], %broadcast_in_dim3A_38 : memref<256x128xf32, #tpu.memory_space<vmem>>[vector<16xi32>, vector<16xi32>], vector<16xf32>,
    %add3A_803 = arith.constant 96 : i32
    %add3A_804 = vector.broadcast %add3A_803 : i32 to vector<16xi32>
    %add3A_805 = arith.addi %iota3A, %add3A_804 : vector<16xi32>
    tpu.vector_store_idx %arg6[%get3A_782, %add3A_805], %broadcast_in_dim3A_38 : memref<256x128xf32, #tpu.memory_space<vmem>>[vector<16xi32>, vector<16xi32>], vector<16xf32>,
    %add3A_806 = arith.constant 112 : i32
    %add3A_807 = vector.broadcast %add3A_806 : i32 to vector<16xi32>
    %add3A_808 = arith.addi %iota3A, %add3A_807 : vector<16xi32>
    tpu.vector_store_idx %arg6[%get3A_784, %add3A_808], %broadcast_in_dim3A_38 : memref<256x128xf32, #tpu.memory_space<vmem>>[vector<16xi32>, vector<16xi32>], vector<16xf32>,
    %add3A_809 = arith.constant 1280 : i32
    %add3A_810 = arith.addi %mul3A_32, %add3A_809 : i32
    %dma_start3A_811 = arith.constant 0 : i32
    %dma_start3A_812 = tpu.memref_slice %arg3[%select_n3A, %dma_start3A_811, %add3A_810] : memref<8x256x8192xf32, #tpu.memory_space<hbm>> -> memref<1x256x128xf32, #tpu.memory_space<hbm>>
    %dma_start3A_813 = tpu.memref_squeeze %dma_start3A_812 : memref<1x256x128xf32, #tpu.memory_space<hbm>> -> memref<256x128xf32, #tpu.memory_space<hbm>>
    %dma_start3A_814 = arith.constant 0 : i32
    %dma_start3A_815 = tpu.memref_slice %arg3[%select_n3A, %dma_start3A_814, %add3A_810] : memref<8x256x8192xf32, #tpu.memory_space<hbm>> -> memref<1x256x128xf32, #tpu.memory_space<hbm>>
    %dma_start3A_816 = tpu.memref_squeeze %dma_start3A_815 : memref<1x256x128xf32, #tpu.memory_space<hbm>> -> memref<256x128xf32, #tpu.memory_space<hbm>>
    tpu.enqueue_dma source(%arg6 : memref<256x128xf32, #tpu.memory_space<vmem>>) target(%dma_start3A_816 : memref<256x128xf32, #tpu.memory_space<hbm>>) target_semaphore(%arg9 : memref<!tpu.dma_semaphore, #tpu.memory_space<semaphore_mem>>)
    %dma_wait3A_817 = arith.constant 0 : i32
    %dma_wait3A_818 = tpu.memref_slice %arg3[%select_n3A, %dma_wait3A_817, %add3A_654] : memref<8x256x8192xf32, #tpu.memory_space<hbm>> -> memref<1x256x128xf32, #tpu.memory_space<hbm>>
    %dma_wait3A_819 = tpu.memref_squeeze %dma_wait3A_818 : memref<1x256x128xf32, #tpu.memory_space<hbm>> -> memref<256x128xf32, #tpu.memory_space<hbm>>
    %dma_wait3A_820 = arith.constant 0 : i32
    %dma_wait3A_821 = tpu.memref_slice %arg3[%select_n3A, %dma_wait3A_820, %add3A_654] : memref<8x256x8192xf32, #tpu.memory_space<hbm>> -> memref<1x256x128xf32, #tpu.memory_space<hbm>>
    %dma_wait3A_822 = tpu.memref_squeeze %dma_wait3A_821 : memref<1x256x128xf32, #tpu.memory_space<hbm>> -> memref<256x128xf32, #tpu.memory_space<hbm>>
    tpu.wait_dma2 semaphore(%arg10 : memref<!tpu.dma_semaphore, #tpu.memory_space<semaphore_mem>>) src(%arg7 : memref<256x128xf32, #tpu.memory_space<vmem>>) dst(%dma_wait3A_822 : memref<256x128xf32, #tpu.memory_space<hbm>>)
    %add3A_823 = arith.constant 0 : i32
    %add3A_824 = vector.broadcast %add3A_823 : i32 to vector<16xi32>
    %add3A_825 = arith.addi %iota3A, %add3A_824 : vector<16xi32>
    tpu.vector_store_idx %arg7[%get3A_614, %add3A_825], %broadcast_in_dim3A_36 : memref<256x128xf32, #tpu.memory_space<vmem>>[vector<16xi32>, vector<16xi32>], vector<16xf32>,
    %add3A_826 = arith.constant 16 : i32
    %add3A_827 = vector.broadcast %add3A_826 : i32 to vector<16xi32>
    %add3A_828 = arith.addi %iota3A, %add3A_827 : vector<16xi32>
    tpu.vector_store_idx %arg7[%get3A_616, %add3A_828], %broadcast_in_dim3A_36 : memref<256x128xf32, #tpu.memory_space<vmem>>[vector<16xi32>, vector<16xi32>], vector<16xf32>,
    %add3A_829 = arith.constant 32 : i32
    %add3A_830 = vector.broadcast %add3A_829 : i32 to vector<16xi32>
    %add3A_831 = arith.addi %iota3A, %add3A_830 : vector<16xi32>
    tpu.vector_store_idx %arg7[%get3A_618, %add3A_831], %broadcast_in_dim3A_36 : memref<256x128xf32, #tpu.memory_space<vmem>>[vector<16xi32>, vector<16xi32>], vector<16xf32>,
    %add3A_832 = arith.constant 48 : i32
    %add3A_833 = vector.broadcast %add3A_832 : i32 to vector<16xi32>
    %add3A_834 = arith.addi %iota3A, %add3A_833 : vector<16xi32>
    tpu.vector_store_idx %arg7[%get3A_620, %add3A_834], %broadcast_in_dim3A_36 : memref<256x128xf32, #tpu.memory_space<vmem>>[vector<16xi32>, vector<16xi32>], vector<16xf32>,
    %add3A_835 = arith.constant 64 : i32
    %add3A_836 = vector.broadcast %add3A_835 : i32 to vector<16xi32>
    %add3A_837 = arith.addi %iota3A, %add3A_836 : vector<16xi32>
    tpu.vector_store_idx %arg7[%get3A_622, %add3A_837], %broadcast_in_dim3A_36 : memref<256x128xf32, #tpu.memory_space<vmem>>[vector<16xi32>, vector<16xi32>], vector<16xf32>,
    %add3A_838 = arith.constant 80 : i32
    %add3A_839 = vector.broadcast %add3A_838 : i32 to vector<16xi32>
    %add3A_840 = arith.addi %iota3A, %add3A_839 : vector<16xi32>
    tpu.vector_store_idx %arg7[%get3A_624, %add3A_840], %broadcast_in_dim3A_36 : memref<256x128xf32, #tpu.memory_space<vmem>>[vector<16xi32>, vector<16xi32>], vector<16xf32>,
    %add3A_841 = arith.constant 96 : i32
    %add3A_842 = vector.broadcast %add3A_841 : i32 to vector<16xi32>
    %add3A_843 = arith.addi %iota3A, %add3A_842 : vector<16xi32>
    tpu.vector_store_idx %arg7[%get3A_626, %add3A_843], %broadcast_in_dim3A_36 : memref<256x128xf32, #tpu.memory_space<vmem>>[vector<16xi32>, vector<16xi32>], vector<16xf32>,
    %add3A_844 = arith.constant 112 : i32
    %add3A_845 = vector.broadcast %add3A_844 : i32 to vector<16xi32>
    %add3A_846 = arith.addi %iota3A, %add3A_845 : vector<16xi32>
    tpu.vector_store_idx %arg7[%get3A_628, %add3A_846], %broadcast_in_dim3A_36 : memref<256x128xf32, #tpu.memory_space<vmem>>[vector<16xi32>, vector<16xi32>], vector<16xf32>,
    %get3A_847 = arith.constant 1408 : index
    %get3A_848 = tpu.vector_load %arg4[%get3A_847] {strides = array<i32>} : memref<2048xi32, #tpu.memory_space<vmem>>, vector<16xi32>,
    %get3A_849 = arith.constant 1424 : index
    %get3A_850 = tpu.vector_load %arg4[%get3A_849] {strides = array<i32>} : memref<2048xi32, #tpu.memory_space<vmem>>, vector<16xi32>,
    %get3A_851 = arith.constant 1440 : index
    %get3A_852 = tpu.vector_load %arg4[%get3A_851] {strides = array<i32>} : memref<2048xi32, #tpu.memory_space<vmem>>, vector<16xi32>,
    %get3A_853 = arith.constant 1456 : index
    %get3A_854 = tpu.vector_load %arg4[%get3A_853] {strides = array<i32>} : memref<2048xi32, #tpu.memory_space<vmem>>, vector<16xi32>,
    %get3A_855 = arith.constant 1472 : index
    %get3A_856 = tpu.vector_load %arg4[%get3A_855] {strides = array<i32>} : memref<2048xi32, #tpu.memory_space<vmem>>, vector<16xi32>,
    %get3A_857 = arith.constant 1488 : index
    %get3A_858 = tpu.vector_load %arg4[%get3A_857] {strides = array<i32>} : memref<2048xi32, #tpu.memory_space<vmem>>, vector<16xi32>,
    %get3A_859 = arith.constant 1504 : index
    %get3A_860 = tpu.vector_load %arg4[%get3A_859] {strides = array<i32>} : memref<2048xi32, #tpu.memory_space<vmem>>, vector<16xi32>,
    %get3A_861 = arith.constant 1520 : index
    %get3A_862 = tpu.vector_load %arg4[%get3A_861] {strides = array<i32>} : memref<2048xi32, #tpu.memory_space<vmem>>, vector<16xi32>,
    %add3A_863 = arith.constant 0 : i32
    %add3A_864 = vector.broadcast %add3A_863 : i32 to vector<16xi32>
    %add3A_865 = arith.addi %iota3A, %add3A_864 : vector<16xi32>
    tpu.vector_store_idx %arg7[%get3A_848, %add3A_865], %broadcast_in_dim3A_38 : memref<256x128xf32, #tpu.memory_space<vmem>>[vector<16xi32>, vector<16xi32>], vector<16xf32>,
    %add3A_866 = arith.constant 16 : i32
    %add3A_867 = vector.broadcast %add3A_866 : i32 to vector<16xi32>
    %add3A_868 = arith.addi %iota3A, %add3A_867 : vector<16xi32>
    tpu.vector_store_idx %arg7[%get3A_850, %add3A_868], %broadcast_in_dim3A_38 : memref<256x128xf32, #tpu.memory_space<vmem>>[vector<16xi32>, vector<16xi32>], vector<16xf32>,
    %add3A_869 = arith.constant 32 : i32
    %add3A_870 = vector.broadcast %add3A_869 : i32 to vector<16xi32>
    %add3A_871 = arith.addi %iota3A, %add3A_870 : vector<16xi32>
    tpu.vector_store_idx %arg7[%get3A_852, %add3A_871], %broadcast_in_dim3A_38 : memref<256x128xf32, #tpu.memory_space<vmem>>[vector<16xi32>, vector<16xi32>], vector<16xf32>,
    %add3A_872 = arith.constant 48 : i32
    %add3A_873 = vector.broadcast %add3A_872 : i32 to vector<16xi32>
    %add3A_874 = arith.addi %iota3A, %add3A_873 : vector<16xi32>
    tpu.vector_store_idx %arg7[%get3A_854, %add3A_874], %broadcast_in_dim3A_38 : memref<256x128xf32, #tpu.memory_space<vmem>>[vector<16xi32>, vector<16xi32>], vector<16xf32>,
    %add3A_875 = arith.constant 64 : i32
    %add3A_876 = vector.broadcast %add3A_875 : i32 to vector<16xi32>
    %add3A_877 = arith.addi %iota3A, %add3A_876 : vector<16xi32>
    tpu.vector_store_idx %arg7[%get3A_856, %add3A_877], %broadcast_in_dim3A_38 : memref<256x128xf32, #tpu.memory_space<vmem>>[vector<16xi32>, vector<16xi32>], vector<16xf32>,
    %add3A_878 = arith.constant 80 : i32
    %add3A_879 = vector.broadcast %add3A_878 : i32 to vector<16xi32>
    %add3A_880 = arith.addi %iota3A, %add3A_879 : vector<16xi32>
    tpu.vector_store_idx %arg7[%get3A_858, %add3A_880], %broadcast_in_dim3A_38 : memref<256x128xf32, #tpu.memory_space<vmem>>[vector<16xi32>, vector<16xi32>], vector<16xf32>,
    %add3A_881 = arith.constant 96 : i32
    %add3A_882 = vector.broadcast %add3A_881 : i32 to vector<16xi32>
    %add3A_883 = arith.addi %iota3A, %add3A_882 : vector<16xi32>
    tpu.vector_store_idx %arg7[%get3A_860, %add3A_883], %broadcast_in_dim3A_38 : memref<256x128xf32, #tpu.memory_space<vmem>>[vector<16xi32>, vector<16xi32>], vector<16xf32>,
    %add3A_884 = arith.constant 112 : i32
    %add3A_885 = vector.broadcast %add3A_884 : i32 to vector<16xi32>
    %add3A_886 = arith.addi %iota3A, %add3A_885 : vector<16xi32>
    tpu.vector_store_idx %arg7[%get3A_862, %add3A_886], %broadcast_in_dim3A_38 : memref<256x128xf32, #tpu.memory_space<vmem>>[vector<16xi32>, vector<16xi32>], vector<16xf32>,
    %add3A_887 = arith.constant 1408 : i32
    %add3A_888 = arith.addi %mul3A_32, %add3A_887 : i32
    %dma_start3A_889 = arith.constant 0 : i32
    %dma_start3A_890 = tpu.memref_slice %arg3[%select_n3A, %dma_start3A_889, %add3A_888] : memref<8x256x8192xf32, #tpu.memory_space<hbm>> -> memref<1x256x128xf32, #tpu.memory_space<hbm>>
    %dma_start3A_891 = tpu.memref_squeeze %dma_start3A_890 : memref<1x256x128xf32, #tpu.memory_space<hbm>> -> memref<256x128xf32, #tpu.memory_space<hbm>>
    %dma_start3A_892 = arith.constant 0 : i32
    %dma_start3A_893 = tpu.memref_slice %arg3[%select_n3A, %dma_start3A_892, %add3A_888] : memref<8x256x8192xf32, #tpu.memory_space<hbm>> -> memref<1x256x128xf32, #tpu.memory_space<hbm>>
    %dma_start3A_894 = tpu.memref_squeeze %dma_start3A_893 : memref<1x256x128xf32, #tpu.memory_space<hbm>> -> memref<256x128xf32, #tpu.memory_space<hbm>>
    tpu.enqueue_dma source(%arg7 : memref<256x128xf32, #tpu.memory_space<vmem>>) target(%dma_start3A_894 : memref<256x128xf32, #tpu.memory_space<hbm>>) target_semaphore(%arg10 : memref<!tpu.dma_semaphore, #tpu.memory_space<semaphore_mem>>)
    %dma_wait3A_895 = arith.constant 0 : i32
    %dma_wait3A_896 = tpu.memref_slice %arg3[%select_n3A, %dma_wait3A_895, %add3A_732] : memref<8x256x8192xf32, #tpu.memory_space<hbm>> -> memref<1x256x128xf32, #tpu.memory_space<hbm>>
    %dma_wait3A_897 = tpu.memref_squeeze %dma_wait3A_896 : memref<1x256x128xf32, #tpu.memory_space<hbm>> -> memref<256x128xf32, #tpu.memory_space<hbm>>
    %dma_wait3A_898 = arith.constant 0 : i32
    %dma_wait3A_899 = tpu.memref_slice %arg3[%select_n3A, %dma_wait3A_898, %add3A_732] : memref<8x256x8192xf32, #tpu.memory_space<hbm>> -> memref<1x256x128xf32, #tpu.memory_space<hbm>>
    %dma_wait3A_900 = tpu.memref_squeeze %dma_wait3A_899 : memref<1x256x128xf32, #tpu.memory_space<hbm>> -> memref<256x128xf32, #tpu.memory_space<hbm>>
    tpu.wait_dma2 semaphore(%arg8 : memref<!tpu.dma_semaphore, #tpu.memory_space<semaphore_mem>>) src(%arg5 : memref<256x128xf32, #tpu.memory_space<vmem>>) dst(%dma_wait3A_900 : memref<256x128xf32, #tpu.memory_space<hbm>>)
    %add3A_901 = arith.constant 0 : i32
    %add3A_902 = vector.broadcast %add3A_901 : i32 to vector<16xi32>
    %add3A_903 = arith.addi %iota3A, %add3A_902 : vector<16xi32>
    tpu.vector_store_idx %arg5[%get3A_692, %add3A_903], %broadcast_in_dim3A_36 : memref<256x128xf32, #tpu.memory_space<vmem>>[vector<16xi32>, vector<16xi32>], vector<16xf32>,
    %add3A_904 = arith.constant 16 : i32
    %add3A_905 = vector.broadcast %add3A_904 : i32 to vector<16xi32>
    %add3A_906 = arith.addi %iota3A, %add3A_905 : vector<16xi32>
    tpu.vector_store_idx %arg5[%get3A_694, %add3A_906], %broadcast_in_dim3A_36 : memref<256x128xf32, #tpu.memory_space<vmem>>[vector<16xi32>, vector<16xi32>], vector<16xf32>,
    %add3A_907 = arith.constant 32 : i32
    %add3A_908 = vector.broadcast %add3A_907 : i32 to vector<16xi32>
    %add3A_909 = arith.addi %iota3A, %add3A_908 : vector<16xi32>
    tpu.vector_store_idx %arg5[%get3A_696, %add3A_909], %broadcast_in_dim3A_36 : memref<256x128xf32, #tpu.memory_space<vmem>>[vector<16xi32>, vector<16xi32>], vector<16xf32>,
    %add3A_910 = arith.constant 48 : i32
    %add3A_911 = vector.broadcast %add3A_910 : i32 to vector<16xi32>
    %add3A_912 = arith.addi %iota3A, %add3A_911 : vector<16xi32>
    tpu.vector_store_idx %arg5[%get3A_698, %add3A_912], %broadcast_in_dim3A_36 : memref<256x128xf32, #tpu.memory_space<vmem>>[vector<16xi32>, vector<16xi32>], vector<16xf32>,
    %add3A_913 = arith.constant 64 : i32
    %add3A_914 = vector.broadcast %add3A_913 : i32 to vector<16xi32>
    %add3A_915 = arith.addi %iota3A, %add3A_914 : vector<16xi32>
    tpu.vector_store_idx %arg5[%get3A_700, %add3A_915], %broadcast_in_dim3A_36 : memref<256x128xf32, #tpu.memory_space<vmem>>[vector<16xi32>, vector<16xi32>], vector<16xf32>,
    %add3A_916 = arith.constant 80 : i32
    %add3A_917 = vector.broadcast %add3A_916 : i32 to vector<16xi32>
    %add3A_918 = arith.addi %iota3A, %add3A_917 : vector<16xi32>
    tpu.vector_store_idx %arg5[%get3A_702, %add3A_918], %broadcast_in_dim3A_36 : memref<256x128xf32, #tpu.memory_space<vmem>>[vector<16xi32>, vector<16xi32>], vector<16xf32>,
    %add3A_919 = arith.constant 96 : i32
    %add3A_920 = vector.broadcast %add3A_919 : i32 to vector<16xi32>
    %add3A_921 = arith.addi %iota3A, %add3A_920 : vector<16xi32>
    tpu.vector_store_idx %arg5[%get3A_704, %add3A_921], %broadcast_in_dim3A_36 : memref<256x128xf32, #tpu.memory_space<vmem>>[vector<16xi32>, vector<16xi32>], vector<16xf32>,
    %add3A_922 = arith.constant 112 : i32
    %add3A_923 = vector.broadcast %add3A_922 : i32 to vector<16xi32>
    %add3A_924 = arith.addi %iota3A, %add3A_923 : vector<16xi32>
    tpu.vector_store_idx %arg5[%get3A_706, %add3A_924], %broadcast_in_dim3A_36 : memref<256x128xf32, #tpu.memory_space<vmem>>[vector<16xi32>, vector<16xi32>], vector<16xf32>,
    %get3A_925 = arith.constant 1536 : index
    %get3A_926 = tpu.vector_load %arg4[%get3A_925] {strides = array<i32>} : memref<2048xi32, #tpu.memory_space<vmem>>, vector<16xi32>,
    %get3A_927 = arith.constant 1552 : index
    %get3A_928 = tpu.vector_load %arg4[%get3A_927] {strides = array<i32>} : memref<2048xi32, #tpu.memory_space<vmem>>, vector<16xi32>,
    %get3A_929 = arith.constant 1568 : index
    %get3A_930 = tpu.vector_load %arg4[%get3A_929] {strides = array<i32>} : memref<2048xi32, #tpu.memory_space<vmem>>, vector<16xi32>,
    %get3A_931 = arith.constant 1584 : index
    %get3A_932 = tpu.vector_load %arg4[%get3A_931] {strides = array<i32>} : memref<2048xi32, #tpu.memory_space<vmem>>, vector<16xi32>,
    %get3A_933 = arith.constant 1600 : index
    %get3A_934 = tpu.vector_load %arg4[%get3A_933] {strides = array<i32>} : memref<2048xi32, #tpu.memory_space<vmem>>, vector<16xi32>,
    %get3A_935 = arith.constant 1616 : index
    %get3A_936 = tpu.vector_load %arg4[%get3A_935] {strides = array<i32>} : memref<2048xi32, #tpu.memory_space<vmem>>, vector<16xi32>,
    %get3A_937 = arith.constant 1632 : index
    %get3A_938 = tpu.vector_load %arg4[%get3A_937] {strides = array<i32>} : memref<2048xi32, #tpu.memory_space<vmem>>, vector<16xi32>,
    %get3A_939 = arith.constant 1648 : index
    %get3A_940 = tpu.vector_load %arg4[%get3A_939] {strides = array<i32>} : memref<2048xi32, #tpu.memory_space<vmem>>, vector<16xi32>,
    %add3A_941 = arith.constant 0 : i32
    %add3A_942 = vector.broadcast %add3A_941 : i32 to vector<16xi32>
    %add3A_943 = arith.addi %iota3A, %add3A_942 : vector<16xi32>
    tpu.vector_store_idx %arg5[%get3A_926, %add3A_943], %broadcast_in_dim3A_38 : memref<256x128xf32, #tpu.memory_space<vmem>>[vector<16xi32>, vector<16xi32>], vector<16xf32>,
    %add3A_944 = arith.constant 16 : i32
    %add3A_945 = vector.broadcast %add3A_944 : i32 to vector<16xi32>
    %add3A_946 = arith.addi %iota3A, %add3A_945 : vector<16xi32>
    tpu.vector_store_idx %arg5[%get3A_928, %add3A_946], %broadcast_in_dim3A_38 : memref<256x128xf32, #tpu.memory_space<vmem>>[vector<16xi32>, vector<16xi32>], vector<16xf32>,
    %add3A_947 = arith.constant 32 : i32
    %add3A_948 = vector.broadcast %add3A_947 : i32 to vector<16xi32>
    %add3A_949 = arith.addi %iota3A, %add3A_948 : vector<16xi32>
    tpu.vector_store_idx %arg5[%get3A_930, %add3A_949], %broadcast_in_dim3A_38 : memref<256x128xf32, #tpu.memory_space<vmem>>[vector<16xi32>, vector<16xi32>], vector<16xf32>,
    %add3A_950 = arith.constant 48 : i32
    %add3A_951 = vector.broadcast %add3A_950 : i32 to vector<16xi32>
    %add3A_952 = arith.addi %iota3A, %add3A_951 : vector<16xi32>
    tpu.vector_store_idx %arg5[%get3A_932, %add3A_952], %broadcast_in_dim3A_38 : memref<256x128xf32, #tpu.memory_space<vmem>>[vector<16xi32>, vector<16xi32>], vector<16xf32>,
    %add3A_953 = arith.constant 64 : i32
    %add3A_954 = vector.broadcast %add3A_953 : i32 to vector<16xi32>
    %add3A_955 = arith.addi %iota3A, %add3A_954 : vector<16xi32>
    tpu.vector_store_idx %arg5[%get3A_934, %add3A_955], %broadcast_in_dim3A_38 : memref<256x128xf32, #tpu.memory_space<vmem>>[vector<16xi32>, vector<16xi32>], vector<16xf32>,
    %add3A_956 = arith.constant 80 : i32
    %add3A_957 = vector.broadcast %add3A_956 : i32 to vector<16xi32>
    %add3A_958 = arith.addi %iota3A, %add3A_957 : vector<16xi32>
    tpu.vector_store_idx %arg5[%get3A_936, %add3A_958], %broadcast_in_dim3A_38 : memref<256x128xf32, #tpu.memory_space<vmem>>[vector<16xi32>, vector<16xi32>], vector<16xf32>,
    %add3A_959 = arith.constant 96 : i32
    %add3A_960 = vector.broadcast %add3A_959 : i32 to vector<16xi32>
    %add3A_961 = arith.addi %iota3A, %add3A_960 : vector<16xi32>
    tpu.vector_store_idx %arg5[%get3A_938, %add3A_961], %broadcast_in_dim3A_38 : memref<256x128xf32, #tpu.memory_space<vmem>>[vector<16xi32>, vector<16xi32>], vector<16xf32>,
    %add3A_962 = arith.constant 112 : i32
    %add3A_963 = vector.broadcast %add3A_962 : i32 to vector<16xi32>
    %add3A_964 = arith.addi %iota3A, %add3A_963 : vector<16xi32>
    tpu.vector_store_idx %arg5[%get3A_940, %add3A_964], %broadcast_in_dim3A_38 : memref<256x128xf32, #tpu.memory_space<vmem>>[vector<16xi32>, vector<16xi32>], vector<16xf32>,
    %add3A_965 = arith.constant 1536 : i32
    %add3A_966 = arith.addi %mul3A_32, %add3A_965 : i32
    %dma_start3A_967 = arith.constant 0 : i32
    %dma_start3A_968 = tpu.memref_slice %arg3[%select_n3A, %dma_start3A_967, %add3A_966] : memref<8x256x8192xf32, #tpu.memory_space<hbm>> -> memref<1x256x128xf32, #tpu.memory_space<hbm>>
    %dma_start3A_969 = tpu.memref_squeeze %dma_start3A_968 : memref<1x256x128xf32, #tpu.memory_space<hbm>> -> memref<256x128xf32, #tpu.memory_space<hbm>>
    %dma_start3A_970 = arith.constant 0 : i32
    %dma_start3A_971 = tpu.memref_slice %arg3[%select_n3A, %dma_start3A_970, %add3A_966] : memref<8x256x8192xf32, #tpu.memory_space<hbm>> -> memref<1x256x128xf32, #tpu.memory_space<hbm>>
    %dma_start3A_972 = tpu.memref_squeeze %dma_start3A_971 : memref<1x256x128xf32, #tpu.memory_space<hbm>> -> memref<256x128xf32, #tpu.memory_space<hbm>>
    tpu.enqueue_dma source(%arg5 : memref<256x128xf32, #tpu.memory_space<vmem>>) target(%dma_start3A_972 : memref<256x128xf32, #tpu.memory_space<hbm>>) target_semaphore(%arg8 : memref<!tpu.dma_semaphore, #tpu.memory_space<semaphore_mem>>)
    %dma_wait3A_973 = arith.constant 0 : i32
    %dma_wait3A_974 = tpu.memref_slice %arg3[%select_n3A, %dma_wait3A_973, %add3A_810] : memref<8x256x8192xf32, #tpu.memory_space<hbm>> -> memref<1x256x128xf32, #tpu.memory_space<hbm>>
    %dma_wait3A_975 = tpu.memref_squeeze %dma_wait3A_974 : memref<1x256x128xf32, #tpu.memory_space<hbm>> -> memref<256x128xf32, #tpu.memory_space<hbm>>
    %dma_wait3A_976 = arith.constant 0 : i32
    %dma_wait3A_977 = tpu.memref_slice %arg3[%select_n3A, %dma_wait3A_976, %add3A_810] : memref<8x256x8192xf32, #tpu.memory_space<hbm>> -> memref<1x256x128xf32, #tpu.memory_space<hbm>>
    %dma_wait3A_978 = tpu.memref_squeeze %dma_wait3A_977 : memref<1x256x128xf32, #tpu.memory_space<hbm>> -> memref<256x128xf32, #tpu.memory_space<hbm>>
    tpu.wait_dma2 semaphore(%arg9 : memref<!tpu.dma_semaphore, #tpu.memory_space<semaphore_mem>>) src(%arg6 : memref<256x128xf32, #tpu.memory_space<vmem>>) dst(%dma_wait3A_978 : memref<256x128xf32, #tpu.memory_space<hbm>>)
    %add3A_979 = arith.constant 0 : i32
    %add3A_980 = vector.broadcast %add3A_979 : i32 to vector<16xi32>
    %add3A_981 = arith.addi %iota3A, %add3A_980 : vector<16xi32>
    tpu.vector_store_idx %arg6[%get3A_770, %add3A_981], %broadcast_in_dim3A_36 : memref<256x128xf32, #tpu.memory_space<vmem>>[vector<16xi32>, vector<16xi32>], vector<16xf32>,
    %add3A_982 = arith.constant 16 : i32
    %add3A_983 = vector.broadcast %add3A_982 : i32 to vector<16xi32>
    %add3A_984 = arith.addi %iota3A, %add3A_983 : vector<16xi32>
    tpu.vector_store_idx %arg6[%get3A_772, %add3A_984], %broadcast_in_dim3A_36 : memref<256x128xf32, #tpu.memory_space<vmem>>[vector<16xi32>, vector<16xi32>], vector<16xf32>,
    %add3A_985 = arith.constant 32 : i32
    %add3A_986 = vector.broadcast %add3A_985 : i32 to vector<16xi32>
    %add3A_987 = arith.addi %iota3A, %add3A_986 : vector<16xi32>
    tpu.vector_store_idx %arg6[%get3A_774, %add3A_987], %broadcast_in_dim3A_36 : memref<256x128xf32, #tpu.memory_space<vmem>>[vector<16xi32>, vector<16xi32>], vector<16xf32>,
    %add3A_988 = arith.constant 48 : i32
    %add3A_989 = vector.broadcast %add3A_988 : i32 to vector<16xi32>
    %add3A_990 = arith.addi %iota3A, %add3A_989 : vector<16xi32>
    tpu.vector_store_idx %arg6[%get3A_776, %add3A_990], %broadcast_in_dim3A_36 : memref<256x128xf32, #tpu.memory_space<vmem>>[vector<16xi32>, vector<16xi32>], vector<16xf32>,
    %add3A_991 = arith.constant 64 : i32
    %add3A_992 = vector.broadcast %add3A_991 : i32 to vector<16xi32>
    %add3A_993 = arith.addi %iota3A, %add3A_992 : vector<16xi32>
    tpu.vector_store_idx %arg6[%get3A_778, %add3A_993], %broadcast_in_dim3A_36 : memref<256x128xf32, #tpu.memory_space<vmem>>[vector<16xi32>, vector<16xi32>], vector<16xf32>,
    %add3A_994 = arith.constant 80 : i32
    %add3A_995 = vector.broadcast %add3A_994 : i32 to vector<16xi32>
    %add3A_996 = arith.addi %iota3A, %add3A_995 : vector<16xi32>
    tpu.vector_store_idx %arg6[%get3A_780, %add3A_996], %broadcast_in_dim3A_36 : memref<256x128xf32, #tpu.memory_space<vmem>>[vector<16xi32>, vector<16xi32>], vector<16xf32>,
    %add3A_997 = arith.constant 96 : i32
    %add3A_998 = vector.broadcast %add3A_997 : i32 to vector<16xi32>
    %add3A_999 = arith.addi %iota3A, %add3A_998 : vector<16xi32>
    tpu.vector_store_idx %arg6[%get3A_782, %add3A_999], %broadcast_in_dim3A_36 : memref<256x128xf32, #tpu.memory_space<vmem>>[vector<16xi32>, vector<16xi32>], vector<16xf32>,
    %add3A_1000 = arith.constant 112 : i32
    %add3A_1001 = vector.broadcast %add3A_1000 : i32 to vector<16xi32>
    %add3A_1002 = arith.addi %iota3A, %add3A_1001 : vector<16xi32>
    tpu.vector_store_idx %arg6[%get3A_784, %add3A_1002], %broadcast_in_dim3A_36 : memref<256x128xf32, #tpu.memory_space<vmem>>[vector<16xi32>, vector<16xi32>], vector<16xf32>,
    %get3A_1003 = arith.constant 1664 : index
    %get3A_1004 = tpu.vector_load %arg4[%get3A_1003] {strides = array<i32>} : memref<2048xi32, #tpu.memory_space<vmem>>, vector<16xi32>,
    %get3A_1005 = arith.constant 1680 : index
    %get3A_1006 = tpu.vector_load %arg4[%get3A_1005] {strides = array<i32>} : memref<2048xi32, #tpu.memory_space<vmem>>, vector<16xi32>,
    %get3A_1007 = arith.constant 1696 : index
    %get3A_1008 = tpu.vector_load %arg4[%get3A_1007] {strides = array<i32>} : memref<2048xi32, #tpu.memory_space<vmem>>, vector<16xi32>,
    %get3A_1009 = arith.constant 1712 : index
    %get3A_1010 = tpu.vector_load %arg4[%get3A_1009] {strides = array<i32>} : memref<2048xi32, #tpu.memory_space<vmem>>, vector<16xi32>,
    %get3A_1011 = arith.constant 1728 : index
    %get3A_1012 = tpu.vector_load %arg4[%get3A_1011] {strides = array<i32>} : memref<2048xi32, #tpu.memory_space<vmem>>, vector<16xi32>,
    %get3A_1013 = arith.constant 1744 : index
    %get3A_1014 = tpu.vector_load %arg4[%get3A_1013] {strides = array<i32>} : memref<2048xi32, #tpu.memory_space<vmem>>, vector<16xi32>,
    %get3A_1015 = arith.constant 1760 : index
    %get3A_1016 = tpu.vector_load %arg4[%get3A_1015] {strides = array<i32>} : memref<2048xi32, #tpu.memory_space<vmem>>, vector<16xi32>,
    %get3A_1017 = arith.constant 1776 : index
    %get3A_1018 = tpu.vector_load %arg4[%get3A_1017] {strides = array<i32>} : memref<2048xi32, #tpu.memory_space<vmem>>, vector<16xi32>,
    %add3A_1019 = arith.constant 0 : i32
    %add3A_1020 = vector.broadcast %add3A_1019 : i32 to vector<16xi32>
    %add3A_1021 = arith.addi %iota3A, %add3A_1020 : vector<16xi32>
    tpu.vector_store_idx %arg6[%get3A_1004, %add3A_1021], %broadcast_in_dim3A_38 : memref<256x128xf32, #tpu.memory_space<vmem>>[vector<16xi32>, vector<16xi32>], vector<16xf32>,
    %add3A_1022 = arith.constant 16 : i32
    %add3A_1023 = vector.broadcast %add3A_1022 : i32 to vector<16xi32>
    %add3A_1024 = arith.addi %iota3A, %add3A_1023 : vector<16xi32>
    tpu.vector_store_idx %arg6[%get3A_1006, %add3A_1024], %broadcast_in_dim3A_38 : memref<256x128xf32, #tpu.memory_space<vmem>>[vector<16xi32>, vector<16xi32>], vector<16xf32>,
    %add3A_1025 = arith.constant 32 : i32
    %add3A_1026 = vector.broadcast %add3A_1025 : i32 to vector<16xi32>
    %add3A_1027 = arith.addi %iota3A, %add3A_1026 : vector<16xi32>
    tpu.vector_store_idx %arg6[%get3A_1008, %add3A_1027], %broadcast_in_dim3A_38 : memref<256x128xf32, #tpu.memory_space<vmem>>[vector<16xi32>, vector<16xi32>], vector<16xf32>,
    %add3A_1028 = arith.constant 48 : i32
    %add3A_1029 = vector.broadcast %add3A_1028 : i32 to vector<16xi32>
    %add3A_1030 = arith.addi %iota3A, %add3A_1029 : vector<16xi32>
    tpu.vector_store_idx %arg6[%get3A_1010, %add3A_1030], %broadcast_in_dim3A_38 : memref<256x128xf32, #tpu.memory_space<vmem>>[vector<16xi32>, vector<16xi32>], vector<16xf32>,
    %add3A_1031 = arith.constant 64 : i32
    %add3A_1032 = vector.broadcast %add3A_1031 : i32 to vector<16xi32>
    %add3A_1033 = arith.addi %iota3A, %add3A_1032 : vector<16xi32>
    tpu.vector_store_idx %arg6[%get3A_1012, %add3A_1033], %broadcast_in_dim3A_38 : memref<256x128xf32, #tpu.memory_space<vmem>>[vector<16xi32>, vector<16xi32>], vector<16xf32>,
    %add3A_1034 = arith.constant 80 : i32
    %add3A_1035 = vector.broadcast %add3A_1034 : i32 to vector<16xi32>
    %add3A_1036 = arith.addi %iota3A, %add3A_1035 : vector<16xi32>
    tpu.vector_store_idx %arg6[%get3A_1014, %add3A_1036], %broadcast_in_dim3A_38 : memref<256x128xf32, #tpu.memory_space<vmem>>[vector<16xi32>, vector<16xi32>], vector<16xf32>,
    %add3A_1037 = arith.constant 96 : i32
    %add3A_1038 = vector.broadcast %add3A_1037 : i32 to vector<16xi32>
    %add3A_1039 = arith.addi %iota3A, %add3A_1038 : vector<16xi32>
    tpu.vector_store_idx %arg6[%get3A_1016, %add3A_1039], %broadcast_in_dim3A_38 : memref<256x128xf32, #tpu.memory_space<vmem>>[vector<16xi32>, vector<16xi32>], vector<16xf32>,
    %add3A_1040 = arith.constant 112 : i32
    %add3A_1041 = vector.broadcast %add3A_1040 : i32 to vector<16xi32>
    %add3A_1042 = arith.addi %iota3A, %add3A_1041 : vector<16xi32>
    tpu.vector_store_idx %arg6[%get3A_1018, %add3A_1042], %broadcast_in_dim3A_38 : memref<256x128xf32, #tpu.memory_space<vmem>>[vector<16xi32>, vector<16xi32>], vector<16xf32>,
    %add3A_1043 = arith.constant 1664 : i32
    %add3A_1044 = arith.addi %mul3A_32, %add3A_1043 : i32
    %dma_start3A_1045 = arith.constant 0 : i32
    %dma_start3A_1046 = tpu.memref_slice %arg3[%select_n3A, %dma_start3A_1045, %add3A_1044] : memref<8x256x8192xf32, #tpu.memory_space<hbm>> -> memref<1x256x128xf32, #tpu.memory_space<hbm>>
    %dma_start3A_1047 = tpu.memref_squeeze %dma_start3A_1046 : memref<1x256x128xf32, #tpu.memory_space<hbm>> -> memref<256x128xf32, #tpu.memory_space<hbm>>
    %dma_start3A_1048 = arith.constant 0 : i32
    %dma_start3A_1049 = tpu.memref_slice %arg3[%select_n3A, %dma_start3A_1048, %add3A_1044] : memref<8x256x8192xf32, #tpu.memory_space<hbm>> -> memref<1x256x128xf32, #tpu.memory_space<hbm>>
    %dma_start3A_1050 = tpu.memref_squeeze %dma_start3A_1049 : memref<1x256x128xf32, #tpu.memory_space<hbm>> -> memref<256x128xf32, #tpu.memory_space<hbm>>
    tpu.enqueue_dma source(%arg6 : memref<256x128xf32, #tpu.memory_space<vmem>>) target(%dma_start3A_1050 : memref<256x128xf32, #tpu.memory_space<hbm>>) target_semaphore(%arg9 : memref<!tpu.dma_semaphore, #tpu.memory_space<semaphore_mem>>)
    %dma_wait3A_1051 = arith.constant 0 : i32
    %dma_wait3A_1052 = tpu.memref_slice %arg3[%select_n3A, %dma_wait3A_1051, %add3A_888] : memref<8x256x8192xf32, #tpu.memory_space<hbm>> -> memref<1x256x128xf32, #tpu.memory_space<hbm>>
    %dma_wait3A_1053 = tpu.memref_squeeze %dma_wait3A_1052 : memref<1x256x128xf32, #tpu.memory_space<hbm>> -> memref<256x128xf32, #tpu.memory_space<hbm>>
    %dma_wait3A_1054 = arith.constant 0 : i32
    %dma_wait3A_1055 = tpu.memref_slice %arg3[%select_n3A, %dma_wait3A_1054, %add3A_888] : memref<8x256x8192xf32, #tpu.memory_space<hbm>> -> memref<1x256x128xf32, #tpu.memory_space<hbm>>
    %dma_wait3A_1056 = tpu.memref_squeeze %dma_wait3A_1055 : memref<1x256x128xf32, #tpu.memory_space<hbm>> -> memref<256x128xf32, #tpu.memory_space<hbm>>
    tpu.wait_dma2 semaphore(%arg10 : memref<!tpu.dma_semaphore, #tpu.memory_space<semaphore_mem>>) src(%arg7 : memref<256x128xf32, #tpu.memory_space<vmem>>) dst(%dma_wait3A_1056 : memref<256x128xf32, #tpu.memory_space<hbm>>)
    %add3A_1057 = arith.constant 0 : i32
    %add3A_1058 = vector.broadcast %add3A_1057 : i32 to vector<16xi32>
    %add3A_1059 = arith.addi %iota3A, %add3A_1058 : vector<16xi32>
    tpu.vector_store_idx %arg7[%get3A_848, %add3A_1059], %broadcast_in_dim3A_36 : memref<256x128xf32, #tpu.memory_space<vmem>>[vector<16xi32>, vector<16xi32>], vector<16xf32>,
    %add3A_1060 = arith.constant 16 : i32
    %add3A_1061 = vector.broadcast %add3A_1060 : i32 to vector<16xi32>
    %add3A_1062 = arith.addi %iota3A, %add3A_1061 : vector<16xi32>
    tpu.vector_store_idx %arg7[%get3A_850, %add3A_1062], %broadcast_in_dim3A_36 : memref<256x128xf32, #tpu.memory_space<vmem>>[vector<16xi32>, vector<16xi32>], vector<16xf32>,
    %add3A_1063 = arith.constant 32 : i32
    %add3A_1064 = vector.broadcast %add3A_1063 : i32 to vector<16xi32>
    %add3A_1065 = arith.addi %iota3A, %add3A_1064 : vector<16xi32>
    tpu.vector_store_idx %arg7[%get3A_852, %add3A_1065], %broadcast_in_dim3A_36 : memref<256x128xf32, #tpu.memory_space<vmem>>[vector<16xi32>, vector<16xi32>], vector<16xf32>,
    %add3A_1066 = arith.constant 48 : i32
    %add3A_1067 = vector.broadcast %add3A_1066 : i32 to vector<16xi32>
    %add3A_1068 = arith.addi %iota3A, %add3A_1067 : vector<16xi32>
    tpu.vector_store_idx %arg7[%get3A_854, %add3A_1068], %broadcast_in_dim3A_36 : memref<256x128xf32, #tpu.memory_space<vmem>>[vector<16xi32>, vector<16xi32>], vector<16xf32>,
    %add3A_1069 = arith.constant 64 : i32
    %add3A_1070 = vector.broadcast %add3A_1069 : i32 to vector<16xi32>
    %add3A_1071 = arith.addi %iota3A, %add3A_1070 : vector<16xi32>
    tpu.vector_store_idx %arg7[%get3A_856, %add3A_1071], %broadcast_in_dim3A_36 : memref<256x128xf32, #tpu.memory_space<vmem>>[vector<16xi32>, vector<16xi32>], vector<16xf32>,
    %add3A_1072 = arith.constant 80 : i32
    %add3A_1073 = vector.broadcast %add3A_1072 : i32 to vector<16xi32>
    %add3A_1074 = arith.addi %iota3A, %add3A_1073 : vector<16xi32>
    tpu.vector_store_idx %arg7[%get3A_858, %add3A_1074], %broadcast_in_dim3A_36 : memref<256x128xf32, #tpu.memory_space<vmem>>[vector<16xi32>, vector<16xi32>], vector<16xf32>,
    %add3A_1075 = arith.constant 96 : i32
    %add3A_1076 = vector.broadcast %add3A_1075 : i32 to vector<16xi32>
    %add3A_1077 = arith.addi %iota3A, %add3A_1076 : vector<16xi32>
    tpu.vector_store_idx %arg7[%get3A_860, %add3A_1077], %broadcast_in_dim3A_36 : memref<256x128xf32, #tpu.memory_space<vmem>>[vector<16xi32>, vector<16xi32>], vector<16xf32>,
    %add3A_1078 = arith.constant 112 : i32
    %add3A_1079 = vector.broadcast %add3A_1078 : i32 to vector<16xi32>
    %add3A_1080 = arith.addi %iota3A, %add3A_1079 : vector<16xi32>
    tpu.vector_store_idx %arg7[%get3A_862, %add3A_1080], %broadcast_in_dim3A_36 : memref<256x128xf32, #tpu.memory_space<vmem>>[vector<16xi32>, vector<16xi32>], vector<16xf32>,
    %get3A_1081 = arith.constant 1792 : index
    %get3A_1082 = tpu.vector_load %arg4[%get3A_1081] {strides = array<i32>} : memref<2048xi32, #tpu.memory_space<vmem>>, vector<16xi32>,
    %get3A_1083 = arith.constant 1808 : index
    %get3A_1084 = tpu.vector_load %arg4[%get3A_1083] {strides = array<i32>} : memref<2048xi32, #tpu.memory_space<vmem>>, vector<16xi32>,
    %get3A_1085 = arith.constant 1824 : index
    %get3A_1086 = tpu.vector_load %arg4[%get3A_1085] {strides = array<i32>} : memref<2048xi32, #tpu.memory_space<vmem>>, vector<16xi32>,
    %get3A_1087 = arith.constant 1840 : index
    %get3A_1088 = tpu.vector_load %arg4[%get3A_1087] {strides = array<i32>} : memref<2048xi32, #tpu.memory_space<vmem>>, vector<16xi32>,
    %get3A_1089 = arith.constant 1856 : index
    %get3A_1090 = tpu.vector_load %arg4[%get3A_1089] {strides = array<i32>} : memref<2048xi32, #tpu.memory_space<vmem>>, vector<16xi32>,
    %get3A_1091 = arith.constant 1872 : index
    %get3A_1092 = tpu.vector_load %arg4[%get3A_1091] {strides = array<i32>} : memref<2048xi32, #tpu.memory_space<vmem>>, vector<16xi32>,
    %get3A_1093 = arith.constant 1888 : index
    %get3A_1094 = tpu.vector_load %arg4[%get3A_1093] {strides = array<i32>} : memref<2048xi32, #tpu.memory_space<vmem>>, vector<16xi32>,
    %get3A_1095 = arith.constant 1904 : index
    %get3A_1096 = tpu.vector_load %arg4[%get3A_1095] {strides = array<i32>} : memref<2048xi32, #tpu.memory_space<vmem>>, vector<16xi32>,
    %add3A_1097 = arith.constant 0 : i32
    %add3A_1098 = vector.broadcast %add3A_1097 : i32 to vector<16xi32>
    %add3A_1099 = arith.addi %iota3A, %add3A_1098 : vector<16xi32>
    tpu.vector_store_idx %arg7[%get3A_1082, %add3A_1099], %broadcast_in_dim3A_38 : memref<256x128xf32, #tpu.memory_space<vmem>>[vector<16xi32>, vector<16xi32>], vector<16xf32>,
    %add3A_1100 = arith.constant 16 : i32
    %add3A_1101 = vector.broadcast %add3A_1100 : i32 to vector<16xi32>
    %add3A_1102 = arith.addi %iota3A, %add3A_1101 : vector<16xi32>
    tpu.vector_store_idx %arg7[%get3A_1084, %add3A_1102], %broadcast_in_dim3A_38 : memref<256x128xf32, #tpu.memory_space<vmem>>[vector<16xi32>, vector<16xi32>], vector<16xf32>,
    %add3A_1103 = arith.constant 32 : i32
    %add3A_1104 = vector.broadcast %add3A_1103 : i32 to vector<16xi32>
    %add3A_1105 = arith.addi %iota3A, %add3A_1104 : vector<16xi32>
    tpu.vector_store_idx %arg7[%get3A_1086, %add3A_1105], %broadcast_in_dim3A_38 : memref<256x128xf32, #tpu.memory_space<vmem>>[vector<16xi32>, vector<16xi32>], vector<16xf32>,
    %add3A_1106 = arith.constant 48 : i32
    %add3A_1107 = vector.broadcast %add3A_1106 : i32 to vector<16xi32>
    %add3A_1108 = arith.addi %iota3A, %add3A_1107 : vector<16xi32>
    tpu.vector_store_idx %arg7[%get3A_1088, %add3A_1108], %broadcast_in_dim3A_38 : memref<256x128xf32, #tpu.memory_space<vmem>>[vector<16xi32>, vector<16xi32>], vector<16xf32>,
    %add3A_1109 = arith.constant 64 : i32
    %add3A_1110 = vector.broadcast %add3A_1109 : i32 to vector<16xi32>
    %add3A_1111 = arith.addi %iota3A, %add3A_1110 : vector<16xi32>
    tpu.vector_store_idx %arg7[%get3A_1090, %add3A_1111], %broadcast_in_dim3A_38 : memref<256x128xf32, #tpu.memory_space<vmem>>[vector<16xi32>, vector<16xi32>], vector<16xf32>,
    %add3A_1112 = arith.constant 80 : i32
    %add3A_1113 = vector.broadcast %add3A_1112 : i32 to vector<16xi32>
    %add3A_1114 = arith.addi %iota3A, %add3A_1113 : vector<16xi32>
    tpu.vector_store_idx %arg7[%get3A_1092, %add3A_1114], %broadcast_in_dim3A_38 : memref<256x128xf32, #tpu.memory_space<vmem>>[vector<16xi32>, vector<16xi32>], vector<16xf32>,
    %add3A_1115 = arith.constant 96 : i32
    %add3A_1116 = vector.broadcast %add3A_1115 : i32 to vector<16xi32>
    %add3A_1117 = arith.addi %iota3A, %add3A_1116 : vector<16xi32>
    tpu.vector_store_idx %arg7[%get3A_1094, %add3A_1117], %broadcast_in_dim3A_38 : memref<256x128xf32, #tpu.memory_space<vmem>>[vector<16xi32>, vector<16xi32>], vector<16xf32>,
    %add3A_1118 = arith.constant 112 : i32
    %add3A_1119 = vector.broadcast %add3A_1118 : i32 to vector<16xi32>
    %add3A_1120 = arith.addi %iota3A, %add3A_1119 : vector<16xi32>
    tpu.vector_store_idx %arg7[%get3A_1096, %add3A_1120], %broadcast_in_dim3A_38 : memref<256x128xf32, #tpu.memory_space<vmem>>[vector<16xi32>, vector<16xi32>], vector<16xf32>,
    %add3A_1121 = arith.constant 1792 : i32
    %add3A_1122 = arith.addi %mul3A_32, %add3A_1121 : i32
    %dma_start3A_1123 = arith.constant 0 : i32
    %dma_start3A_1124 = tpu.memref_slice %arg3[%select_n3A, %dma_start3A_1123, %add3A_1122] : memref<8x256x8192xf32, #tpu.memory_space<hbm>> -> memref<1x256x128xf32, #tpu.memory_space<hbm>>
    %dma_start3A_1125 = tpu.memref_squeeze %dma_start3A_1124 : memref<1x256x128xf32, #tpu.memory_space<hbm>> -> memref<256x128xf32, #tpu.memory_space<hbm>>
    %dma_start3A_1126 = arith.constant 0 : i32
    %dma_start3A_1127 = tpu.memref_slice %arg3[%select_n3A, %dma_start3A_1126, %add3A_1122] : memref<8x256x8192xf32, #tpu.memory_space<hbm>> -> memref<1x256x128xf32, #tpu.memory_space<hbm>>
    %dma_start3A_1128 = tpu.memref_squeeze %dma_start3A_1127 : memref<1x256x128xf32, #tpu.memory_space<hbm>> -> memref<256x128xf32, #tpu.memory_space<hbm>>
    tpu.enqueue_dma source(%arg7 : memref<256x128xf32, #tpu.memory_space<vmem>>) target(%dma_start3A_1128 : memref<256x128xf32, #tpu.memory_space<hbm>>) target_semaphore(%arg10 : memref<!tpu.dma_semaphore, #tpu.memory_space<semaphore_mem>>)
    %dma_wait3A_1129 = arith.constant 0 : i32
    %dma_wait3A_1130 = tpu.memref_slice %arg3[%select_n3A, %dma_wait3A_1129, %add3A_966] : memref<8x256x8192xf32, #tpu.memory_space<hbm>> -> memref<1x256x128xf32, #tpu.memory_space<hbm>>
    %dma_wait3A_1131 = tpu.memref_squeeze %dma_wait3A_1130 : memref<1x256x128xf32, #tpu.memory_space<hbm>> -> memref<256x128xf32, #tpu.memory_space<hbm>>
    %dma_wait3A_1132 = arith.constant 0 : i32
    %dma_wait3A_1133 = tpu.memref_slice %arg3[%select_n3A, %dma_wait3A_1132, %add3A_966] : memref<8x256x8192xf32, #tpu.memory_space<hbm>> -> memref<1x256x128xf32, #tpu.memory_space<hbm>>
    %dma_wait3A_1134 = tpu.memref_squeeze %dma_wait3A_1133 : memref<1x256x128xf32, #tpu.memory_space<hbm>> -> memref<256x128xf32, #tpu.memory_space<hbm>>
    tpu.wait_dma2 semaphore(%arg8 : memref<!tpu.dma_semaphore, #tpu.memory_space<semaphore_mem>>) src(%arg5 : memref<256x128xf32, #tpu.memory_space<vmem>>) dst(%dma_wait3A_1134 : memref<256x128xf32, #tpu.memory_space<hbm>>)
    %add3A_1135 = arith.constant 0 : i32
    %add3A_1136 = vector.broadcast %add3A_1135 : i32 to vector<16xi32>
    %add3A_1137 = arith.addi %iota3A, %add3A_1136 : vector<16xi32>
    tpu.vector_store_idx %arg5[%get3A_926, %add3A_1137], %broadcast_in_dim3A_36 : memref<256x128xf32, #tpu.memory_space<vmem>>[vector<16xi32>, vector<16xi32>], vector<16xf32>,
    %add3A_1138 = arith.constant 16 : i32
    %add3A_1139 = vector.broadcast %add3A_1138 : i32 to vector<16xi32>
    %add3A_1140 = arith.addi %iota3A, %add3A_1139 : vector<16xi32>
    tpu.vector_store_idx %arg5[%get3A_928, %add3A_1140], %broadcast_in_dim3A_36 : memref<256x128xf32, #tpu.memory_space<vmem>>[vector<16xi32>, vector<16xi32>], vector<16xf32>,
    %add3A_1141 = arith.constant 32 : i32
    %add3A_1142 = vector.broadcast %add3A_1141 : i32 to vector<16xi32>
    %add3A_1143 = arith.addi %iota3A, %add3A_1142 : vector<16xi32>
    tpu.vector_store_idx %arg5[%get3A_930, %add3A_1143], %broadcast_in_dim3A_36 : memref<256x128xf32, #tpu.memory_space<vmem>>[vector<16xi32>, vector<16xi32>], vector<16xf32>,
    %add3A_1144 = arith.constant 48 : i32
    %add3A_1145 = vector.broadcast %add3A_1144 : i32 to vector<16xi32>
    %add3A_1146 = arith.addi %iota3A, %add3A_1145 : vector<16xi32>
    tpu.vector_store_idx %arg5[%get3A_932, %add3A_1146], %broadcast_in_dim3A_36 : memref<256x128xf32, #tpu.memory_space<vmem>>[vector<16xi32>, vector<16xi32>], vector<16xf32>,
    %add3A_1147 = arith.constant 64 : i32
    %add3A_1148 = vector.broadcast %add3A_1147 : i32 to vector<16xi32>
    %add3A_1149 = arith.addi %iota3A, %add3A_1148 : vector<16xi32>
    tpu.vector_store_idx %arg5[%get3A_934, %add3A_1149], %broadcast_in_dim3A_36 : memref<256x128xf32, #tpu.memory_space<vmem>>[vector<16xi32>, vector<16xi32>], vector<16xf32>,
    %add3A_1150 = arith.constant 80 : i32
    %add3A_1151 = vector.broadcast %add3A_1150 : i32 to vector<16xi32>
    %add3A_1152 = arith.addi %iota3A, %add3A_1151 : vector<16xi32>
    tpu.vector_store_idx %arg5[%get3A_936, %add3A_1152], %broadcast_in_dim3A_36 : memref<256x128xf32, #tpu.memory_space<vmem>>[vector<16xi32>, vector<16xi32>], vector<16xf32>,
    %add3A_1153 = arith.constant 96 : i32
    %add3A_1154 = vector.broadcast %add3A_1153 : i32 to vector<16xi32>
    %add3A_1155 = arith.addi %iota3A, %add3A_1154 : vector<16xi32>
    tpu.vector_store_idx %arg5[%get3A_938, %add3A_1155], %broadcast_in_dim3A_36 : memref<256x128xf32, #tpu.memory_space<vmem>>[vector<16xi32>, vector<16xi32>], vector<16xf32>,
    %add3A_1156 = arith.constant 112 : i32
    %add3A_1157 = vector.broadcast %add3A_1156 : i32 to vector<16xi32>
    %add3A_1158 = arith.addi %iota3A, %add3A_1157 : vector<16xi32>
    tpu.vector_store_idx %arg5[%get3A_940, %add3A_1158], %broadcast_in_dim3A_36 : memref<256x128xf32, #tpu.memory_space<vmem>>[vector<16xi32>, vector<16xi32>], vector<16xf32>,
    %get3A_1159 = arith.constant 1920 : index
    %get3A_1160 = tpu.vector_load %arg4[%get3A_1159] {strides = array<i32>} : memref<2048xi32, #tpu.memory_space<vmem>>, vector<16xi32>,
    %get3A_1161 = arith.constant 1936 : index
    %get3A_1162 = tpu.vector_load %arg4[%get3A_1161] {strides = array<i32>} : memref<2048xi32, #tpu.memory_space<vmem>>, vector<16xi32>,
    %get3A_1163 = arith.constant 1952 : index
    %get3A_1164 = tpu.vector_load %arg4[%get3A_1163] {strides = array<i32>} : memref<2048xi32, #tpu.memory_space<vmem>>, vector<16xi32>,
    %get3A_1165 = arith.constant 1968 : index
    %get3A_1166 = tpu.vector_load %arg4[%get3A_1165] {strides = array<i32>} : memref<2048xi32, #tpu.memory_space<vmem>>, vector<16xi32>,
    %get3A_1167 = arith.constant 1984 : index
    %get3A_1168 = tpu.vector_load %arg4[%get3A_1167] {strides = array<i32>} : memref<2048xi32, #tpu.memory_space<vmem>>, vector<16xi32>,
    %get3A_1169 = arith.constant 2000 : index
    %get3A_1170 = tpu.vector_load %arg4[%get3A_1169] {strides = array<i32>} : memref<2048xi32, #tpu.memory_space<vmem>>, vector<16xi32>,
    %get3A_1171 = arith.constant 2016 : index
    %get3A_1172 = tpu.vector_load %arg4[%get3A_1171] {strides = array<i32>} : memref<2048xi32, #tpu.memory_space<vmem>>, vector<16xi32>,
    %get3A_1173 = arith.constant 2032 : index
    %get3A_1174 = tpu.vector_load %arg4[%get3A_1173] {strides = array<i32>} : memref<2048xi32, #tpu.memory_space<vmem>>, vector<16xi32>,
    %add3A_1175 = arith.constant 0 : i32
    %add3A_1176 = vector.broadcast %add3A_1175 : i32 to vector<16xi32>
    %add3A_1177 = arith.addi %iota3A, %add3A_1176 : vector<16xi32>
    tpu.vector_store_idx %arg5[%get3A_1160, %add3A_1177], %broadcast_in_dim3A_38 : memref<256x128xf32, #tpu.memory_space<vmem>>[vector<16xi32>, vector<16xi32>], vector<16xf32>,
    %add3A_1178 = arith.constant 16 : i32
    %add3A_1179 = vector.broadcast %add3A_1178 : i32 to vector<16xi32>
    %add3A_1180 = arith.addi %iota3A, %add3A_1179 : vector<16xi32>
    tpu.vector_store_idx %arg5[%get3A_1162, %add3A_1180], %broadcast_in_dim3A_38 : memref<256x128xf32, #tpu.memory_space<vmem>>[vector<16xi32>, vector<16xi32>], vector<16xf32>,
    %add3A_1181 = arith.constant 32 : i32
    %add3A_1182 = vector.broadcast %add3A_1181 : i32 to vector<16xi32>
    %add3A_1183 = arith.addi %iota3A, %add3A_1182 : vector<16xi32>
    tpu.vector_store_idx %arg5[%get3A_1164, %add3A_1183], %broadcast_in_dim3A_38 : memref<256x128xf32, #tpu.memory_space<vmem>>[vector<16xi32>, vector<16xi32>], vector<16xf32>,
    %add3A_1184 = arith.constant 48 : i32
    %add3A_1185 = vector.broadcast %add3A_1184 : i32 to vector<16xi32>
    %add3A_1186 = arith.addi %iota3A, %add3A_1185 : vector<16xi32>
    tpu.vector_store_idx %arg5[%get3A_1166, %add3A_1186], %broadcast_in_dim3A_38 : memref<256x128xf32, #tpu.memory_space<vmem>>[vector<16xi32>, vector<16xi32>], vector<16xf32>,
    %add3A_1187 = arith.constant 64 : i32
    %add3A_1188 = vector.broadcast %add3A_1187 : i32 to vector<16xi32>
    %add3A_1189 = arith.addi %iota3A, %add3A_1188 : vector<16xi32>
    tpu.vector_store_idx %arg5[%get3A_1168, %add3A_1189], %broadcast_in_dim3A_38 : memref<256x128xf32, #tpu.memory_space<vmem>>[vector<16xi32>, vector<16xi32>], vector<16xf32>,
    %add3A_1190 = arith.constant 80 : i32
    %add3A_1191 = vector.broadcast %add3A_1190 : i32 to vector<16xi32>
    %add3A_1192 = arith.addi %iota3A, %add3A_1191 : vector<16xi32>
    tpu.vector_store_idx %arg5[%get3A_1170, %add3A_1192], %broadcast_in_dim3A_38 : memref<256x128xf32, #tpu.memory_space<vmem>>[vector<16xi32>, vector<16xi32>], vector<16xf32>,
    %add3A_1193 = arith.constant 96 : i32
    %add3A_1194 = vector.broadcast %add3A_1193 : i32 to vector<16xi32>
    %add3A_1195 = arith.addi %iota3A, %add3A_1194 : vector<16xi32>
    tpu.vector_store_idx %arg5[%get3A_1172, %add3A_1195], %broadcast_in_dim3A_38 : memref<256x128xf32, #tpu.memory_space<vmem>>[vector<16xi32>, vector<16xi32>], vector<16xf32>,
    %add3A_1196 = arith.constant 112 : i32
    %add3A_1197 = vector.broadcast %add3A_1196 : i32 to vector<16xi32>
    %add3A_1198 = arith.addi %iota3A, %add3A_1197 : vector<16xi32>
    tpu.vector_store_idx %arg5[%get3A_1174, %add3A_1198], %broadcast_in_dim3A_38 : memref<256x128xf32, #tpu.memory_space<vmem>>[vector<16xi32>, vector<16xi32>], vector<16xf32>,
    %add3A_1199 = arith.constant 1920 : i32
    %add3A_1200 = arith.addi %mul3A_32, %add3A_1199 : i32
    %dma_start3A_1201 = arith.constant 0 : i32
    %dma_start3A_1202 = tpu.memref_slice %arg3[%select_n3A, %dma_start3A_1201, %add3A_1200] : memref<8x256x8192xf32, #tpu.memory_space<hbm>> -> memref<1x256x128xf32, #tpu.memory_space<hbm>>
    %dma_start3A_1203 = tpu.memref_squeeze %dma_start3A_1202 : memref<1x256x128xf32, #tpu.memory_space<hbm>> -> memref<256x128xf32, #tpu.memory_space<hbm>>
    %dma_start3A_1204 = arith.constant 0 : i32
    %dma_start3A_1205 = tpu.memref_slice %arg3[%select_n3A, %dma_start3A_1204, %add3A_1200] : memref<8x256x8192xf32, #tpu.memory_space<hbm>> -> memref<1x256x128xf32, #tpu.memory_space<hbm>>
    %dma_start3A_1206 = tpu.memref_squeeze %dma_start3A_1205 : memref<1x256x128xf32, #tpu.memory_space<hbm>> -> memref<256x128xf32, #tpu.memory_space<hbm>>
    tpu.enqueue_dma source(%arg5 : memref<256x128xf32, #tpu.memory_space<vmem>>) target(%dma_start3A_1206 : memref<256x128xf32, #tpu.memory_space<hbm>>) target_semaphore(%arg8 : memref<!tpu.dma_semaphore, #tpu.memory_space<semaphore_mem>>)
    %dma_wait3A_1207 = arith.constant 0 : i32
    %dma_wait3A_1208 = tpu.memref_slice %arg3[%select_n3A, %dma_wait3A_1207, %add3A_1200] : memref<8x256x8192xf32, #tpu.memory_space<hbm>> -> memref<1x256x128xf32, #tpu.memory_space<hbm>>
    %dma_wait3A_1209 = tpu.memref_squeeze %dma_wait3A_1208 : memref<1x256x128xf32, #tpu.memory_space<hbm>> -> memref<256x128xf32, #tpu.memory_space<hbm>>
    %dma_wait3A_1210 = arith.constant 0 : i32
    %dma_wait3A_1211 = tpu.memref_slice %arg3[%select_n3A, %dma_wait3A_1210, %add3A_1200] : memref<8x256x8192xf32, #tpu.memory_space<hbm>> -> memref<1x256x128xf32, #tpu.memory_space<hbm>>
    %dma_wait3A_1212 = tpu.memref_squeeze %dma_wait3A_1211 : memref<1x256x128xf32, #tpu.memory_space<hbm>> -> memref<256x128xf32, #tpu.memory_space<hbm>>
    tpu.wait_dma2 semaphore(%arg8 : memref<!tpu.dma_semaphore, #tpu.memory_space<semaphore_mem>>) src(%arg5 : memref<256x128xf32, #tpu.memory_space<vmem>>) dst(%dma_wait3A_1212 : memref<256x128xf32, #tpu.memory_space<hbm>>)
    %dma_wait3A_1213 = arith.constant 0 : i32
    %dma_wait3A_1214 = tpu.memref_slice %arg3[%select_n3A, %dma_wait3A_1213, %add3A_1044] : memref<8x256x8192xf32, #tpu.memory_space<hbm>> -> memref<1x256x128xf32, #tpu.memory_space<hbm>>
    %dma_wait3A_1215 = tpu.memref_squeeze %dma_wait3A_1214 : memref<1x256x128xf32, #tpu.memory_space<hbm>> -> memref<256x128xf32, #tpu.memory_space<hbm>>
    %dma_wait3A_1216 = arith.constant 0 : i32
    %dma_wait3A_1217 = tpu.memref_slice %arg3[%select_n3A, %dma_wait3A_1216, %add3A_1044] : memref<8x256x8192xf32, #tpu.memory_space<hbm>> -> memref<1x256x128xf32, #tpu.memory_space<hbm>>
    %dma_wait3A_1218 = tpu.memref_squeeze %dma_wait3A_1217 : memref<1x256x128xf32, #tpu.memory_space<hbm>> -> memref<256x128xf32, #tpu.memory_space<hbm>>
    tpu.wait_dma2 semaphore(%arg9 : memref<!tpu.dma_semaphore, #tpu.memory_space<semaphore_mem>>) src(%arg6 : memref<256x128xf32, #tpu.memory_space<vmem>>) dst(%dma_wait3A_1218 : memref<256x128xf32, #tpu.memory_space<hbm>>)
    %dma_wait3A_1219 = arith.constant 0 : i32
    %dma_wait3A_1220 = tpu.memref_slice %arg3[%select_n3A, %dma_wait3A_1219, %add3A_1122] : memref<8x256x8192xf32, #tpu.memory_space<hbm>> -> memref<1x256x128xf32, #tpu.memory_space<hbm>>
    %dma_wait3A_1221 = tpu.memref_squeeze %dma_wait3A_1220 : memref<1x256x128xf32, #tpu.memory_space<hbm>> -> memref<256x128xf32, #tpu.memory_space<hbm>>
    %dma_wait3A_1222 = arith.constant 0 : i32
    %dma_wait3A_1223 = tpu.memref_slice %arg3[%select_n3A, %dma_wait3A_1222, %add3A_1122] : memref<8x256x8192xf32, #tpu.memory_space<hbm>> -> memref<1x256x128xf32, #tpu.memory_space<hbm>>
    %dma_wait3A_1224 = tpu.memref_squeeze %dma_wait3A_1223 : memref<1x256x128xf32, #tpu.memory_space<hbm>> -> memref<256x128xf32, #tpu.memory_space<hbm>>
    tpu.wait_dma2 semaphore(%arg10 : memref<!tpu.dma_semaphore, #tpu.memory_space<semaphore_mem>>) src(%arg7 : memref<256x128xf32, #tpu.memory_space<vmem>>) dst(%dma_wait3A_1224 : memref<256x128xf32, #tpu.memory_space<hbm>>)
    return
  }
}

</mosaic_0001>

<sc_bundles>
// kernel: kernel.3.cloned.1.call-start
scs
__scs_entry_jumppad:
0x0: {  	(pc) =	sbr.rel $0x88, $3  }
0x1: {  	(tag) =	ssettag $0x0;
	lr =	simm.s32 $0x1  }
0x2: {  	[smem:$0x3FA0] =	sst lr;
	_ =	strace $0xD0000000  }
0x3: {  	_ = 	snop  }
0x4: {  	_ = 	snop  }
0x5: {  	_ = 	snop  }
0x6: {  	_ = 	snop  }
0x7: {  	_ = 	snop  }
__scs_overlays_trampoline_lowered:
0x8: {  	[smem:$0x3FAF] =	sst s0  }
0x9: {  	[smem:$0x3FB0] =	sst s1  }
0xa: {  	[smem:$0x3FB1] =	sst s2  }
0xb: {  	[smem:$0x3FB2] =	sst s3  }
0xc: {  	[smem:$0x3FB3] =	sst s4  }
0xd: {  	[smem:$0x3FB4] =	sst s5  }
0xe: {  	[smem:$0x3FB5] =	sst s6  }
0xf: {  	[smem:$0x3FB6] =	sst s7  }
0x10: {  	[smem:$0x3FB7] =	sst s8  }
0x11: {  	[smem:$0x3FB8] =	sst s9;
	s0 =	simm.s32 @!p0 $0x0  }
0x12: {  	s1 =	sld [smem:$0x3F9E];
	s0 =	simm.s32 @p0 $0x1  }
0x13: {  	[smem:$0x3FB9] =	sst s0;
	s0 =	simm.s32 @!p1 $0x0  }
0x14: {  	s2 =	sld [smem:$0x3F9D];
	s0 =	simm.s32 @p1 $0x1  }
0x15: {  	[smem:$0x3FBA] =	sst s0;
	s0 =	simm.s32 @!p2 $0x0  }
0x16: {  	s3 =	sld [smem:$0x3FDB];
	s0 =	simm.s32 @p2 $0x1  }
0x17: {  	s4 =	simm.s32 $0x1BF5;
	[smem:$0x3FBC] =	sst s0  }
0x18: {  	s0 =	sld [smem:$0x3F9F];
	_ =	swait.ge [sflag:s4], $0x0  }
0x19: {  	s7 =	sld [smem:$0x3FA0]  }
0x1a: {  	s8 =	sadd.s32 $0xFFFFE003, lr  }
0x1b: {  	s9 =	sadd.s32 $0xFFFFFEF7, lr;
	s5 =	simm.s32 $0xFFFFFFFF;
	p2 =	slt.u32 s8, $0xFFFFF086  }
0x1c: {  	p1 =	slt.u32 s9, $0xF7A;
	s5 =	simm.s32 @!p2 $0x0  }
0x1d: {  	s5 =	simm.s32 @p1 $0x1;
	p0 =	seq.s32 s7, s2  }
0x1e: {  	s7 =	smul.u32 @!p0 $0xF7A, s2;
	p2 =	seq.s32 @!p0 s5, $0x0  }
0x1f: {  	s9 =	smul.u32 $0xF7A, s1;
	s8 =	simm.s32 @!p0 $0x1BF5;
	p2 =	por !p2, p0  }
0x20: {  	[sflag:s8] =	ssyncset.s32 @!p0 $0xFFFFF086;
	s6 =	sadd.s32 @!p0 s3, s7;
	s7 =	simm.s32 @!p0 $0x108  }
0x21: {  	s3 =	sadd.s32 s3, s9;
	s6 =	sadd.s32 @!p0 $0x88, s6;
	s7 =	simm.s32 @p2 $0x1082  }
0x22: {  	[simem:s7], [sflag:s8] =	dma.local @!p0 [hbm:s6], $0xF7A  }
0x23: {  	s9 =	sor.u32 $0xD0000000, s2;
	s6 =	simm.s32 $0x108;
	_ =	swait.ge @!p0 [sflag:s8], $0x0  }
0x24: {  	s3 =	sadd.s32 $0x88, s3;
	s6 =	simm.s32 @!p1 $0x1082;
	[sflag:s4] =	ssyncset.s32 $0xFFFFF086  }
0x25: {  	[simem:s6], [sflag:s4] =	dma.local [hbm:s3], $0xF7A  }
0x26: {  	[smem:$0x3FA0] =	sst s1;
	(tag) =	ssettag s2;
	_ =	strace s9  }
0x27: {  	s1 =	sld [smem:$0x3FB0]  }
0x28: {  	s2 =	sld [smem:$0x3FB1]  }
0x29: {  	s4 =	sld [smem:$0x3FB3]  }
0x2a: {  	p0 =	seq.s32 s5, $0x0;
	s5 =	sld [smem:$0x3FB4]  }
0x2b: {  	s6 =	sld [smem:$0x3FB5]  }
0x2c: {  	s7 =	sld [smem:$0x3FB6]  }
0x2d: {  	s3 =	simm.s32 $0x108;
	s8 =	sld [smem:$0x3FB7]  }
0x2e: {  	s3 =	simm.s32 @!p0 $0x1082;
	s9 =	sld [smem:$0x3FB8]  }
0x2f: {  	lr =	sadd.s32 s0, s3;
	s0 =	sld [smem:$0x3FAF]  }
0x30: {  	s3 =	sld [smem:$0x3FB2]  }
0x31: {  	[smem:$0x3FBB] =	sst s10  }
0x32: {  	s10 =	sld [smem:$0x3FB9];
	_ =	sdelay $0x3  }
0x33: {  	p0 =	seq.s32 s10, $0x1;
	s10 =	sld [smem:$0x3FBB];
	_ =	sdelay $0x3  }
0x34: {  	[smem:$0x3FBB] =	sst s10  }
0x35: {  	s10 =	sld [smem:$0x3FBA];
	_ =	sdelay $0x3  }
0x36: {  	p1 =	seq.s32 s10, $0x1;
	s10 =	sld [smem:$0x3FBB];
	_ =	sdelay $0x3  }
0x37: {  	[smem:$0x3FBB] =	sst s10  }
0x38: {  	s10 =	sld [smem:$0x3FBC]  }
0x39: {  	_ = 	snop;
	(pc) =	sbr.ind lr, $3  }
0x3a: {  	_ = 	snop  }
0x3b: {  	_ = 	snop  }
0x3c: {  	p2 =	seq.s32 s10, $0x1;
	s10 =	sld [smem:$0x3FBB]  }
0x3d: {  	_ =	shalt  }
0x3e: {  	_ =	shalt  }
0x3f: {  	_ =	shalt  }
0x40: {  	_ =	shalt  }
0x41: {  	_ =	shalt  }
0x42: {  	_ =	shalt  }
0x43: {  	_ =	shalt  }
0x44: {  	_ =	shalt  }
0x45: {  	_ =	shalt  }
0x46: {  	_ =	shalt  }
0x47: {  	_ =	shalt  }
0x48: {  	_ =	shalt  }
0x49: {  	_ =	shalt  }
0x4a: {  	_ =	shalt  }
0x4b: {  	_ =	shalt  }
0x4c: {  	_ =	shalt  }
0x4d: {  	_ =	shalt  }
0x4e: {  	_ =	shalt  }
0x4f: {  	_ =	shalt  }
0x50: {  	_ =	shalt  }
0x51: {  	_ =	shalt  }
0x52: {  	_ =	shalt  }
0x53: {  	_ =	shalt  }
0x54: {  	_ =	shalt  }
0x55: {  	_ =	shalt  }
0x56: {  	_ =	shalt  }
0x57: {  	_ =	shalt  }
0x58: {  	_ =	shalt  }
0x59: {  	_ =	shalt  }
0x5a: {  	_ =	shalt  }
0x5b: {  	_ =	shalt  }
0x5c: {  	_ =	shalt  }
0x5d: {  	_ =	shalt  }
0x5e: {  	_ =	shalt  }
0x5f: {  	_ =	shalt  }
0x60: {  	_ =	shalt  }
0x61: {  	_ =	shalt  }
0x62: {  	_ =	shalt  }
0x63: {  	_ =	shalt  }
0x64: {  	_ =	shalt  }
0x65: {  	_ =	shalt  }
0x66: {  	_ =	shalt  }
0x67: {  	_ =	shalt  }
0x68: {  	_ =	shalt  }
0x69: {  	_ =	shalt  }
0x6a: {  	_ =	shalt  }
0x6b: {  	_ =	shalt  }
0x6c: {  	_ =	shalt  }
0x6d: {  	_ =	shalt  }
0x6e: {  	_ =	shalt  }
0x6f: {  	_ =	shalt  }
0x70: {  	_ =	shalt  }
0x71: {  	_ =	shalt  }
0x72: {  	_ =	shalt  }
0x73: {  	_ =	shalt  }
0x74: {  	_ =	shalt  }
0x75: {  	_ =	shalt  }
0x76: {  	_ =	shalt  }
0x77: {  	_ =	shalt  }
0x78: {  	_ =	shalt  }
0x79: {  	_ =	shalt  }
0x7a: {  	_ =	shalt  }
0x7b: {  	_ =	shalt  }
0x7c: {  	_ =	shalt  }
0x7d: {  	_ =	shalt  }
0x7e: {  	_ =	shalt  }
0x7f: {  	_ =	shalt  }
0x80: {  	_ =	shalt  }
0x81: {  	_ =	shalt  }
0x82: {  	_ =	shalt  }
0x83: {  	_ =	shalt  }
0x84: {  	_ =	shalt  }
0x85: {  	_ =	shalt  }
0x86: {  	_ =	shalt  }
0x87: {  	_ =	shalt  }
.Lfunc_end0:
.L_simem_size_0:
called_computation_lowered:
.L_overlay_start_0:
0x88: {  	s2 =	sld [smem:$0x3FD9]  }
0x89: {  	s3 =	sld [smem:$0x3FFE];
	_ =	sdelay $0x1  }
0x8a: {  	s1 =	srdreg.scid  }
0x8b: {  	s0 =	sand.u32 $0x1, s1  }
0x8c: {  	s18 =	sshll.u32 s0, $0xA;
	s2 =	sadd.s32 s3, s2  }
0x8d: {  	s2 =	sadd.s32 s2, s18  }
0x8e: {  	[smem:$0x3FC7] =	sst s2  }
0x8f: {  	_ = 	snop  }
0x90: {  	s2 =	sld [smem:$0x3FC9]  }
0x91: {  	s19 =	sld [smem:$0x3FD0];
	(tm) =	ssettm $0x1  }
0x92: {  	s4 =	sld [smem:$0x3FFB];
	_ =	sdelay $0x3  }
0x93: {  	_ =	strace s4  }
0x94: {  	s4 =	sld [smem:$0x3FFC];
	_ =	sdelay $0x3  }
0x95: {  	_ =	strace s4  }
0x96: {  	s4 =	sld [smem:$0x3FFD];
	_ =	sdelay $0x3  }
0x97: {  	_ =	strace s4  }
0x98: {  	_ =	strace $0x8FFFFFFF  }
0x99: {  	s20 =	sld [smem:$0x3FDB];
	_ =	sdelay $0x1  }
0x9a: {  	s5 =	simm.s32 $_scs_section_size  }
0x9b: {  	s6 =	simm.s32 $_size__tile_overlayer_lowered;
	s7 =	simm.s32 $_tile_overlayer_lowered  }
0x9c: {  	s23 =	simm.s32 $0x1BFF;
	s22 =	sshll.u32 s7, $0x1;
	s4 =	sadd.s32 s5, s20  }
0x9d: {  	s8 =	simm.s32 $0x0;
	s21 =	sshll.u32 s6, $0x1;
	s6 =	sadd.s32 s22, s4  }
0x9e: {  	[timem:s8], [sflag:s23] =	dma.local [hbm:s6], s21  }
0x9f: {  	_ =	swait.ge [sflag:s23], s21  }
0xa0: {  	s5 =	ssub.s32 $0x0, s21;
	[sflag:s23] =	ssyncset.done $0x0  }
0xa1: {  	[sflag:s23] =	ssyncadd.s32 s5;
	_ =	sdelay $0x1  }
0xa2: {  	s24 =	simm.s32 $0x1B8B  }
0xa3: {  	_ =	swait.ge [sflag:s24], $0x1  }
0xa4: {  	[sflag:s24] =	ssyncset.done $0x0  }
0xa5: {  	s25 =	simm.s32 $0x1B8E;
	[sflag:s24] =	ssyncadd.s32 $0xFFFFFFFF  }
0xa6: {  	s26 =	simm.s32 $execute0_lowered;
	[smem:$0x3FD2] =	sst s25  }
0xa7: {  	s5 =	sshll.u32 s26, $0x1;
	_ =	strace $0x80000046;
	[dreg:$0x1] =	wrdreg $0xFFFFFFFF  }
0xa8: {  	s28 =	simm.s32 $_size_execute0_lowered;
	s4 =	sadd.s32 s4, s5;
	[dreg:$0x0] =	wrdreg $0x0  }
0xa9: {  	s5 =	sshll.u32 s28, $0x1;
	[dreg:$0x2] =	wrdreg s4  }
0xaa: {  	[dreg:$0x3] =	wrdreg s5  }
0xab: {  	[dreg:$0x4] =	wrdreg $0xC0  }
0xac: {  	_ =	task [dreg:s8], $0x5FFFF  }
0xad: {  	[dreg:$0x1] =	wrdreg $0xFFFFFFFF  }
0xae: {  	[dreg:$0x0] =	wrdreg $0x60  }
0xaf: {  	[dreg:$0x2] =	wrdreg s2  }
0xb0: {  	[dreg:$0x3] =	wrdreg s19  }
0xb1: {  	[dreg:$0x4] =	wrdreg $0x9  }
0xb2: {  	_ =	task.clear_ibuf [dreg:s8], $0x5FFFF;
	_ =	strace $0x90000046  }
0xb3: {  	s29 =	simm.s32 $0x9;
	_ =	strace $0x80000048  }
0xb4: {  	_ =	swait.ge [sflag:s29], $0x1  }
0xb5: {  	[sflag:s29] =	ssyncadd.s32 $0xFFFFFFFF  }
0xb6: {  	_ =	strace $0x90000048  }
0xb7: {  	_ =	sfence  }
0xb8: {  	s30 =	sld [smem:$0x0];
	_ =	sdelay $0x2  }
0xb9: {  	s31 =	sshll.u32 s1, $0xD;
	s1 =	sshrl.u32 s1, $0x2  }
0xba: {  	s3 =	sand.u32 $0x4000, s31;
	s1 =	sadd.s32 s1, s30  }
0xbb: {  	s0 =	sor.u32 s3, s0;
	s1 =	sshll.u32 s1, $0x11  }
0xbc: {  	s0 =	sor.u32 s1, s0  }
0xbd: {  	s0 =	sadd.s32 $0x8F2B, s0  }
0xbe: {  	[sflag:s0] =	ssyncadd.remote.s32 $0x1  }
0xbf: {  	_ =	sfence.sel $0xFFFF  }
0xc0: {  	[dreg:$0x0] =	wrdreg $0xFFFFFFFF;
	(pc) =	sbr.abs _section_cstart, $3  }
0xc1: {  	[dreg:$0x1] =	wrdreg $0xFFFFFFFF  }
0xc2: {  	_ =	task.clear_ibuf [dreg:s8], $0x2FFFF;
	_ =	strace $0x9FFFFFFF  }
0xc3: {  	(tm) =	ssettm $0x7FFFFFFF  }
tec
execute0_lowered:
.L_overlay_start_1:
0x0: {  	(tag) =	ssettag $0x1  }
0x1: {  	s0 =	rddreg [dreg:$0x0]  }
0x2: {  	s1 =	rddreg [dreg:$0x1];
	s2 =	srdreg.scid  }
0x3: {  	s3 =	simm.s32 $0x0;
	s6 =	stileid.u32;
	s28 =	simm.s32 $0x10800  }
0x4: {  	s29 =	simm.s32 $0x1;
	s30 =	simm.s32 $0x2;
	s31 =	simm.s32 $0x3  }
0x5: {  	s2 =	sand.u32 $0x1, s2;
	[smem:$0x7FF] =	sst s3;
	s4 =	sshll.u32 s6, $0x1  }
0x6: {  	s22 =	sshrl.u32 s6, $0x1;
	s21 =	ssub.s32 $0x2, s2;
	_ =	strace $0x80000047  }
0x7: {  	s4 =	sand.u32 $0x2, s4;
	s23 =	sshll.u32 s22, $0x4;
	s3 =	sshll.u32 s22, $0x12  }
0x8: {  	s22 =	simm.s32 $0x400;
	s5 =	sshrl.u32 s21, $0x1;
	s2 =	sor.u32 s2, s4  }
0x9: {  	s0 =	sadd.s32 s0, s23;
	s24 =	sadd.s32 s1, s3;
	s23 =	simm.s32 $0x4  }
0xa: {  	s20 =	ssub.s32 s21, s5;
	s2 =	sshll.u32 s2, $0xB;
	s21 =	simm.s32 $0x80  }
0xb: {  	s25 =	sor.u32 s2, s3;
	s3 =	sadd.s32 s2, s0;
	s4 =	sadd.s32 s2, s24  }
0xc: {  	s20 =	smax.u32 s20, $0x1;
	s24 =	simm.s32 $0x800;
	s26 =	sadd.s32 s25, s1  }
0xd: {  	s0 =	simm.s32 $0x0;
	s25 =	simm.s32 $0x10000;
	s5 =	sadd.s32 $0x80, s26  }
0xe: {  	s6 =	sadd.s32 $0x100, s26;
	s7 =	sadd.s32 $0x180, s26;
	s8 =	sadd.s32 $0x200, s26  }
0xf: {  	v0 =	vlaneseq.u32;
	s9 =	sadd.s32 $0x280, s26;
	s10 =	sadd.s32 $0x300, s26;
	s11 =	sadd.s32 $0x380, s26  }
0x10: {  	v1 =	vimm.f32 $0.0e+00;
	v2 =	vimm.f32 $1.000000000e+00;
	v3 =	vor.u32 $0x10, v0;
	s12 =	sadd.s32 $0x400, s26;
	s13 =	sadd.s32 $0x480, s26;
	s14 =	sadd.s32 $0x500, s26  }
0x11: {  	v4 =	vor.u32 $0x20, v0;
	v5 =	vor.u32 $0x30, v0;
	v6 =	vor.u32 $0x40, v0;
	s15 =	sadd.s32 $0x580, s26;
	s16 =	sadd.s32 $0x600, s26;
	s17 =	sadd.s32 $0x680, s26  }
0x12: {  	v7 =	vor.u32 $0x50, v0;
	v8 =	vor.u32 $0x60, v0;
	v9 =	vor.u32 $0x70, v0;
	s18 =	sadd.s32 $0x700, s26;
	s19 =	sadd.s32 $0x780, s26;
	s26 =	simm.s32 $0x8800  }
.LBB2_1:
0x13: {  	s1 =	simm.s32 $0x0  }
0x14: {  	[tilespmem:s1], [sflag:$0x4] =	stream.strided.gather [hbm4b:s3+s21], $0x800, s22, s21, $0x38;
	[tilespmem:$0x18800] =	vst v63  }
0x15: {  	s1 =	simm.s32 $0x900  }
0x16: {  	[tilespmem:s1+$0xFFFFFF00] =	vst v1  }
0x17: {  	[tilespmem:s1+$0xF0] =	vst v1  }
0x18: {  	[tilespmem:s1+$0xE0] =	vst v1  }
0x19: {  	[tilespmem:s1+$0xD0] =	vst v1  }
0x1a: {  	[tilespmem:s1+$0xC0] =	vst v1  }
0x1b: {  	[tilespmem:s1+$0xB0] =	vst v1  }
0x1c: {  	[tilespmem:s1+$0xA0] =	vst v1  }
0x1d: {  	[tilespmem:s1+$0x90] =	vst v1  }
0x1e: {  	[tilespmem:s1+$0x80] =	vst v1  }
0x1f: {  	[tilespmem:s1+$0x70] =	vst v1  }
0x20: {  	[tilespmem:s1+$0x60] =	vst v1  }
0x21: {  	[tilespmem:s1+$0x50] =	vst v1  }
0x22: {  	[tilespmem:s1+$0x40] =	vst v1  }
0x23: {  	[tilespmem:s1+$0x30] =	vst v1  }
0x24: {  	[tilespmem:s1+$0x20] =	vst v1  }
0x25: {  	[tilespmem:s1+$0x10] =	vst v1  }
0x26: {  	[tilespmem:s1+$0x0] =	vst v1  }
0x27: {  	[tilespmem:s1+$0xFFFFFFF0] =	vst v1  }
0x28: {  	[tilespmem:s1+$0xFFFFFFE0] =	vst v1  }
0x29: {  	[tilespmem:s1+$0xFFFFFFD0] =	vst v1  }
0x2a: {  	[tilespmem:s1+$0xFFFFFFC0] =	vst v1  }
0x2b: {  	[tilespmem:s1+$0xFFFFFFB0] =	vst v1  }
0x2c: {  	[tilespmem:s1+$0xFFFFFFA0] =	vst v1  }
0x2d: {  	[tilespmem:s1+$0xFFFFFF90] =	vst v1  }
0x2e: {  	[tilespmem:s1+$0xFFFFFF80] =	vst v1  }
0x2f: {  	[tilespmem:s1+$0xFFFFFF70] =	vst v1  }
0x30: {  	[tilespmem:s1+$0xFFFFFF60] =	vst v1  }
0x31: {  	[tilespmem:s1+$0xFFFFFF50] =	vst v1  }
0x32: {  	[tilespmem:s1+$0xFFFFFF40] =	vst v1  }
0x33: {  	[tilespmem:s1+$0xFFFFFF30] =	vst v1  }
0x34: {  	s2 =	simm.s32 $0x0;
	[tilespmem:s1+$0xFFFFFF20] =	vst v1  }
.LBB2_2:
0x35: {  	s2 =	sadd.s32 $0x4, s2;
	[tilespmem:s1+$0xFFFFFF10] =	vst v1;
	s1 =	sadd.s32 $0x200, s1  }
0x36: {  	[tilespmem:s1+$0xFFFFFF00] =	vst v1;
	p0 =	slt.u32 s2, $0xFC  }
0x37: {  	[tilespmem:s1+$0xF0] =	vst v1  }
0x38: {  	[tilespmem:s1+$0xE0] =	vst v1  }
0x39: {  	[tilespmem:s1+$0xD0] =	vst v1  }
0x3a: {  	[tilespmem:s1+$0xC0] =	vst v1  }
0x3b: {  	[tilespmem:s1+$0xB0] =	vst v1  }
0x3c: {  	[tilespmem:s1+$0xA0] =	vst v1  }
0x3d: {  	[tilespmem:s1+$0x90] =	vst v1  }
0x3e: {  	[tilespmem:s1+$0x80] =	vst v1  }
0x3f: {  	[tilespmem:s1+$0x70] =	vst v1  }
0x40: {  	[tilespmem:s1+$0x60] =	vst v1  }
0x41: {  	[tilespmem:s1+$0x50] =	vst v1  }
0x42: {  	[tilespmem:s1+$0x40] =	vst v1  }
0x43: {  	[tilespmem:s1+$0x30] =	vst v1  }
0x44: {  	[tilespmem:s1+$0x20] =	vst v1  }
0x45: {  	[tilespmem:s1+$0x10] =	vst v1  }
0x46: {  	[tilespmem:s1+$0x0] =	vst v1  }
0x47: {  	[tilespmem:s1+$0xFFFFFFF0] =	vst v1  }
0x48: {  	[tilespmem:s1+$0xFFFFFFE0] =	vst v1  }
0x49: {  	[tilespmem:s1+$0xFFFFFFD0] =	vst v1  }
0x4a: {  	[tilespmem:s1+$0xFFFFFFC0] =	vst v1  }
0x4b: {  	[tilespmem:s1+$0xFFFFFFB0] =	vst v1  }
0x4c: {  	[tilespmem:s1+$0xFFFFFFA0] =	vst v1  }
0x4d: {  	[tilespmem:s1+$0xFFFFFF90] =	vst v1  }
0x4e: {  	[tilespmem:s1+$0xFFFFFF80] =	vst v1  }
0x4f: {  	[tilespmem:s1+$0xFFFFFF70] =	vst v1  }
.Ltmp0:
0x50: {  	[tilespmem:s1+$0xFFFFFF60] =	vst v1;
	(pc) =	sbr.rel @p0 .LBB2_2-.Ltmp0, $4  }
0x51: {  	[tilespmem:s1+$0xFFFFFF50] =	vst v1  }
0x52: {  	[tilespmem:s1+$0xFFFFFF40] =	vst v1  }
0x53: {  	[tilespmem:s1+$0xFFFFFF30] =	vst v1  }
0x54: {  	[tilespmem:s1+$0xFFFFFF20] =	vst v1  }
0x55: {  	[tilespmem:s1+$0xFFFFFF10] =	vst v1  }
0x56: {  	_ =	swait.ge [sflag:s23], $0x800  }
0x57: {  	[sflag:s23] =	ssyncset.done $0x0  }
0x58: {  	[sflag:s23] =	ssyncadd.s32 $0xFFFFF800  }
0x59: {  	v10 =	vld [tilespmem:$0x0]  }
0x5a: {  	v11 =	vld [tilespmem:$0x10]  }
0x5b: {  	v12 =	vld [tilespmem:$0x20]  }
0x5c: {  	v13 =	vld [tilespmem:$0x30]  }
0x5d: {  	v14 =	vld [tilespmem:$0x40]  }
0x5e: {  	v15 =	vld [tilespmem:$0x50];
	v10 =	vshll.u32 v10, $0x7  }
0x5f: {  	v16 =	vld [tilespmem:$0x60];
	v11 =	vshll.u32 v11, $0x7;
	v10 =	vor.u32 v0, v10  }
0x60: {  	v17 =	vld [tilespmem:$0x70];
	v12 =	vshll.u32 v12, $0x7;
	v11 =	vor.u32 v3, v11  }
0x61: {  	v13 =	vshll.u32 v13, $0x7;
	v12 =	vor.u32 v4, v12  }
0x62: {  	v14 =	vshll.u32 v14, $0x7;
	v13 =	vor.u32 v5, v13  }
0x63: {  	v15 =	vshll.u32 v15, $0x7;
	v14 =	vor.u32 v6, v14  }
0x64: {  	v16 =	vshll.u32 v16, $0x7;
	v15 =	vor.u32 v7, v15;
	[tilespmem:v10+s24+$0x0] =	vst.idx.msk $0xffff, v2  }
0x65: {  	v17 =	vshll.u32 v17, $0x7;
	v16 =	vor.u32 v8, v16;
	[tilespmem:v11+s24+$0x0] =	vst.idx.msk $0xffff, v2  }
0x66: {  	v17 =	vor.u32 v9, v17;
	[tilespmem:v12+s24+$0x0] =	vst.idx.msk $0xffff, v2  }
0x67: {  	[tilespmem:v13+s24+$0x0] =	vst.idx.msk $0xffff, v2  }
0x68: {  	[tilespmem:v14+s24+$0x0] =	vst.idx.msk $0xffff, v2  }
0x69: {  	[tilespmem:v15+s24+$0x0] =	vst.idx.msk $0xffff, v2  }
0x6a: {  	[tilespmem:v16+s24+$0x0] =	vst.idx.msk $0xffff, v2  }
0x6b: {  	s1 =	simm.s32 $0x8900;
	[tilespmem:v17+s24+$0x0] =	vst.idx.msk $0xffff, v2  }
0x6c: {  	[hbm4b:s4+s22] =	stream.strided.scatter [tilespmem:s24], [sflag:$0x1], $0x8000, s25, s22, $0x38;
	[tilespmem:$0x18800] =	vst v63  }
0x6d: {  	[tilespmem:s1+$0xFFFFFF00] =	vst v1  }
0x6e: {  	[tilespmem:s1+$0xF0] =	vst v1  }
0x6f: {  	[tilespmem:s1+$0xE0] =	vst v1  }
0x70: {  	[tilespmem:s1+$0xD0] =	vst v1  }
0x71: {  	[tilespmem:s1+$0xC0] =	vst v1  }
0x72: {  	[tilespmem:s1+$0xB0] =	vst v1  }
0x73: {  	[tilespmem:s1+$0xA0] =	vst v1  }
0x74: {  	[tilespmem:s1+$0x90] =	vst v1  }
0x75: {  	[tilespmem:s1+$0x80] =	vst v1  }
0x76: {  	[tilespmem:s1+$0x70] =	vst v1  }
0x77: {  	[tilespmem:s1+$0x60] =	vst v1  }
0x78: {  	[tilespmem:s1+$0x50] =	vst v1  }
0x79: {  	[tilespmem:s1+$0x40] =	vst v1  }
0x7a: {  	[tilespmem:s1+$0x30] =	vst v1  }
0x7b: {  	[tilespmem:s1+$0x20] =	vst v1  }
0x7c: {  	[tilespmem:s1+$0x10] =	vst v1  }
0x7d: {  	[tilespmem:s1+$0x0] =	vst v1  }
0x7e: {  	[tilespmem:s1+$0xFFFFFFF0] =	vst v1  }
0x7f: {  	[tilespmem:s1+$0xFFFFFFE0] =	vst v1  }
0x80: {  	[tilespmem:s1+$0xFFFFFFD0] =	vst v1  }
0x81: {  	[tilespmem:s1+$0xFFFFFFC0] =	vst v1  }
0x82: {  	[tilespmem:s1+$0xFFFFFFB0] =	vst v1  }
0x83: {  	[tilespmem:s1+$0xFFFFFFA0] =	vst v1  }
0x84: {  	[tilespmem:s1+$0xFFFFFF90] =	vst v1  }
0x85: {  	[tilespmem:s1+$0xFFFFFF80] =	vst v1  }
0x86: {  	[tilespmem:s1+$0xFFFFFF70] =	vst v1  }
0x87: {  	[tilespmem:s1+$0xFFFFFF60] =	vst v1  }
0x88: {  	[tilespmem:s1+$0xFFFFFF50] =	vst v1  }
0x89: {  	[tilespmem:s1+$0xFFFFFF40] =	vst v1  }
0x8a: {  	[tilespmem:s1+$0xFFFFFF30] =	vst v1  }
0x8b: {  	s2 =	simm.s32 $0x0;
	[tilespmem:s1+$0xFFFFFF20] =	vst v1  }
.LBB2_4:
0x8c: {  	s2 =	sadd.s32 $0x4, s2;
	[tilespmem:s1+$0xFFFFFF10] =	vst v1;
	s1 =	sadd.s32 $0x200, s1  }
0x8d: {  	[tilespmem:s1+$0xFFFFFF00] =	vst v1;
	p0 =	slt.u32 s2, $0xFC  }
0x8e: {  	[tilespmem:s1+$0xF0] =	vst v1  }
0x8f: {  	[tilespmem:s1+$0xE0] =	vst v1  }
0x90: {  	[tilespmem:s1+$0xD0] =	vst v1  }
0x91: {  	[tilespmem:s1+$0xC0] =	vst v1  }
0x92: {  	[tilespmem:s1+$0xB0] =	vst v1  }
0x93: {  	[tilespmem:s1+$0xA0] =	vst v1  }
0x94: {  	[tilespmem:s1+$0x90] =	vst v1  }
0x95: {  	[tilespmem:s1+$0x80] =	vst v1  }
0x96: {  	[tilespmem:s1+$0x70] =	vst v1  }
0x97: {  	[tilespmem:s1+$0x60] =	vst v1  }
0x98: {  	[tilespmem:s1+$0x50] =	vst v1  }
0x99: {  	[tilespmem:s1+$0x40] =	vst v1  }
0x9a: {  	[tilespmem:s1+$0x30] =	vst v1  }
0x9b: {  	[tilespmem:s1+$0x20] =	vst v1  }
0x9c: {  	[tilespmem:s1+$0x10] =	vst v1  }
0x9d: {  	[tilespmem:s1+$0x0] =	vst v1  }
0x9e: {  	[tilespmem:s1+$0xFFFFFFF0] =	vst v1  }
0x9f: {  	[tilespmem:s1+$0xFFFFFFE0] =	vst v1  }
0xa0: {  	[tilespmem:s1+$0xFFFFFFD0] =	vst v1  }
0xa1: {  	[tilespmem:s1+$0xFFFFFFC0] =	vst v1  }
0xa2: {  	[tilespmem:s1+$0xFFFFFFB0] =	vst v1  }
0xa3: {  	[tilespmem:s1+$0xFFFFFFA0] =	vst v1  }
0xa4: {  	[tilespmem:s1+$0xFFFFFF90] =	vst v1  }
0xa5: {  	[tilespmem:s1+$0xFFFFFF80] =	vst v1  }
0xa6: {  	[tilespmem:s1+$0xFFFFFF70] =	vst v1  }
.Ltmp1:
0xa7: {  	[tilespmem:s1+$0xFFFFFF60] =	vst v1;
	(pc) =	sbr.rel @p0 .LBB2_4-.Ltmp1, $4  }
0xa8: {  	[tilespmem:s1+$0xFFFFFF50] =	vst v1  }
0xa9: {  	[tilespmem:s1+$0xFFFFFF40] =	vst v1  }
0xaa: {  	[tilespmem:s1+$0xFFFFFF30] =	vst v1  }
0xab: {  	[tilespmem:s1+$0xFFFFFF20] =	vst v1  }
0xac: {  	[tilespmem:s1+$0xFFFFFF10] =	vst v1  }
0xad: {  	v18 =	vld [tilespmem:$0x80]  }
0xae: {  	v19 =	vld [tilespmem:$0x90]  }
0xaf: {  	v20 =	vld [tilespmem:$0xA0]  }
0xb0: {  	v21 =	vld [tilespmem:$0xB0]  }
0xb1: {  	v22 =	vld [tilespmem:$0xC0]  }
0xb2: {  	v23 =	vld [tilespmem:$0xD0];
	v18 =	vshll.u32 v18, $0x7  }
0xb3: {  	v24 =	vld [tilespmem:$0xE0];
	v19 =	vshll.u32 v19, $0x7;
	v18 =	vor.u32 v0, v18  }
0xb4: {  	v25 =	vld [tilespmem:$0xF0];
	v20 =	vshll.u32 v20, $0x7;
	v19 =	vor.u32 v3, v19  }
0xb5: {  	v21 =	vshll.u32 v21, $0x7;
	v20 =	vor.u32 v4, v20  }
0xb6: {  	v22 =	vshll.u32 v22, $0x7;
	v21 =	vor.u32 v5, v21  }
0xb7: {  	v23 =	vshll.u32 v23, $0x7;
	v22 =	vor.u32 v6, v22  }
0xb8: {  	v24 =	vshll.u32 v24, $0x7;
	v23 =	vor.u32 v7, v23;
	[tilespmem:v18+s26+$0x0] =	vst.idx.msk $0xffff, v2  }
0xb9: {  	v25 =	vshll.u32 v25, $0x7;
	v24 =	vor.u32 v8, v24;
	[tilespmem:v19+s26+$0x0] =	vst.idx.msk $0xffff, v2  }
0xba: {  	v25 =	vor.u32 v9, v25;
	[tilespmem:v20+s26+$0x0] =	vst.idx.msk $0xffff, v2  }
0xbb: {  	[tilespmem:v21+s26+$0x0] =	vst.idx.msk $0xffff, v2  }
0xbc: {  	[tilespmem:v22+s26+$0x0] =	vst.idx.msk $0xffff, v2  }
0xbd: {  	[tilespmem:v23+s26+$0x0] =	vst.idx.msk $0xffff, v2  }
0xbe: {  	[tilespmem:v24+s26+$0x0] =	vst.idx.msk $0xffff, v2  }
0xbf: {  	s1 =	simm.s32 $0x10900;
	[tilespmem:v25+s26+$0x0] =	vst.idx.msk $0xffff, v2  }
0xc0: {  	[hbm4b:s5+s22] =	stream.strided.scatter [tilespmem:s26], [sflag:$0x2], $0x8000, s25, s22, $0x38;
	[tilespmem:$0x18800] =	vst v63  }
0xc1: {  	[tilespmem:s1+$0xFFFFFF00] =	vst v1  }
0xc2: {  	[tilespmem:s1+$0xF0] =	vst v1  }
0xc3: {  	[tilespmem:s1+$0xE0] =	vst v1  }
0xc4: {  	[tilespmem:s1+$0xD0] =	vst v1  }
0xc5: {  	[tilespmem:s1+$0xC0] =	vst v1  }
0xc6: {  	[tilespmem:s1+$0xB0] =	vst v1  }
0xc7: {  	[tilespmem:s1+$0xA0] =	vst v1  }
0xc8: {  	[tilespmem:s1+$0x90] =	vst v1  }
0xc9: {  	[tilespmem:s1+$0x80] =	vst v1  }
0xca: {  	[tilespmem:s1+$0x70] =	vst v1  }
0xcb: {  	[tilespmem:s1+$0x60] =	vst v1  }
0xcc: {  	[tilespmem:s1+$0x50] =	vst v1  }
0xcd: {  	[tilespmem:s1+$0x40] =	vst v1  }
0xce: {  	[tilespmem:s1+$0x30] =	vst v1  }
0xcf: {  	[tilespmem:s1+$0x20] =	vst v1  }
0xd0: {  	[tilespmem:s1+$0x10] =	vst v1  }
0xd1: {  	[tilespmem:s1+$0x0] =	vst v1  }
0xd2: {  	[tilespmem:s1+$0xFFFFFFF0] =	vst v1  }
0xd3: {  	[tilespmem:s1+$0xFFFFFFE0] =	vst v1  }
0xd4: {  	[tilespmem:s1+$0xFFFFFFD0] =	vst v1  }
0xd5: {  	[tilespmem:s1+$0xFFFFFFC0] =	vst v1  }
0xd6: {  	[tilespmem:s1+$0xFFFFFFB0] =	vst v1  }
0xd7: {  	[tilespmem:s1+$0xFFFFFFA0] =	vst v1  }
0xd8: {  	[tilespmem:s1+$0xFFFFFF90] =	vst v1  }
0xd9: {  	[tilespmem:s1+$0xFFFFFF80] =	vst v1  }
0xda: {  	[tilespmem:s1+$0xFFFFFF70] =	vst v1  }
0xdb: {  	[tilespmem:s1+$0xFFFFFF60] =	vst v1  }
0xdc: {  	[tilespmem:s1+$0xFFFFFF50] =	vst v1  }
0xdd: {  	[tilespmem:s1+$0xFFFFFF40] =	vst v1  }
0xde: {  	[tilespmem:s1+$0xFFFFFF30] =	vst v1  }
0xdf: {  	s2 =	simm.s32 $0x0;
	[tilespmem:s1+$0xFFFFFF20] =	vst v1  }
.LBB2_6:
0xe0: {  	s2 =	sadd.s32 $0x4, s2;
	[tilespmem:s1+$0xFFFFFF10] =	vst v1;
	s1 =	sadd.s32 $0x200, s1  }
0xe1: {  	[tilespmem:s1+$0xFFFFFF00] =	vst v1;
	p0 =	slt.u32 s2, $0xFC  }
0xe2: {  	[tilespmem:s1+$0xF0] =	vst v1  }
0xe3: {  	[tilespmem:s1+$0xE0] =	vst v1  }
0xe4: {  	[tilespmem:s1+$0xD0] =	vst v1  }
0xe5: {  	[tilespmem:s1+$0xC0] =	vst v1  }
0xe6: {  	[tilespmem:s1+$0xB0] =	vst v1  }
0xe7: {  	[tilespmem:s1+$0xA0] =	vst v1  }
0xe8: {  	[tilespmem:s1+$0x90] =	vst v1  }
0xe9: {  	[tilespmem:s1+$0x80] =	vst v1  }
0xea: {  	[tilespmem:s1+$0x70] =	vst v1  }
0xeb: {  	[tilespmem:s1+$0x60] =	vst v1  }
0xec: {  	[tilespmem:s1+$0x50] =	vst v1  }
0xed: {  	[tilespmem:s1+$0x40] =	vst v1  }
0xee: {  	[tilespmem:s1+$0x30] =	vst v1  }
0xef: {  	[tilespmem:s1+$0x20] =	vst v1  }
0xf0: {  	[tilespmem:s1+$0x10] =	vst v1  }
0xf1: {  	[tilespmem:s1+$0x0] =	vst v1  }
0xf2: {  	[tilespmem:s1+$0xFFFFFFF0] =	vst v1  }
0xf3: {  	[tilespmem:s1+$0xFFFFFFE0] =	vst v1  }
0xf4: {  	[tilespmem:s1+$0xFFFFFFD0] =	vst v1  }
0xf5: {  	[tilespmem:s1+$0xFFFFFFC0] =	vst v1  }
0xf6: {  	[tilespmem:s1+$0xFFFFFFB0] =	vst v1  }
0xf7: {  	[tilespmem:s1+$0xFFFFFFA0] =	vst v1  }
0xf8: {  	[tilespmem:s1+$0xFFFFFF90] =	vst v1  }
0xf9: {  	[tilespmem:s1+$0xFFFFFF80] =	vst v1  }
0xfa: {  	[tilespmem:s1+$0xFFFFFF70] =	vst v1  }
.Ltmp2:
0xfb: {  	[tilespmem:s1+$0xFFFFFF60] =	vst v1;
	(pc) =	sbr.rel @p0 .LBB2_6-.Ltmp2, $4  }
0xfc: {  	[tilespmem:s1+$0xFFFFFF50] =	vst v1  }
0xfd: {  	[tilespmem:s1+$0xFFFFFF40] =	vst v1  }
0xfe: {  	[tilespmem:s1+$0xFFFFFF30] =	vst v1  }
0xff: {  	[tilespmem:s1+$0xFFFFFF20] =	vst v1  }
0x100: {  	[tilespmem:s1+$0xFFFFFF10] =	vst v1  }
0x101: {  	v26 =	vld [tilespmem:$0x100]  }
0x102: {  	v27 =	vld [tilespmem:$0x110]  }
0x103: {  	v28 =	vld [tilespmem:$0x120]  }
0x104: {  	v29 =	vld [tilespmem:$0x130]  }
0x105: {  	v30 =	vld [tilespmem:$0x140]  }
0x106: {  	v31 =	vld [tilespmem:$0x150];
	v26 =	vshll.u32 v26, $0x7  }
0x107: {  	v32 =	vld [tilespmem:$0x160];
	v27 =	vshll.u32 v27, $0x7;
	v26 =	vor.u32 v0, v26  }
0x108: {  	v33 =	vld [tilespmem:$0x170];
	v28 =	vshll.u32 v28, $0x7;
	v27 =	vor.u32 v3, v27  }
0x109: {  	v29 =	vshll.u32 v29, $0x7;
	v28 =	vor.u32 v4, v28  }
0x10a: {  	v30 =	vshll.u32 v30, $0x7;
	v29 =	vor.u32 v5, v29  }
0x10b: {  	v31 =	vshll.u32 v31, $0x7;
	v30 =	vor.u32 v6, v30  }
0x10c: {  	v32 =	vshll.u32 v32, $0x7;
	v31 =	vor.u32 v7, v31;
	[tilespmem:v26+s28+$0x0] =	vst.idx.msk $0xffff, v2  }
0x10d: {  	v33 =	vshll.u32 v33, $0x7;
	v32 =	vor.u32 v8, v32;
	[tilespmem:v27+s28+$0x0] =	vst.idx.msk $0xffff, v2  }
0x10e: {  	v33 =	vor.u32 v9, v33;
	[tilespmem:v28+s28+$0x0] =	vst.idx.msk $0xffff, v2  }
0x10f: {  	[tilespmem:v29+s28+$0x0] =	vst.idx.msk $0xffff, v2  }
0x110: {  	[tilespmem:v30+s28+$0x0] =	vst.idx.msk $0xffff, v2  }
0x111: {  	[tilespmem:v31+s28+$0x0] =	vst.idx.msk $0xffff, v2  }
0x112: {  	[tilespmem:v32+s28+$0x0] =	vst.idx.msk $0xffff, v2  }
0x113: {  	[tilespmem:v33+s28+$0x0] =	vst.idx.msk $0xffff, v2  }
0x114: {  	[hbm4b:s6+s22] =	stream.strided.scatter [tilespmem:s28], [sflag:$0x3], $0x8000, s25, s22, $0x38;
	[tilespmem:$0x18800] =	vst v63  }
0x115: {  	_ =	swait.ge [sflag:s29], $0x8000  }
0x116: {  	[sflag:s29] =	ssyncset.done $0x0  }
0x117: {  	[sflag:s29] =	ssyncadd.s32 $0xFFFF8000  }
0x118: {  	[tilespmem:v10+s24+$0x0] =	vst.idx.msk $0xffff, v1  }
0x119: {  	[tilespmem:v11+s24+$0x0] =	vst.idx.msk $0xffff, v1  }
0x11a: {  	[tilespmem:v12+s24+$0x0] =	vst.idx.msk $0xffff, v1  }
0x11b: {  	[tilespmem:v13+s24+$0x0] =	vst.idx.msk $0xffff, v1  }
0x11c: {  	[tilespmem:v14+s24+$0x0] =	vst.idx.msk $0xffff, v1  }
0x11d: {  	[tilespmem:v15+s24+$0x0] =	vst.idx.msk $0xffff, v1  }
0x11e: {  	[tilespmem:v16+s24+$0x0] =	vst.idx.msk $0xffff, v1  }
0x11f: {  	[tilespmem:v17+s24+$0x0] =	vst.idx.msk $0xffff, v1  }
0x120: {  	v10 =	vld [tilespmem:$0x180]  }
0x121: {  	v11 =	vld [tilespmem:$0x190]  }
0x122: {  	v12 =	vld [tilespmem:$0x1A0]  }
0x123: {  	v13 =	vld [tilespmem:$0x1B0]  }
0x124: {  	v14 =	vld [tilespmem:$0x1C0]  }
0x125: {  	v15 =	vld [tilespmem:$0x1D0];
	v10 =	vshll.u32 v10, $0x7  }
0x126: {  	v16 =	vld [tilespmem:$0x1E0];
	v11 =	vshll.u32 v11, $0x7;
	v10 =	vor.u32 v0, v10  }
0x127: {  	v17 =	vld [tilespmem:$0x1F0];
	v12 =	vshll.u32 v12, $0x7;
	v11 =	vor.u32 v3, v11  }
0x128: {  	v13 =	vshll.u32 v13, $0x7;
	v12 =	vor.u32 v4, v12  }
0x129: {  	v14 =	vshll.u32 v14, $0x7;
	v13 =	vor.u32 v5, v13  }
0x12a: {  	v15 =	vshll.u32 v15, $0x7;
	v14 =	vor.u32 v6, v14  }
0x12b: {  	v16 =	vshll.u32 v16, $0x7;
	v15 =	vor.u32 v7, v15;
	[tilespmem:v10+s24+$0x0] =	vst.idx.msk $0xffff, v2  }
0x12c: {  	v17 =	vshll.u32 v17, $0x7;
	v16 =	vor.u32 v8, v16;
	[tilespmem:v11+s24+$0x0] =	vst.idx.msk $0xffff, v2  }
0x12d: {  	v17 =	vor.u32 v9, v17;
	[tilespmem:v12+s24+$0x0] =	vst.idx.msk $0xffff, v2  }
0x12e: {  	[tilespmem:v13+s24+$0x0] =	vst.idx.msk $0xffff, v2  }
0x12f: {  	[tilespmem:v14+s24+$0x0] =	vst.idx.msk $0xffff, v2  }
0x130: {  	[tilespmem:v15+s24+$0x0] =	vst.idx.msk $0xffff, v2  }
0x131: {  	[tilespmem:v16+s24+$0x0] =	vst.idx.msk $0xffff, v2  }
0x132: {  	[tilespmem:v17+s24+$0x0] =	vst.idx.msk $0xffff, v2  }
0x133: {  	[hbm4b:s7+s22] =	stream.strided.scatter [tilespmem:s24], [sflag:$0x1], $0x8000, s25, s22, $0x38;
	[tilespmem:$0x18800] =	vst v63  }
0x134: {  	_ =	swait.ge [sflag:s30], $0x8000  }
0x135: {  	[sflag:s30] =	ssyncset.done $0x0  }
0x136: {  	[sflag:s30] =	ssyncadd.s32 $0xFFFF8000  }
0x137: {  	[tilespmem:v18+s26+$0x0] =	vst.idx.msk $0xffff, v1  }
0x138: {  	[tilespmem:v19+s26+$0x0] =	vst.idx.msk $0xffff, v1  }
0x139: {  	[tilespmem:v20+s26+$0x0] =	vst.idx.msk $0xffff, v1  }
0x13a: {  	[tilespmem:v21+s26+$0x0] =	vst.idx.msk $0xffff, v1  }
0x13b: {  	[tilespmem:v22+s26+$0x0] =	vst.idx.msk $0xffff, v1  }
0x13c: {  	[tilespmem:v23+s26+$0x0] =	vst.idx.msk $0xffff, v1  }
0x13d: {  	[tilespmem:v24+s26+$0x0] =	vst.idx.msk $0xffff, v1  }
0x13e: {  	[tilespmem:v25+s26+$0x0] =	vst.idx.msk $0xffff, v1  }
0x13f: {  	v18 =	vld [tilespmem:$0x200]  }
0x140: {  	v19 =	vld [tilespmem:$0x210]  }
0x141: {  	v20 =	vld [tilespmem:$0x220]  }
0x142: {  	v21 =	vld [tilespmem:$0x230]  }
0x143: {  	v22 =	vld [tilespmem:$0x240]  }
0x144: {  	v23 =	vld [tilespmem:$0x250];
	v18 =	vshll.u32 v18, $0x7  }
0x145: {  	v24 =	vld [tilespmem:$0x260];
	v19 =	vshll.u32 v19, $0x7;
	v18 =	vor.u32 v0, v18  }
0x146: {  	v25 =	vld [tilespmem:$0x270];
	v20 =	vshll.u32 v20, $0x7;
	v19 =	vor.u32 v3, v19  }
0x147: {  	v21 =	vshll.u32 v21, $0x7;
	v20 =	vor.u32 v4, v20  }
0x148: {  	v22 =	vshll.u32 v22, $0x7;
	v21 =	vor.u32 v5, v21  }
0x149: {  	v23 =	vshll.u32 v23, $0x7;
	v22 =	vor.u32 v6, v22  }
0x14a: {  	v24 =	vshll.u32 v24, $0x7;
	v23 =	vor.u32 v7, v23;
	[tilespmem:v18+s26+$0x0] =	vst.idx.msk $0xffff, v2  }
0x14b: {  	v25 =	vshll.u32 v25, $0x7;
	v24 =	vor.u32 v8, v24;
	[tilespmem:v19+s26+$0x0] =	vst.idx.msk $0xffff, v2  }
0x14c: {  	v25 =	vor.u32 v9, v25;
	[tilespmem:v20+s26+$0x0] =	vst.idx.msk $0xffff, v2  }
0x14d: {  	[tilespmem:v21+s26+$0x0] =	vst.idx.msk $0xffff, v2  }
0x14e: {  	[tilespmem:v22+s26+$0x0] =	vst.idx.msk $0xffff, v2  }
0x14f: {  	[tilespmem:v23+s26+$0x0] =	vst.idx.msk $0xffff, v2  }
0x150: {  	[tilespmem:v24+s26+$0x0] =	vst.idx.msk $0xffff, v2  }
0x151: {  	[tilespmem:v25+s26+$0x0] =	vst.idx.msk $0xffff, v2  }
0x152: {  	[hbm4b:s8+s22] =	stream.strided.scatter [tilespmem:s26], [sflag:$0x2], $0x8000, s25, s22, $0x38;
	[tilespmem:$0x18800] =	vst v63  }
0x153: {  	_ =	swait.ge [sflag:s31], $0x8000  }
0x154: {  	[sflag:s31] =	ssyncset.done $0x0  }
0x155: {  	[sflag:s31] =	ssyncadd.s32 $0xFFFF8000  }
0x156: {  	[tilespmem:v26+s28+$0x0] =	vst.idx.msk $0xffff, v1  }
0x157: {  	[tilespmem:v27+s28+$0x0] =	vst.idx.msk $0xffff, v1  }
0x158: {  	[tilespmem:v28+s28+$0x0] =	vst.idx.msk $0xffff, v1  }
0x159: {  	[tilespmem:v29+s28+$0x0] =	vst.idx.msk $0xffff, v1  }
0x15a: {  	[tilespmem:v30+s28+$0x0] =	vst.idx.msk $0xffff, v1  }
0x15b: {  	[tilespmem:v31+s28+$0x0] =	vst.idx.msk $0xffff, v1  }
0x15c: {  	[tilespmem:v32+s28+$0x0] =	vst.idx.msk $0xffff, v1  }
0x15d: {  	[tilespmem:v33+s28+$0x0] =	vst.idx.msk $0xffff, v1  }
0x15e: {  	v26 =	vld [tilespmem:$0x280]  }
0x15f: {  	v27 =	vld [tilespmem:$0x290]  }
0x160: {  	v28 =	vld [tilespmem:$0x2A0]  }
0x161: {  	v29 =	vld [tilespmem:$0x2B0]  }
0x162: {  	v30 =	vld [tilespmem:$0x2C0]  }
0x163: {  	v31 =	vld [tilespmem:$0x2D0];
	v26 =	vshll.u32 v26, $0x7  }
0x164: {  	v32 =	vld [tilespmem:$0x2E0];
	v27 =	vshll.u32 v27, $0x7;
	v26 =	vor.u32 v0, v26  }
0x165: {  	v33 =	vld [tilespmem:$0x2F0];
	v28 =	vshll.u32 v28, $0x7;
	v27 =	vor.u32 v3, v27  }
0x166: {  	v29 =	vshll.u32 v29, $0x7;
	v28 =	vor.u32 v4, v28  }
0x167: {  	v30 =	vshll.u32 v30, $0x7;
	v29 =	vor.u32 v5, v29  }
0x168: {  	v31 =	vshll.u32 v31, $0x7;
	v30 =	vor.u32 v6, v30  }
0x169: {  	v32 =	vshll.u32 v32, $0x7;
	v31 =	vor.u32 v7, v31;
	[tilespmem:v26+s28+$0x0] =	vst.idx.msk $0xffff, v2  }
0x16a: {  	v33 =	vshll.u32 v33, $0x7;
	v32 =	vor.u32 v8, v32;
	[tilespmem:v27+s28+$0x0] =	vst.idx.msk $0xffff, v2  }
0x16b: {  	v33 =	vor.u32 v9, v33;
	[tilespmem:v28+s28+$0x0] =	vst.idx.msk $0xffff, v2  }
0x16c: {  	[tilespmem:v29+s28+$0x0] =	vst.idx.msk $0xffff, v2  }
0x16d: {  	[tilespmem:v30+s28+$0x0] =	vst.idx.msk $0xffff, v2  }
0x16e: {  	[tilespmem:v31+s28+$0x0] =	vst.idx.msk $0xffff, v2  }
0x16f: {  	[tilespmem:v32+s28+$0x0] =	vst.idx.msk $0xffff, v2  }
0x170: {  	[tilespmem:v33+s28+$0x0] =	vst.idx.msk $0xffff, v2  }
0x171: {  	[hbm4b:s9+s22] =	stream.strided.scatter [tilespmem:s28], [sflag:$0x3], $0x8000, s25, s22, $0x38;
	[tilespmem:$0x18800] =	vst v63  }
0x172: {  	_ =	swait.ge [sflag:s29], $0x8000  }
0x173: {  	[sflag:s29] =	ssyncset.done $0x0  }
0x174: {  	[sflag:s29] =	ssyncadd.s32 $0xFFFF8000  }
0x175: {  	[tilespmem:v10+s24+$0x0] =	vst.idx.msk $0xffff, v1  }
0x176: {  	[tilespmem:v11+s24+$0x0] =	vst.idx.msk $0xffff, v1  }
0x177: {  	[tilespmem:v12+s24+$0x0] =	vst.idx.msk $0xffff, v1  }
0x178: {  	[tilespmem:v13+s24+$0x0] =	vst.idx.msk $0xffff, v1  }
0x179: {  	[tilespmem:v14+s24+$0x0] =	vst.idx.msk $0xffff, v1  }
0x17a: {  	[tilespmem:v15+s24+$0x0] =	vst.idx.msk $0xffff, v1  }
0x17b: {  	[tilespmem:v16+s24+$0x0] =	vst.idx.msk $0xffff, v1  }
0x17c: {  	[tilespmem:v17+s24+$0x0] =	vst.idx.msk $0xffff, v1  }
0x17d: {  	v10 =	vld [tilespmem:$0x300]  }
0x17e: {  	v11 =	vld [tilespmem:$0x310]  }
0x17f: {  	v12 =	vld [tilespmem:$0x320]  }
0x180: {  	v13 =	vld [tilespmem:$0x330]  }
0x181: {  	v14 =	vld [tilespmem:$0x340]  }
0x182: {  	v15 =	vld [tilespmem:$0x350];
	v10 =	vshll.u32 v10, $0x7  }
0x183: {  	v16 =	vld [tilespmem:$0x360];
	v11 =	vshll.u32 v11, $0x7;
	v10 =	vor.u32 v0, v10  }
0x184: {  	v17 =	vld [tilespmem:$0x370];
	v12 =	vshll.u32 v12, $0x7;
	v11 =	vor.u32 v3, v11  }
0x185: {  	v13 =	vshll.u32 v13, $0x7;
	v12 =	vor.u32 v4, v12  }
0x186: {  	v14 =	vshll.u32 v14, $0x7;
	v13 =	vor.u32 v5, v13  }
0x187: {  	v15 =	vshll.u32 v15, $0x7;
	v14 =	vor.u32 v6, v14  }
0x188: {  	v16 =	vshll.u32 v16, $0x7;
	v15 =	vor.u32 v7, v15;
	[tilespmem:v10+s24+$0x0] =	vst.idx.msk $0xffff, v2  }
0x189: {  	v17 =	vshll.u32 v17, $0x7;
	v16 =	vor.u32 v8, v16;
	[tilespmem:v11+s24+$0x0] =	vst.idx.msk $0xffff, v2  }
0x18a: {  	v17 =	vor.u32 v9, v17;
	[tilespmem:v12+s24+$0x0] =	vst.idx.msk $0xffff, v2  }
0x18b: {  	[tilespmem:v13+s24+$0x0] =	vst.idx.msk $0xffff, v2  }
0x18c: {  	[tilespmem:v14+s24+$0x0] =	vst.idx.msk $0xffff, v2  }
0x18d: {  	[tilespmem:v15+s24+$0x0] =	vst.idx.msk $0xffff, v2  }
0x18e: {  	[tilespmem:v16+s24+$0x0] =	vst.idx.msk $0xffff, v2  }
0x18f: {  	[tilespmem:v17+s24+$0x0] =	vst.idx.msk $0xffff, v2  }
0x190: {  	[hbm4b:s10+s22] =	stream.strided.scatter [tilespmem:s24], [sflag:$0x1], $0x8000, s25, s22, $0x38;
	[tilespmem:$0x18800] =	vst v63  }
0x191: {  	_ =	swait.ge [sflag:s30], $0x8000  }
0x192: {  	[sflag:s30] =	ssyncset.done $0x0  }
0x193: {  	[sflag:s30] =	ssyncadd.s32 $0xFFFF8000  }
0x194: {  	[tilespmem:v18+s26+$0x0] =	vst.idx.msk $0xffff, v1  }
0x195: {  	[tilespmem:v19+s26+$0x0] =	vst.idx.msk $0xffff, v1  }
0x196: {  	[tilespmem:v20+s26+$0x0] =	vst.idx.msk $0xffff, v1  }
0x197: {  	[tilespmem:v21+s26+$0x0] =	vst.idx.msk $0xffff, v1  }
0x198: {  	[tilespmem:v22+s26+$0x0] =	vst.idx.msk $0xffff, v1  }
0x199: {  	[tilespmem:v23+s26+$0x0] =	vst.idx.msk $0xffff, v1  }
0x19a: {  	[tilespmem:v24+s26+$0x0] =	vst.idx.msk $0xffff, v1  }
0x19b: {  	[tilespmem:v25+s26+$0x0] =	vst.idx.msk $0xffff, v1  }
0x19c: {  	v18 =	vld [tilespmem:$0x380]  }
0x19d: {  	v19 =	vld [tilespmem:$0x390]  }
0x19e: {  	v20 =	vld [tilespmem:$0x3A0]  }
0x19f: {  	v21 =	vld [tilespmem:$0x3B0]  }
0x1a0: {  	v22 =	vld [tilespmem:$0x3C0]  }
0x1a1: {  	v23 =	vld [tilespmem:$0x3D0];
	v18 =	vshll.u32 v18, $0x7  }
0x1a2: {  	v24 =	vld [tilespmem:$0x3E0];
	v19 =	vshll.u32 v19, $0x7;
	v18 =	vor.u32 v0, v18  }
0x1a3: {  	v25 =	vld [tilespmem:$0x3F0];
	v20 =	vshll.u32 v20, $0x7;
	v19 =	vor.u32 v3, v19  }
0x1a4: {  	v21 =	vshll.u32 v21, $0x7;
	v20 =	vor.u32 v4, v20  }
0x1a5: {  	v22 =	vshll.u32 v22, $0x7;
	v21 =	vor.u32 v5, v21  }
0x1a6: {  	v23 =	vshll.u32 v23, $0x7;
	v22 =	vor.u32 v6, v22  }
0x1a7: {  	v24 =	vshll.u32 v24, $0x7;
	v23 =	vor.u32 v7, v23;
	[tilespmem:v18+s26+$0x0] =	vst.idx.msk $0xffff, v2  }
0x1a8: {  	v25 =	vshll.u32 v25, $0x7;
	v24 =	vor.u32 v8, v24;
	[tilespmem:v19+s26+$0x0] =	vst.idx.msk $0xffff, v2  }
0x1a9: {  	v25 =	vor.u32 v9, v25;
	[tilespmem:v20+s26+$0x0] =	vst.idx.msk $0xffff, v2  }
0x1aa: {  	[tilespmem:v21+s26+$0x0] =	vst.idx.msk $0xffff, v2  }
0x1ab: {  	[tilespmem:v22+s26+$0x0] =	vst.idx.msk $0xffff, v2  }
0x1ac: {  	[tilespmem:v23+s26+$0x0] =	vst.idx.msk $0xffff, v2  }
0x1ad: {  	[tilespmem:v24+s26+$0x0] =	vst.idx.msk $0xffff, v2  }
0x1ae: {  	[tilespmem:v25+s26+$0x0] =	vst.idx.msk $0xffff, v2  }
0x1af: {  	[hbm4b:s11+s22] =	stream.strided.scatter [tilespmem:s26], [sflag:$0x2], $0x8000, s25, s22, $0x38;
	[tilespmem:$0x18800] =	vst v63  }
0x1b0: {  	_ =	swait.ge [sflag:s31], $0x8000  }
0x1b1: {  	[sflag:s31] =	ssyncset.done $0x0  }
0x1b2: {  	[sflag:s31] =	ssyncadd.s32 $0xFFFF8000  }
0x1b3: {  	[tilespmem:v26+s28+$0x0] =	vst.idx.msk $0xffff, v1  }
0x1b4: {  	[tilespmem:v27+s28+$0x0] =	vst.idx.msk $0xffff, v1  }
0x1b5: {  	[tilespmem:v28+s28+$0x0] =	vst.idx.msk $0xffff, v1  }
0x1b6: {  	[tilespmem:v29+s28+$0x0] =	vst.idx.msk $0xffff, v1  }
0x1b7: {  	[tilespmem:v30+s28+$0x0] =	vst.idx.msk $0xffff, v1  }
0x1b8: {  	[tilespmem:v31+s28+$0x0] =	vst.idx.msk $0xffff, v1  }
0x1b9: {  	[tilespmem:v32+s28+$0x0] =	vst.idx.msk $0xffff, v1  }
0x1ba: {  	[tilespmem:v33+s28+$0x0] =	vst.idx.msk $0xffff, v1  }
0x1bb: {  	v26 =	vld [tilespmem:$0x400]  }
0x1bc: {  	v27 =	vld [tilespmem:$0x410]  }
0x1bd: {  	v28 =	vld [tilespmem:$0x420]  }
0x1be: {  	v29 =	vld [tilespmem:$0x430]  }
0x1bf: {  	v30 =	vld [tilespmem:$0x440]  }
0x1c0: {  	v31 =	vld [tilespmem:$0x450];
	v26 =	vshll.u32 v26, $0x7  }
0x1c1: {  	v32 =	vld [tilespmem:$0x460];
	v27 =	vshll.u32 v27, $0x7;
	v26 =	vor.u32 v0, v26  }
0x1c2: {  	v33 =	vld [tilespmem:$0x470];
	v28 =	vshll.u32 v28, $0x7;
	v27 =	vor.u32 v3, v27  }
0x1c3: {  	v29 =	vshll.u32 v29, $0x7;
	v28 =	vor.u32 v4, v28  }
0x1c4: {  	v30 =	vshll.u32 v30, $0x7;
	v29 =	vor.u32 v5, v29  }
0x1c5: {  	v31 =	vshll.u32 v31, $0x7;
	v30 =	vor.u32 v6, v30  }
0x1c6: {  	v32 =	vshll.u32 v32, $0x7;
	v31 =	vor.u32 v7, v31;
	[tilespmem:v26+s28+$0x0] =	vst.idx.msk $0xffff, v2  }
0x1c7: {  	v33 =	vshll.u32 v33, $0x7;
	v32 =	vor.u32 v8, v32;
	[tilespmem:v27+s28+$0x0] =	vst.idx.msk $0xffff, v2  }
0x1c8: {  	v33 =	vor.u32 v9, v33;
	[tilespmem:v28+s28+$0x0] =	vst.idx.msk $0xffff, v2  }
0x1c9: {  	[tilespmem:v29+s28+$0x0] =	vst.idx.msk $0xffff, v2  }
0x1ca: {  	[tilespmem:v30+s28+$0x0] =	vst.idx.msk $0xffff, v2  }
0x1cb: {  	[tilespmem:v31+s28+$0x0] =	vst.idx.msk $0xffff, v2  }
0x1cc: {  	[tilespmem:v32+s28+$0x0] =	vst.idx.msk $0xffff, v2  }
0x1cd: {  	[tilespmem:v33+s28+$0x0] =	vst.idx.msk $0xffff, v2  }
0x1ce: {  	[hbm4b:s12+s22] =	stream.strided.scatter [tilespmem:s28], [sflag:$0x3], $0x8000, s25, s22, $0x38;
	[tilespmem:$0x18800] =	vst v63  }
0x1cf: {  	_ =	swait.ge [sflag:s29], $0x8000  }
0x1d0: {  	[sflag:s29] =	ssyncset.done $0x0  }
0x1d1: {  	[sflag:s29] =	ssyncadd.s32 $0xFFFF8000  }
0x1d2: {  	[tilespmem:v10+s24+$0x0] =	vst.idx.msk $0xffff, v1  }
0x1d3: {  	[tilespmem:v11+s24+$0x0] =	vst.idx.msk $0xffff, v1  }
0x1d4: {  	[tilespmem:v12+s24+$0x0] =	vst.idx.msk $0xffff, v1  }
0x1d5: {  	[tilespmem:v13+s24+$0x0] =	vst.idx.msk $0xffff, v1  }
0x1d6: {  	[tilespmem:v14+s24+$0x0] =	vst.idx.msk $0xffff, v1  }
0x1d7: {  	[tilespmem:v15+s24+$0x0] =	vst.idx.msk $0xffff, v1  }
0x1d8: {  	[tilespmem:v16+s24+$0x0] =	vst.idx.msk $0xffff, v1  }
0x1d9: {  	[tilespmem:v17+s24+$0x0] =	vst.idx.msk $0xffff, v1  }
0x1da: {  	v10 =	vld [tilespmem:$0x480]  }
0x1db: {  	v11 =	vld [tilespmem:$0x490]  }
0x1dc: {  	v12 =	vld [tilespmem:$0x4A0]  }
0x1dd: {  	v13 =	vld [tilespmem:$0x4B0]  }
0x1de: {  	v14 =	vld [tilespmem:$0x4C0]  }
0x1df: {  	v15 =	vld [tilespmem:$0x4D0];
	v10 =	vshll.u32 v10, $0x7  }
0x1e0: {  	v16 =	vld [tilespmem:$0x4E0];
	v11 =	vshll.u32 v11, $0x7;
	v10 =	vor.u32 v0, v10  }
0x1e1: {  	v17 =	vld [tilespmem:$0x4F0];
	v12 =	vshll.u32 v12, $0x7;
	v11 =	vor.u32 v3, v11  }
0x1e2: {  	v13 =	vshll.u32 v13, $0x7;
	v12 =	vor.u32 v4, v12  }
0x1e3: {  	v14 =	vshll.u32 v14, $0x7;
	v13 =	vor.u32 v5, v13  }
0x1e4: {  	v15 =	vshll.u32 v15, $0x7;
	v14 =	vor.u32 v6, v14  }
0x1e5: {  	v16 =	vshll.u32 v16, $0x7;
	v15 =	vor.u32 v7, v15;
	[tilespmem:v10+s24+$0x0] =	vst.idx.msk $0xffff, v2  }
0x1e6: {  	v17 =	vshll.u32 v17, $0x7;
	v16 =	vor.u32 v8, v16;
	[tilespmem:v11+s24+$0x0] =	vst.idx.msk $0xffff, v2  }
0x1e7: {  	v17 =	vor.u32 v9, v17;
	[tilespmem:v12+s24+$0x0] =	vst.idx.msk $0xffff, v2  }
0x1e8: {  	[tilespmem:v13+s24+$0x0] =	vst.idx.msk $0xffff, v2  }
0x1e9: {  	[tilespmem:v14+s24+$0x0] =	vst.idx.msk $0xffff, v2  }
0x1ea: {  	[tilespmem:v15+s24+$0x0] =	vst.idx.msk $0xffff, v2  }
0x1eb: {  	[tilespmem:v16+s24+$0x0] =	vst.idx.msk $0xffff, v2  }
0x1ec: {  	[tilespmem:v17+s24+$0x0] =	vst.idx.msk $0xffff, v2  }
0x1ed: {  	[hbm4b:s13+s22] =	stream.strided.scatter [tilespmem:s24], [sflag:$0x1], $0x8000, s25, s22, $0x38;
	[tilespmem:$0x18800] =	vst v63  }
0x1ee: {  	_ =	swait.ge [sflag:s30], $0x8000  }
0x1ef: {  	[sflag:s30] =	ssyncset.done $0x0  }
0x1f0: {  	[sflag:s30] =	ssyncadd.s32 $0xFFFF8000  }
0x1f1: {  	[tilespmem:v18+s26+$0x0] =	vst.idx.msk $0xffff, v1  }
0x1f2: {  	[tilespmem:v19+s26+$0x0] =	vst.idx.msk $0xffff, v1  }
0x1f3: {  	[tilespmem:v20+s26+$0x0] =	vst.idx.msk $0xffff, v1  }
0x1f4: {  	[tilespmem:v21+s26+$0x0] =	vst.idx.msk $0xffff, v1  }
0x1f5: {  	[tilespmem:v22+s26+$0x0] =	vst.idx.msk $0xffff, v1  }
0x1f6: {  	[tilespmem:v23+s26+$0x0] =	vst.idx.msk $0xffff, v1  }
0x1f7: {  	[tilespmem:v24+s26+$0x0] =	vst.idx.msk $0xffff, v1  }
0x1f8: {  	[tilespmem:v25+s26+$0x0] =	vst.idx.msk $0xffff, v1  }
0x1f9: {  	v18 =	vld [tilespmem:$0x500]  }
0x1fa: {  	v19 =	vld [tilespmem:$0x510]  }
0x1fb: {  	v20 =	vld [tilespmem:$0x520]  }
0x1fc: {  	v21 =	vld [tilespmem:$0x530]  }
0x1fd: {  	v22 =	vld [tilespmem:$0x540]  }
0x1fe: {  	v23 =	vld [tilespmem:$0x550];
	v18 =	vshll.u32 v18, $0x7  }
0x1ff: {  	v24 =	vld [tilespmem:$0x560];
	v19 =	vshll.u32 v19, $0x7;
	v18 =	vor.u32 v0, v18  }
0x200: {  	v25 =	vld [tilespmem:$0x570];
	v20 =	vshll.u32 v20, $0x7;
	v19 =	vor.u32 v3, v19  }
0x201: {  	v21 =	vshll.u32 v21, $0x7;
	v20 =	vor.u32 v4, v20  }
0x202: {  	v22 =	vshll.u32 v22, $0x7;
	v21 =	vor.u32 v5, v21  }
0x203: {  	v23 =	vshll.u32 v23, $0x7;
	v22 =	vor.u32 v6, v22  }
0x204: {  	v24 =	vshll.u32 v24, $0x7;
	v23 =	vor.u32 v7, v23;
	[tilespmem:v18+s26+$0x0] =	vst.idx.msk $0xffff, v2  }
0x205: {  	v25 =	vshll.u32 v25, $0x7;
	v24 =	vor.u32 v8, v24;
	[tilespmem:v19+s26+$0x0] =	vst.idx.msk $0xffff, v2  }
0x206: {  	v25 =	vor.u32 v9, v25;
	[tilespmem:v20+s26+$0x0] =	vst.idx.msk $0xffff, v2  }
0x207: {  	[tilespmem:v21+s26+$0x0] =	vst.idx.msk $0xffff, v2  }
0x208: {  	[tilespmem:v22+s26+$0x0] =	vst.idx.msk $0xffff, v2  }
0x209: {  	[tilespmem:v23+s26+$0x0] =	vst.idx.msk $0xffff, v2  }
0x20a: {  	[tilespmem:v24+s26+$0x0] =	vst.idx.msk $0xffff, v2  }
0x20b: {  	[tilespmem:v25+s26+$0x0] =	vst.idx.msk $0xffff, v2  }
0x20c: {  	[hbm4b:s14+s22] =	stream.strided.scatter [tilespmem:s26], [sflag:$0x2], $0x8000, s25, s22, $0x38;
	[tilespmem:$0x18800] =	vst v63  }
0x20d: {  	_ =	swait.ge [sflag:s31], $0x8000  }
0x20e: {  	[sflag:s31] =	ssyncset.done $0x0  }
0x20f: {  	[sflag:s31] =	ssyncadd.s32 $0xFFFF8000  }
0x210: {  	[tilespmem:v26+s28+$0x0] =	vst.idx.msk $0xffff, v1  }
0x211: {  	[tilespmem:v27+s28+$0x0] =	vst.idx.msk $0xffff, v1  }
0x212: {  	[tilespmem:v28+s28+$0x0] =	vst.idx.msk $0xffff, v1  }
0x213: {  	[tilespmem:v29+s28+$0x0] =	vst.idx.msk $0xffff, v1  }
0x214: {  	[tilespmem:v30+s28+$0x0] =	vst.idx.msk $0xffff, v1  }
0x215: {  	[tilespmem:v31+s28+$0x0] =	vst.idx.msk $0xffff, v1  }
0x216: {  	[tilespmem:v32+s28+$0x0] =	vst.idx.msk $0xffff, v1  }
0x217: {  	[tilespmem:v33+s28+$0x0] =	vst.idx.msk $0xffff, v1  }
0x218: {  	v26 =	vld [tilespmem:$0x580]  }
0x219: {  	v27 =	vld [tilespmem:$0x590]  }
0x21a: {  	v28 =	vld [tilespmem:$0x5A0]  }
0x21b: {  	v29 =	vld [tilespmem:$0x5B0]  }
0x21c: {  	v30 =	vld [tilespmem:$0x5C0]  }
0x21d: {  	v31 =	vld [tilespmem:$0x5D0];
	v26 =	vshll.u32 v26, $0x7  }
0x21e: {  	v32 =	vld [tilespmem:$0x5E0];
	v27 =	vshll.u32 v27, $0x7;
	v26 =	vor.u32 v0, v26  }
0x21f: {  	v33 =	vld [tilespmem:$0x5F0];
	v28 =	vshll.u32 v28, $0x7;
	v27 =	vor.u32 v3, v27  }
0x220: {  	v29 =	vshll.u32 v29, $0x7;
	v28 =	vor.u32 v4, v28  }
0x221: {  	v30 =	vshll.u32 v30, $0x7;
	v29 =	vor.u32 v5, v29  }
0x222: {  	v31 =	vshll.u32 v31, $0x7;
	v30 =	vor.u32 v6, v30  }
0x223: {  	v32 =	vshll.u32 v32, $0x7;
	v31 =	vor.u32 v7, v31;
	[tilespmem:v26+s28+$0x0] =	vst.idx.msk $0xffff, v2  }
0x224: {  	v33 =	vshll.u32 v33, $0x7;
	v32 =	vor.u32 v8, v32;
	[tilespmem:v27+s28+$0x0] =	vst.idx.msk $0xffff, v2  }
0x225: {  	v33 =	vor.u32 v9, v33;
	[tilespmem:v28+s28+$0x0] =	vst.idx.msk $0xffff, v2  }
0x226: {  	[tilespmem:v29+s28+$0x0] =	vst.idx.msk $0xffff, v2  }
0x227: {  	[tilespmem:v30+s28+$0x0] =	vst.idx.msk $0xffff, v2  }
0x228: {  	[tilespmem:v31+s28+$0x0] =	vst.idx.msk $0xffff, v2  }
0x229: {  	[tilespmem:v32+s28+$0x0] =	vst.idx.msk $0xffff, v2  }
0x22a: {  	[tilespmem:v33+s28+$0x0] =	vst.idx.msk $0xffff, v2  }
0x22b: {  	[hbm4b:s15+s22] =	stream.strided.scatter [tilespmem:s28], [sflag:$0x3], $0x8000, s25, s22, $0x38;
	[tilespmem:$0x18800] =	vst v63  }
0x22c: {  	_ =	swait.ge [sflag:s29], $0x8000  }
0x22d: {  	[sflag:s29] =	ssyncset.done $0x0  }
0x22e: {  	[sflag:s29] =	ssyncadd.s32 $0xFFFF8000  }
0x22f: {  	[tilespmem:v10+s24+$0x0] =	vst.idx.msk $0xffff, v1  }
0x230: {  	[tilespmem:v11+s24+$0x0] =	vst.idx.msk $0xffff, v1  }
0x231: {  	[tilespmem:v12+s24+$0x0] =	vst.idx.msk $0xffff, v1  }
0x232: {  	[tilespmem:v13+s24+$0x0] =	vst.idx.msk $0xffff, v1  }
0x233: {  	[tilespmem:v14+s24+$0x0] =	vst.idx.msk $0xffff, v1  }
0x234: {  	[tilespmem:v15+s24+$0x0] =	vst.idx.msk $0xffff, v1  }
0x235: {  	[tilespmem:v16+s24+$0x0] =	vst.idx.msk $0xffff, v1  }
0x236: {  	[tilespmem:v17+s24+$0x0] =	vst.idx.msk $0xffff, v1  }
0x237: {  	v10 =	vld [tilespmem:$0x600]  }
0x238: {  	v11 =	vld [tilespmem:$0x610]  }
0x239: {  	v12 =	vld [tilespmem:$0x620]  }
0x23a: {  	v13 =	vld [tilespmem:$0x630]  }
0x23b: {  	v14 =	vld [tilespmem:$0x640]  }
0x23c: {  	v15 =	vld [tilespmem:$0x650];
	v10 =	vshll.u32 v10, $0x7  }
0x23d: {  	v16 =	vld [tilespmem:$0x660];
	v11 =	vshll.u32 v11, $0x7;
	v10 =	vor.u32 v0, v10  }
0x23e: {  	v17 =	vld [tilespmem:$0x670];
	v12 =	vshll.u32 v12, $0x7;
	v11 =	vor.u32 v3, v11  }
0x23f: {  	v13 =	vshll.u32 v13, $0x7;
	v12 =	vor.u32 v4, v12  }
0x240: {  	v14 =	vshll.u32 v14, $0x7;
	v13 =	vor.u32 v5, v13  }
0x241: {  	v15 =	vshll.u32 v15, $0x7;
	v14 =	vor.u32 v6, v14  }
0x242: {  	v16 =	vshll.u32 v16, $0x7;
	v15 =	vor.u32 v7, v15;
	[tilespmem:v10+s24+$0x0] =	vst.idx.msk $0xffff, v2  }
0x243: {  	v17 =	vshll.u32 v17, $0x7;
	v16 =	vor.u32 v8, v16;
	[tilespmem:v11+s24+$0x0] =	vst.idx.msk $0xffff, v2  }
0x244: {  	v17 =	vor.u32 v9, v17;
	[tilespmem:v12+s24+$0x0] =	vst.idx.msk $0xffff, v2  }
0x245: {  	[tilespmem:v13+s24+$0x0] =	vst.idx.msk $0xffff, v2  }
0x246: {  	[tilespmem:v14+s24+$0x0] =	vst.idx.msk $0xffff, v2  }
0x247: {  	[tilespmem:v15+s24+$0x0] =	vst.idx.msk $0xffff, v2  }
0x248: {  	[tilespmem:v16+s24+$0x0] =	vst.idx.msk $0xffff, v2  }
0x249: {  	[tilespmem:v17+s24+$0x0] =	vst.idx.msk $0xffff, v2  }
0x24a: {  	[hbm4b:s16+s22] =	stream.strided.scatter [tilespmem:s24], [sflag:$0x1], $0x8000, s25, s22, $0x38;
	[tilespmem:$0x18800] =	vst v63  }
0x24b: {  	_ =	swait.ge [sflag:s30], $0x8000  }
0x24c: {  	[sflag:s30] =	ssyncset.done $0x0  }
0x24d: {  	[sflag:s30] =	ssyncadd.s32 $0xFFFF8000  }
0x24e: {  	[tilespmem:v18+s26+$0x0] =	vst.idx.msk $0xffff, v1  }
0x24f: {  	[tilespmem:v19+s26+$0x0] =	vst.idx.msk $0xffff, v1  }
0x250: {  	[tilespmem:v20+s26+$0x0] =	vst.idx.msk $0xffff, v1  }
0x251: {  	[tilespmem:v21+s26+$0x0] =	vst.idx.msk $0xffff, v1  }
0x252: {  	[tilespmem:v22+s26+$0x0] =	vst.idx.msk $0xffff, v1  }
0x253: {  	[tilespmem:v23+s26+$0x0] =	vst.idx.msk $0xffff, v1  }
0x254: {  	[tilespmem:v24+s26+$0x0] =	vst.idx.msk $0xffff, v1  }
0x255: {  	[tilespmem:v25+s26+$0x0] =	vst.idx.msk $0xffff, v1  }
0x256: {  	v18 =	vld [tilespmem:$0x680]  }
0x257: {  	v19 =	vld [tilespmem:$0x690]  }
0x258: {  	v20 =	vld [tilespmem:$0x6A0]  }
0x259: {  	v21 =	vld [tilespmem:$0x6B0]  }
0x25a: {  	v22 =	vld [tilespmem:$0x6C0]  }
0x25b: {  	v23 =	vld [tilespmem:$0x6D0];
	v18 =	vshll.u32 v18, $0x7  }
0x25c: {  	v24 =	vld [tilespmem:$0x6E0];
	v19 =	vshll.u32 v19, $0x7;
	v18 =	vor.u32 v0, v18  }
0x25d: {  	v25 =	vld [tilespmem:$0x6F0];
	v20 =	vshll.u32 v20, $0x7;
	v19 =	vor.u32 v3, v19  }
0x25e: {  	v21 =	vshll.u32 v21, $0x7;
	v20 =	vor.u32 v4, v20  }
0x25f: {  	v22 =	vshll.u32 v22, $0x7;
	v21 =	vor.u32 v5, v21  }
0x260: {  	v23 =	vshll.u32 v23, $0x7;
	v22 =	vor.u32 v6, v22  }
0x261: {  	v44 =	vshll.u32 v24, $0x7;
	v43 =	vor.u32 v7, v23;
	[tilespmem:v18+s26+$0x0] =	vst.idx.msk $0xffff, v2  }
0x262: {  	v46 =	vshll.u32 v25, $0x7;
	v45 =	vor.u32 v8, v44;
	[tilespmem:v19+s26+$0x0] =	vst.idx.msk $0xffff, v2  }
0x263: {  	v47 =	vor.u32 v9, v46;
	[tilespmem:v20+s26+$0x0] =	vst.idx.msk $0xffff, v2  }
0x264: {  	[tilespmem:v21+s26+$0x0] =	vst.idx.msk $0xffff, v2  }
0x265: {  	[tilespmem:v22+s26+$0x0] =	vst.idx.msk $0xffff, v2  }
0x266: {  	[tilespmem:v43+s26+$0x0] =	vst.idx.msk $0xffff, v2  }
0x267: {  	[tilespmem:v45+s26+$0x0] =	vst.idx.msk $0xffff, v2  }
0x268: {  	[tilespmem:v47+s26+$0x0] =	vst.idx.msk $0xffff, v2  }
0x269: {  	[hbm4b:s17+s22] =	stream.strided.scatter [tilespmem:s26], [sflag:$0x2], $0x8000, s25, s22, $0x38;
	[tilespmem:$0x18800] =	vst v63  }
0x26a: {  	_ =	swait.ge [sflag:s31], $0x8000  }
0x26b: {  	[sflag:s31] =	ssyncset.done $0x0  }
0x26c: {  	[sflag:s31] =	ssyncadd.s32 $0xFFFF8000  }
0x26d: {  	[tilespmem:v26+s28+$0x0] =	vst.idx.msk $0xffff, v1  }
0x26e: {  	[tilespmem:v27+s28+$0x0] =	vst.idx.msk $0xffff, v1  }
0x26f: {  	[tilespmem:v28+s28+$0x0] =	vst.idx.msk $0xffff, v1  }
0x270: {  	[tilespmem:v29+s28+$0x0] =	vst.idx.msk $0xffff, v1  }
0x271: {  	[tilespmem:v30+s28+$0x0] =	vst.idx.msk $0xffff, v1  }
0x272: {  	[tilespmem:v31+s28+$0x0] =	vst.idx.msk $0xffff, v1  }
0x273: {  	[tilespmem:v32+s28+$0x0] =	vst.idx.msk $0xffff, v1  }
0x274: {  	[tilespmem:v33+s28+$0x0] =	vst.idx.msk $0xffff, v1  }
0x275: {  	v48 =	vld [tilespmem:$0x700]  }
0x276: {  	v49 =	vld [tilespmem:$0x710]  }
0x277: {  	v50 =	vld [tilespmem:$0x720]  }
0x278: {  	v51 =	vld [tilespmem:$0x730]  }
0x279: {  	v52 =	vld [tilespmem:$0x740]  }
0x27a: {  	v53 =	vld [tilespmem:$0x750];
	v18 =	vshll.u32 v48, $0x7  }
0x27b: {  	v54 =	vld [tilespmem:$0x760];
	v19 =	vshll.u32 v49, $0x7;
	v18 =	vor.u32 v0, v18  }
0x27c: {  	v55 =	vld [tilespmem:$0x770];
	v20 =	vshll.u32 v50, $0x7;
	v19 =	vor.u32 v3, v19  }
0x27d: {  	v21 =	vshll.u32 v51, $0x7;
	v20 =	vor.u32 v4, v20  }
0x27e: {  	v22 =	vshll.u32 v52, $0x7;
	v21 =	vor.u32 v5, v21  }
0x27f: {  	v23 =	vshll.u32 v53, $0x7;
	v22 =	vor.u32 v6, v22  }
0x280: {  	v57 =	vshll.u32 v54, $0x7;
	v56 =	vor.u32 v7, v23;
	[tilespmem:v18+s28+$0x0] =	vst.idx.msk $0xffff, v2  }
0x281: {  	v59 =	vshll.u32 v55, $0x7;
	v58 =	vor.u32 v8, v57;
	[tilespmem:v19+s28+$0x0] =	vst.idx.msk $0xffff, v2  }
0x282: {  	v60 =	vor.u32 v9, v59;
	[tilespmem:v20+s28+$0x0] =	vst.idx.msk $0xffff, v2  }
0x283: {  	[tilespmem:v21+s28+$0x0] =	vst.idx.msk $0xffff, v2  }
0x284: {  	[tilespmem:v22+s28+$0x0] =	vst.idx.msk $0xffff, v2  }
0x285: {  	[tilespmem:v56+s28+$0x0] =	vst.idx.msk $0xffff, v2  }
0x286: {  	[tilespmem:v58+s28+$0x0] =	vst.idx.msk $0xffff, v2  }
0x287: {  	[tilespmem:v60+s28+$0x0] =	vst.idx.msk $0xffff, v2  }
0x288: {  	[hbm4b:s18+s22] =	stream.strided.scatter [tilespmem:s28], [sflag:$0x3], $0x8000, s25, s22, $0x38;
	[tilespmem:$0x18800] =	vst v63  }
0x289: {  	_ =	swait.ge [sflag:s29], $0x8000  }
0x28a: {  	[sflag:s29] =	ssyncset.done $0x0  }
0x28b: {  	[sflag:s29] =	ssyncadd.s32 $0xFFFF8000  }
0x28c: {  	[tilespmem:v10+s24+$0x0] =	vst.idx.msk $0xffff, v1  }
0x28d: {  	[tilespmem:v11+s24+$0x0] =	vst.idx.msk $0xffff, v1  }
0x28e: {  	[tilespmem:v12+s24+$0x0] =	vst.idx.msk $0xffff, v1  }
0x28f: {  	[tilespmem:v13+s24+$0x0] =	vst.idx.msk $0xffff, v1  }
0x290: {  	[tilespmem:v14+s24+$0x0] =	vst.idx.msk $0xffff, v1  }
0x291: {  	[tilespmem:v15+s24+$0x0] =	vst.idx.msk $0xffff, v1  }
0x292: {  	[tilespmem:v16+s24+$0x0] =	vst.idx.msk $0xffff, v1  }
0x293: {  	[tilespmem:v17+s24+$0x0] =	vst.idx.msk $0xffff, v1  }
0x294: {  	v10 =	vld [tilespmem:$0x780]  }
0x295: {  	v11 =	vld [tilespmem:$0x790]  }
0x296: {  	v12 =	vld [tilespmem:$0x7A0]  }
0x297: {  	v13 =	vld [tilespmem:$0x7B0]  }
0x298: {  	v14 =	vld [tilespmem:$0x7C0]  }
0x299: {  	v15 =	vld [tilespmem:$0x7D0];
	v10 =	vshll.u32 v10, $0x7  }
0x29a: {  	v16 =	vld [tilespmem:$0x7E0];
	v11 =	vshll.u32 v11, $0x7;
	v10 =	vor.u32 v0, v10  }
0x29b: {  	v17 =	vld [tilespmem:$0x7F0];
	v12 =	vshll.u32 v12, $0x7;
	v11 =	vor.u32 v3, v11  }
0x29c: {  	v13 =	vshll.u32 v13, $0x7;
	v12 =	vor.u32 v4, v12  }
0x29d: {  	v14 =	vshll.u32 v14, $0x7;
	v13 =	vor.u32 v5, v13  }
0x29e: {  	v15 =	vshll.u32 v15, $0x7;
	v14 =	vor.u32 v6, v14  }
0x29f: {  	v61 =	vshll.u32 v16, $0x7;
	[tilespmem:v10+s24+$0x0] =	vst.idx.msk $0xffff, v2;
	v10 =	vor.u32 v7, v15  }
0x2a0: {  	v62 =	vshll.u32 v17, $0x7;
	[tilespmem:v11+s24+$0x0] =	vst.idx.msk $0xffff, v2;
	v11 =	vor.u32 v8, v61  }
0x2a1: {  	v63 =	vor.u32 v9, v62;
	[tilespmem:v12+s24+$0x0] =	vst.idx.msk $0xffff, v2  }
0x2a2: {  	[tilespmem:v13+s24+$0x0] =	vst.idx.msk $0xffff, v2  }
0x2a3: {  	[tilespmem:v14+s24+$0x0] =	vst.idx.msk $0xffff, v2  }
0x2a4: {  	[tilespmem:v10+s24+$0x0] =	vst.idx.msk $0xffff, v2  }
0x2a5: {  	[tilespmem:v11+s24+$0x0] =	vst.idx.msk $0xffff, v2  }
0x2a6: {  	[tilespmem:v63+s24+$0x0] =	vst.idx.msk $0xffff, v2  }
0x2a7: {  	[hbm4b:s19+s22] =	stream.strided.scatter [tilespmem:s24], [sflag:$0x1], $0x8000, s25, s22, $0x38;
	[tilespmem:$0x18800] =	vst v63  }
0x2a8: {  	_ =	swait.ge [sflag:s29], $0x8000  }
0x2a9: {  	[sflag:s29] =	ssyncset.done $0x0  }
0x2aa: {  	s0 =	sadd.s32 $0x1, s0;
	[sflag:s29] =	ssyncadd.s32 $0xFFFF8000  }
0x2ab: {  	p0 =	sne.s32 s0, s20;
	_ =	swait.ge [sflag:s30], $0x8000  }
.Ltmp3:
0x2ac: {  	[sflag:s30] =	ssyncset.done $0x0;
	(pc) =	sbr.rel @p0 .LBB2_1-.Ltmp3, $4  }
0x2ad: {  	[sflag:s30] =	ssyncadd.s32 $0xFFFF8000  }
0x2ae: {  	_ =	swait.ge [sflag:s31], $0x8000  }
0x2af: {  	[sflag:s31] =	ssyncset.done $0x0  }
0x2b0: {  	[sflag:s31] =	ssyncadd.s32 $0xFFFF8000  }
0x2b1: {  	_ =	sfence.sel $0x180000  }
0x2b2: {  	[bflag:$0x0] =	sbarrier.arrive $0xFFFF  }
0x2b3: {  	_ =	strace $0x90000047  }
0x2b4: {  	s0 =	stileid.u32;
	[bflag:$0x2] =	sbarrier.arrive $0xFFFF  }
0x2b5: {  	p0 =	sne.s32 s0, $0x0;
	s0 =	rddreg [dreg:$0x2]  }
0x2b6: {  	s0 =	sadd.s32 @!p0 $0x100000, s0  }
0x2b7: {  	[sflag:s0] =	ssyncadd.tile.s32 @!p0 $0x1;
	_ =	shalt  }
.Lfunc_end2:
_tile_overlayer_lowered:
.L_overlay_start_2:
0x2b8: {  	(tag) =	ssettag $0x2  }
0x2b9: {  	s0 =	rddreg [dreg:$0x0];
	s2 =	stileid.u32  }
0x2ba: {  	s1 =	rddreg [dreg:$0x1];
	p0 =	sne.s32 s2, $0x0  }
0x2bb: {  	s3 =	rddreg [dreg:$0x2];
	[bflag:$0x3] =	sbarrier.arrive $0xFFFF;
	s2 =	simm.s32 @!p0 $0x1C05  }
0x2bc: {  	[timem:s3], [sflag:s2] =	dma.local @!p0 [hbm:s0], s1  }
0x2bd: {  	s0 =	simm.s32 @!p0 $0x5  }
0x2be: {  	_ =	swait.ge @!p0 [sflag:s0], s1  }
0x2bf: {  	s1 =	ssub.s32 @!p0 $0x0, s1;
	[sflag:s0] =	ssyncset.done @!p0 $0x0  }
0x2c0: {  	[sflag:s0] =	ssyncadd.s32 @!p0 s1  }
0x2c1: {  	[bflag:$0x3] =	sbarrier.arrive $0xFFFF  }
0x2c2: {  	_ =	shalt  }

</sc_bundles>
